<compile_context>
chip_gen: v7x
topology: tpu7x:2x2x1
jax: 0.10.2.dev20260603
libtpu: 0.0.44.dev20260713+nightly
codegen_flags: <defaults>
</compile_context>

<pallas_src>
import jax
import jax.numpy as jnp
from jax import lax
from jax.experimental import pallas as pl
from jax.experimental.pallas import tpu as pltpu
from jax.experimental.pallas import tpu_sc as plsc

N = 100000
E = 3200000
T = 10
NTYPES = 3

LANES = 16
NTILES = 16
NCORES = 2
NP = 100096
SL = NP // NTILES
NVREG = SL // LANES
RPT = 784
CR = 56
NCHUNK = RPT // CR
ER = NCORES * NTILES * RPT
EP = ER * 128
CE = CR * 128
ET = RPT * 128
NPAD_SLOTS = NP - N


def _sc_kernel_body(susc_hbm, trans_hbm, betas_hbm, idx1_hbm, src_hbm,
                    dst_hbm,
                    out_hbm, partg_hbm, partp_hbm,
                    trans3, accg, accp,
                    suscb, cumb, invb, zbuf, na, nb, bbuf,
                    e0a, e0b, e1a, e1b, e2a, e2b,
                    sem0, sem1, gsem, ssem, esem0, esem1, xsem):
    cid = lax.axis_index("c")
    tid = lax.axis_index("s")
    s0 = tid * SL
    wid = cid * NTILES + tid
    eb0 = wid * ET
    my_part = cid * NP
    other_part = (1 - cid) * NP

    def cross_core_sync():
        pltpu.semaphore_signal(xsem, 1, core_index=1 - cid)
        pltpu.semaphore_wait(xsem, 1)

    def edge_pass(gidx_hbm, sidx_hbm, table, acc, ld0=None, ld1=None):
        ebufs0 = (e0a, e0b)
        ebufs1 = (e1a, e1b)
        ebufs2 = (e2a, e2b)
        if ld0 is None:
            ld0 = pltpu.async_copy(gidx_hbm.at[pl.ds(eb0, CE)], e0a, sem0)
            ld1 = pltpu.async_copy(sidx_hbm.at[pl.ds(eb0, CE)], e1a, sem1)
        ld0.wait()
        g = pltpu.async_copy(table.at[e0a], e2a, gsem)
        ld1.wait()
        ld0n = ld1n = None
        if NCHUNK > 1:
            rr = eb0 + CE
            ld0n = pltpu.async_copy(gidx_hbm.at[pl.ds(rr, CE)], e0b, sem0)
            ld1n = pltpu.async_copy(sidx_hbm.at[pl.ds(rr, CE)], e1b, sem1)
        for c in range(NCHUNK):
            b = c % 2
            g.wait()
            s = pltpu.async_copy(ebufs2[b], acc.at[ebufs1[b]], ssem,
                                 add=True)
            if c + 1 < NCHUNK:
                ld0n.wait()
                g = pltpu.async_copy(table.at[ebufs0[1 - b]],
                                     ebufs2[1 - b], gsem)
                if c + 2 < NCHUNK:
                    rr = eb0 + (c + 2) * CE
                    ld0n = pltpu.async_copy(gidx_hbm.at[pl.ds(rr, CE)],
                                            ebufs0[b], sem0)
            s.wait()
            if c + 1 < NCHUNK:
                ld1n.wait()
                if c + 2 < NCHUNK:
                    rr = eb0 + (c + 2) * CE
                    ld1n = pltpu.async_copy(sidx_hbm.at[pl.ds(rr, CE)],
                                            ebufs1[b], sem1)

    def zfill(j, _):
        z = jnp.zeros((LANES,), jnp.float32)
        zbuf[pl.ds(j * LANES, LANES)] = z
        cumb[pl.ds(j * LANES, LANES)] = z
        return 0
    lax.fori_loop(0, NVREG, zfill, 0)
    pltpu.sync_copy(susc_hbm.at[pl.ds(s0, SL)], suscb)
    pltpu.sync_copy(zbuf, accg.at[pl.ds(s0, SL)])
    pltpu.sync_copy(betas_hbm, bbuf)

    def ofill(j, _):
        e2a[pl.ds(j * LANES, LANES)] = jnp.ones((LANES,), jnp.float32)
        return 0
    lax.fori_loop(0, CE // LANES, ofill, 0)
    plsc.subcore_barrier()

    d1 = pltpu.async_copy(dst_hbm.at[pl.ds(eb0, CE)], e1a, sem1)
    for c in range(NCHUNK):
        b = c % 2
        d1.wait()
        if c + 1 < NCHUNK:
            d1 = pltpu.async_copy(dst_hbm.at[pl.ds(eb0 + (c + 1) * CE, CE)],
                                  (e1a, e1b)[1 - b], sem1)
        pltpu.sync_copy(e2a, accg.at[(e1a, e1b)[b]], add=True)
    plsc.subcore_barrier()
    pltpu.sync_copy(accg.at[pl.ds(s0, SL)], na)
    pltpu.sync_copy(na, partg_hbm.at[pl.ds(my_part + s0, SL)])
    plsc.subcore_barrier()
    cross_core_sync()
    pltpu.sync_copy(partg_hbm.at[pl.ds(other_part + s0, SL)], nb)

    def invloop(j, _):
        sl = pl.ds(j * LANES, LANES)
        invb[sl] = 1.0 / jnp.maximum(na[sl] + nb[sl], 1.0)
        return 0
    lax.fori_loop(0, NVREG, invloop, 0)
    plsc.subcore_barrier()

    def step(t, _):
        pa0 = pltpu.async_copy(idx1_hbm.at[pl.ds(eb0, CE)], e0a, sem0)
        pa1 = pltpu.async_copy(dst_hbm.at[pl.ds(eb0, CE)], e1a, sem1)

        pltpu.sync_copy(trans_hbm.at[pl.ds(t * NP + s0, SL)], na)
        b0 = bbuf[0]
        b1 = bbuf[1]
        b2 = bbuf[2]
        def e1loop(j, _):
            sl = pl.ds(j * LANES, LANES)
            v = na[sl] + 0.3 * cumb[sl]
            na[sl] = b0 * v
            nb[sl] = b1 * v
            e2a[sl] = b2 * v
            return 0
        lax.fori_loop(0, NVREG, e1loop, 0)
        dz = pltpu.async_copy(zbuf, accg.at[pl.ds(s0, SL)], ssem)
        d0 = pltpu.async_copy(na, trans3.at[pl.ds(s0, SL)], esem0)
        d1 = pltpu.async_copy(nb, trans3.at[pl.ds(NP + s0, SL)], esem1)
        d2 = pltpu.async_copy(e2a.at[pl.ds(0, SL)],
                              trans3.at[pl.ds(2 * NP + s0, SL)], gsem)
        dz.wait()
        d0.wait()
        d1.wait()
        d2.wait()
        plsc.subcore_barrier()

        edge_pass(idx1_hbm, dst_hbm, trans3, accg, pa0, pa1)
        plsc.subcore_barrier()

        pb0 = pltpu.async_copy(dst_hbm.at[pl.ds(eb0, CE)], e0a, sem0)
        pb1 = pltpu.async_copy(src_hbm.at[pl.ds(eb0, CE)], e1a, sem1)

        pltpu.sync_copy(accg.at[pl.ds(s0, SL)], na)
        pltpu.sync_copy(na, partg_hbm.at[pl.ds(my_part + s0, SL)])
        plsc.subcore_barrier()
        cross_core_sync()
        pltpu.sync_copy(partg_hbm.at[pl.ds(other_part + s0, SL)], nb)

        def e2loop(j, _):
            sl = pl.ds(j * LANES, LANES)
            na[sl] = (na[sl] + nb[sl]) * invb[sl]
            return 0
        lax.fori_loop(0, NVREG, e2loop, 0)
        dg = pltpu.async_copy(na, accg.at[pl.ds(s0, SL)], gsem)
        dp = pltpu.async_copy(zbuf, accp.at[pl.ds(s0, SL)], ssem)
        dg.wait()
        dp.wait()
        plsc.subcore_barrier()

        edge_pass(dst_hbm, src_hbm, accg, accp, pb0, pb1)
        plsc.subcore_barrier()

        pltpu.sync_copy(accp.at[pl.ds(s0, SL)], na)
        pltpu.sync_copy(na, partp_hbm.at[pl.ds(my_part + s0, SL)])
        plsc.subcore_barrier()
        cross_core_sync()
        pltpu.sync_copy(partp_hbm.at[pl.ds(other_part + s0, SL)], nb)

        def e3loop(j, _):
            sl = pl.ds(j * LANES, LANES)
            p = (1.0 - jnp.exp(-(na[sl] + nb[sl]))) * suscb[sl]
            nb[sl] = p
            suscb[sl] = suscb[sl] - p
            cumb[sl] = cumb[sl] + p
            return 0
        lax.fori_loop(0, NVREG, e3loop, 0)

        @pl.when(cid == 0)
        def _():
            pltpu.sync_copy(nb, out_hbm.at[pl.ds(t * NP + s0, SL)])
        return 0
    lax.fori_loop(0, T, step, 0)


def kernel(susceptibilities, transmissions, betas, edge_index, edge_type):
    src = edge_index[0]
    dst = edge_index[1]

    susc_p = jnp.pad(susceptibilities, (0, NP - N))
    trans_p = jnp.pad(transmissions, ((0, 0), (0, NP - N)))

    npad = EP - E
    pad_slot = N + (jnp.arange(npad, dtype=jnp.int32) % NPAD_SLOTS)
    src_p = jnp.concatenate([src, pad_slot])
    dst_p = jnp.concatenate([dst, pad_slot])
    type_p = jnp.concatenate([edge_type, jnp.zeros((npad,), jnp.int32)])

    idx1 = src_p + NP * type_p

    betas_rep = jnp.broadcast_to(betas[:, None], (NTYPES, LANES))

    mesh = plsc.VectorSubcoreMesh(
        core_axis_name="c", subcore_axis_name="s", num_cores=NCORES)
    out, _, _ = pl.kernel(
        _sc_kernel_body,
        out_type=(
            jax.ShapeDtypeStruct((T * NP,), jnp.float32),
            jax.ShapeDtypeStruct((NCORES * NP,), jnp.float32),
            jax.ShapeDtypeStruct((NCORES * NP,), jnp.float32),
        ),
        mesh=mesh,
        scratch_types=[
            pltpu.VMEM_SHARED((NTYPES * NP,), jnp.float32),
            pltpu.VMEM_SHARED((NP,), jnp.float32),
            pltpu.VMEM_SHARED((NP,), jnp.float32),
            pltpu.VMEM((SL,), jnp.float32),
            pltpu.VMEM((SL,), jnp.float32),
            pltpu.VMEM((SL,), jnp.float32),
            pltpu.VMEM((SL,), jnp.float32),
            pltpu.VMEM((SL,), jnp.float32),
            pltpu.VMEM((SL,), jnp.float32),
            pltpu.VMEM((NTYPES, LANES), jnp.float32),
            pltpu.VMEM((CE,), jnp.int32),
            pltpu.VMEM((CE,), jnp.int32),
            pltpu.VMEM((CE,), jnp.int32),
            pltpu.VMEM((CE,), jnp.int32),
            pltpu.VMEM((CE,), jnp.float32),
            pltpu.VMEM((CE,), jnp.float32),
            pltpu.SemaphoreType.DMA,
            pltpu.SemaphoreType.DMA,
            pltpu.SemaphoreType.DMA,
            pltpu.SemaphoreType.DMA,
            pltpu.SemaphoreType.DMA,
            pltpu.SemaphoreType.DMA,
            pltpu.SemaphoreType.REGULAR,
        ],
    )(susc_p, trans_p.reshape(-1), betas_rep, idx1, src_p, dst_p)
    return out.reshape(T, NP)[:, :N]

# --- scband reference (transcript-rebuilt; emitter-appended) ---
"""Pipeline reference for scband-torch-june-5712306503680 (READ-ONLY COPY).

The authoritative reference and input builder live on the scoring server;
editing this copy changes nothing except your own understanding.
"""

import jax, jax.numpy as jnp
import numpy as np

N = 100000      # agents
E = 3200000     # person-group membership edges (avg_degree 32)
T = 10          # simulated timesteps (timer loop)
NTYPES = 3      # activities: household, company, school
DELTA_TIME = 1.0


def setup_inputs(seed: int = 0) -> dict:
    key = jax.random.key(seed)
    k1, k2, k3, k4 = jax.random.split(key, 4)
    susceptibilities = jax.random.uniform(k1, (N,), dtype=jnp.float32)
    # precomputed infectiousness profile per agent per timestep (infections.get_transmissions)
    transmissions = jax.random.uniform(k2, (T, N), dtype=jnp.float32)
    # edge_index[0] = person id (src), edge_index[1] = group id (dst)
    edge_index = jax.random.randint(k3, (2, E), 0, N, dtype=jnp.int32)
    # which activity (beta) each edge belongs to
    edge_type = jax.random.randint(k4, (E,), 0, NTYPES, dtype=jnp.int32)
    # learned beta parameters, one per activity edge type
    betas = jnp.array([0.4, 0.3, 0.2], dtype=jnp.float32)
    return {
        "susceptibilities": susceptibilities,
        "transmissions": transmissions,
        "betas": betas,
        "edge_index": edge_index,
        "edge_type": edge_type,
    }


def reference(susceptibilities, transmissions, betas, edge_index, edge_type):
    src = edge_index[0]
    dst = edge_index[1]
    beta_e = jnp.take(betas, edge_type)  # per-edge beta by activity type
    ones = jnp.ones((E,), dtype=jnp.float32)
    people_per_group = jax.ops.segment_sum(ones, dst, num_segments=N)
    inv_ppg = 1.0 / jnp.clip(people_per_group, 1.0)

    def step(carry, trans_t):
        susc, cum_inf = carry
        # infections.update: newly infected agents also transmit
        trans = trans_t + 0.3 * cum_inf
        # InfectionPassing: people -> groups (scatter-add of beta-weighted transmissions)
        group_msg = jax.ops.segment_sum(beta_e * jnp.take(trans, src), dst, num_segments=N)
        # groups -> people (gather group contact intensity, scatter-add back per person)
        person_exp = jax.ops.segment_sum(
            jnp.take(group_msg, dst) * jnp.take(inv_ppg, dst), src, num_segments=N
        )
        not_infected_prob = jnp.exp(-DELTA_TIME * person_exp)
        infection_probs = (1.0 - not_infected_prob) * susc
        # sample_infected: differentiable expected-value relaxation
        new_infected = infection_probs
        new_susc = susc - new_infected
        return (new_susc, cum_inf + new_infected), new_infected

    init = (susceptibilities, jnp.zeros_like(susceptibilities))
    (_, _), new_infected_seq = jax.lax.scan(step, init, transmissions)
    return new_infected_seq  # [T, N], vstacked new_infected per timestep

if __name__ == "__main__":
    import jax
    _d = setup_inputs()
    print(jax.jit(kernel)(*tuple(_d.values())))

</pallas_src>

<mosaic_0001>
#map = affine_map<(d0, d1) -> (0)>
#map1 = affine_map<(d0, d1) -> (0, 0)>
module attributes {stable_mosaic.version = 14 : i64} {
  func.func @_sc_kernel_body(%arg0: i32, %arg1: i32, %arg2: memref<100096xf32, #tpu.memory_space<hbm>>, %arg3: memref<1000960xf32, #tpu.memory_space<hbm>>, %arg4: memref<3x16xf32, #tpu.memory_space<hbm>>, %arg5: memref<3211264xi32, #tpu.memory_space<hbm>>, %arg6: memref<3211264xi32, #tpu.memory_space<hbm>>, %arg7: memref<3211264xi32, #tpu.memory_space<hbm>>, %arg8: memref<1000960xf32, #tpu.memory_space<hbm>>, %arg9: memref<200192xf32, #tpu.memory_space<hbm>>, %arg10: memref<200192xf32, #tpu.memory_space<hbm>>, %arg11: memref<300288xf32, #tpu.memory_space<vmem_shared>>, %arg12: memref<100096xf32, #tpu.memory_space<vmem_shared>>, %arg13: memref<100096xf32, #tpu.memory_space<vmem_shared>>, %arg14: memref<6256xf32, #tpu.memory_space<vmem>>, %arg15: memref<6256xf32, #tpu.memory_space<vmem>>, %arg16: memref<6256xf32, #tpu.memory_space<vmem>>, %arg17: memref<6256xf32, #tpu.memory_space<vmem>>, %arg18: memref<6256xf32, #tpu.memory_space<vmem>>, %arg19: memref<6256xf32, #tpu.memory_space<vmem>>, %arg20: memref<3x16xf32, #tpu.memory_space<vmem>>, %arg21: memref<7168xi32, #tpu.memory_space<vmem>>, %arg22: memref<7168xi32, #tpu.memory_space<vmem>>, %arg23: memref<7168xi32, #tpu.memory_space<vmem>>, %arg24: memref<7168xi32, #tpu.memory_space<vmem>>, %arg25: memref<7168xf32, #tpu.memory_space<vmem>>, %arg26: memref<7168xf32, #tpu.memory_space<vmem>>, %arg27: memref<!tpu.dma_semaphore, #tpu.memory_space<semaphore_mem>>, %arg28: memref<!tpu.dma_semaphore, #tpu.memory_space<semaphore_mem>>, %arg29: memref<!tpu.dma_semaphore, #tpu.memory_space<semaphore_mem>>, %arg30: memref<!tpu.dma_semaphore, #tpu.memory_space<semaphore_mem>>, %arg31: memref<!tpu.dma_semaphore, #tpu.memory_space<semaphore_mem>>, %arg32: memref<!tpu.dma_semaphore, #tpu.memory_space<semaphore_mem>>, %arg33: memref<!tpu.semaphore, #tpu.memory_space<semaphore_mem>>) attributes {dimension_semantics = [#tpu.dimension_semantics<core_parallel>, #tpu.dimension_semantics<subcore_parallel>], iteration_bounds = array<i64: 2, 16>, scalar_prefetch = 0 : i64, scratch_operands = 23 : i64, tpu.core_type = #tpu.core_type<sc_vector_subcore>, window_params = [{transform_indices = #map}, {transform_indices = #map}, {transform_indices = #map1}, {transform_indices = #map}, {transform_indices = #map}, {transform_indices = #map}, {transform_indices = #map}, {transform_indices = #map}, {transform_indices = #map}]} {
    %mul3A = arith.constant 6256 : i32
    %mul3A_0 = arith.muli %arg1, %mul3A : i32
    %mul3A_1 = arith.constant 16 : i32
    %mul3A_2 = arith.muli %arg0, %mul3A_1 : i32
    %add3A = arith.addi %mul3A_2, %arg1 : i32
    %mul3A_3 = arith.constant 100352 : i32
    %mul3A_4 = arith.muli %add3A, %mul3A_3 : i32
    %mul3A_5 = arith.constant 100096 : i32
    %mul3A_6 = arith.muli %arg0, %mul3A_5 : i32
    %sub3A = arith.constant 1 : i32
    %sub3A_7 = arith.subi %sub3A, %arg0 : i32
    %mul3A_8 = arith.constant 100096 : i32
    %mul3A_9 = arith.muli %sub3A_7, %mul3A_8 : i32
    %scan3A = arith.constant 0 : i32
    %scan3A_10 = arith.constant 0 : i32
    %scan3A_11 = arith.constant 391 : i32
    %scan3A_12 = arith.addi %scan3A_10, %scan3A_11 : i32
    %scan3A_13 = arith.constant 1 : i32
    %scan3A_14 = scf.for %scan3A_125 = %scan3A_10 to %scan3A_12 step %scan3A_13 iter_args(%scan3A_126 = %scan3A) -> (i32)  : i32 {
      %broadcast_in_dim3A = arith.constant 0.000000e+00 : f32
      %broadcast_in_dim3A_127 = vector.broadcast %broadcast_in_dim3A : f32 to vector<16xf32>
      %mul3A_128 = arith.constant 16 : i32
      %mul3A_129 = arith.muli %scan3A_125, %mul3A_128 : i32
      %swap3A = arith.index_cast %mul3A_129 : i32 to index
      %swap3A_130 = tpu.vector_load %arg17[%swap3A] {strides = array<i32>} : memref<6256xf32, #tpu.memory_space<vmem>>, vector<16xf32>,
      %swap3A_131 = vector.shape_cast %swap3A_130 : vector<16xf32> to vector<16xf32>
      %swap3A_132 = vector.shape_cast %broadcast_in_dim3A_127 : vector<16xf32> to vector<16xf32>
      tpu.vector_store %arg17[%swap3A], %swap3A_132 {strides = array<i32>} : memref<6256xf32, #tpu.memory_space<vmem>>, vector<16xf32>,
      %mul3A_133 = arith.constant 16 : i32
      %mul3A_134 = arith.muli %scan3A_125, %mul3A_133 : i32
      %swap3A_135 = arith.index_cast %mul3A_134 : i32 to index
      %swap3A_136 = tpu.vector_load %arg15[%swap3A_135] {strides = array<i32>} : memref<6256xf32, #tpu.memory_space<vmem>>, vector<16xf32>,
      %swap3A_137 = vector.shape_cast %swap3A_136 : vector<16xf32> to vector<16xf32>
      %swap3A_138 = vector.shape_cast %broadcast_in_dim3A_127 : vector<16xf32> to vector<16xf32>
      tpu.vector_store %arg15[%swap3A_135], %swap3A_138 {strides = array<i32>} : memref<6256xf32, #tpu.memory_space<vmem>>, vector<16xf32>,
      %scan3A_139 = arith.constant 0 : i32
      scf.yield %scan3A_139 : i32
    }
    %scan3A_15 = arith.constant 391 : i32
    "tpu.region"() ({
      %run_scoped3A = tpu.sem_alloc : memref<!tpu.dma_semaphore, #tpu.memory_space<semaphore_mem>>
      %dma_start3A_125 = tpu.memref_slice %arg2[%mul3A_0] : memref<100096xf32, #tpu.memory_space<hbm>> -> memref<6256xf32, #tpu.memory_space<hbm>>
      %dma_start3A_126 = tpu.memref_slice %arg2[%mul3A_0] : memref<100096xf32, #tpu.memory_space<hbm>> -> memref<6256xf32, #tpu.memory_space<hbm>>
      tpu.enqueue_dma source(%dma_start3A_126 : memref<6256xf32, #tpu.memory_space<hbm>>) target(%arg14 : memref<6256xf32, #tpu.memory_space<vmem>>) target_semaphore(%run_scoped3A : memref<!tpu.dma_semaphore, #tpu.memory_space<semaphore_mem>>)
      %dma_wait3A_127 = tpu.memref_slice %arg2[%mul3A_0] : memref<100096xf32, #tpu.memory_space<hbm>> -> memref<6256xf32, #tpu.memory_space<hbm>>
      %dma_wait3A_128 = tpu.memref_slice %arg2[%mul3A_0] : memref<100096xf32, #tpu.memory_space<hbm>> -> memref<6256xf32, #tpu.memory_space<hbm>>
      tpu.wait_dma2 semaphore(%run_scoped3A : memref<!tpu.dma_semaphore, #tpu.memory_space<semaphore_mem>>) src(%dma_wait3A_128 : memref<6256xf32, #tpu.memory_space<hbm>>) dst(%arg14 : memref<6256xf32, #tpu.memory_space<vmem>>)
      tpu.yield
    }) : () -> ()
    "tpu.region"() ({
      %run_scoped3A = tpu.sem_alloc : memref<!tpu.dma_semaphore, #tpu.memory_space<semaphore_mem>>
      %dma_start3A_125 = tpu.memref_slice %arg12[%mul3A_0] : memref<100096xf32, #tpu.memory_space<vmem_shared>> -> memref<6256xf32, #tpu.memory_space<vmem_shared>>
      %dma_start3A_126 = tpu.memref_slice %arg12[%mul3A_0] : memref<100096xf32, #tpu.memory_space<vmem_shared>> -> memref<6256xf32, #tpu.memory_space<vmem_shared>>
      tpu.enqueue_dma source(%arg17 : memref<6256xf32, #tpu.memory_space<vmem>>) target(%dma_start3A_126 : memref<6256xf32, #tpu.memory_space<vmem_shared>>) target_semaphore(%run_scoped3A : memref<!tpu.dma_semaphore, #tpu.memory_space<semaphore_mem>>)
      %dma_wait3A_127 = tpu.memref_slice %arg12[%mul3A_0] : memref<100096xf32, #tpu.memory_space<vmem_shared>> -> memref<6256xf32, #tpu.memory_space<vmem_shared>>
      %dma_wait3A_128 = tpu.memref_slice %arg12[%mul3A_0] : memref<100096xf32, #tpu.memory_space<vmem_shared>> -> memref<6256xf32, #tpu.memory_space<vmem_shared>>
      tpu.wait_dma2 semaphore(%run_scoped3A : memref<!tpu.dma_semaphore, #tpu.memory_space<semaphore_mem>>) src(%arg17 : memref<6256xf32, #tpu.memory_space<vmem>>) dst(%dma_wait3A_128 : memref<6256xf32, #tpu.memory_space<vmem_shared>>)
      tpu.yield
    }) : () -> ()
    "tpu.region"() ({
      %run_scoped3A = tpu.sem_alloc : memref<!tpu.dma_semaphore, #tpu.memory_space<semaphore_mem>>
      tpu.enqueue_dma source(%arg4 : memref<3x16xf32, #tpu.memory_space<hbm>>) target(%arg20 : memref<3x16xf32, #tpu.memory_space<vmem>>) target_semaphore(%run_scoped3A : memref<!tpu.dma_semaphore, #tpu.memory_space<semaphore_mem>>)
      tpu.wait_dma2 semaphore(%run_scoped3A : memref<!tpu.dma_semaphore, #tpu.memory_space<semaphore_mem>>) src(%arg4 : memref<3x16xf32, #tpu.memory_space<hbm>>) dst(%arg20 : memref<3x16xf32, #tpu.memory_space<vmem>>)
      tpu.yield
    }) : () -> ()
    %scan3A_16 = arith.constant 0 : i32
    %scan3A_17 = arith.constant 0 : i32
    %scan3A_18 = arith.constant 448 : i32
    %scan3A_19 = arith.addi %scan3A_17, %scan3A_18 : i32
    %scan3A_20 = arith.constant 1 : i32
    %scan3A_21 = scf.for %scan3A_125 = %scan3A_17 to %scan3A_19 step %scan3A_20 iter_args(%scan3A_126 = %scan3A_16) -> (i32)  : i32 {
      %broadcast_in_dim3A = arith.constant 1.000000e+00 : f32
      %broadcast_in_dim3A_127 = vector.broadcast %broadcast_in_dim3A : f32 to vector<16xf32>
      %mul3A_128 = arith.constant 16 : i32
      %mul3A_129 = arith.muli %scan3A_125, %mul3A_128 : i32
      %swap3A = arith.index_cast %mul3A_129 : i32 to index
      %swap3A_130 = tpu.vector_load %arg25[%swap3A] {strides = array<i32>} : memref<7168xf32, #tpu.memory_space<vmem>>, vector<16xf32>,
      %swap3A_131 = vector.shape_cast %swap3A_130 : vector<16xf32> to vector<16xf32>
      %swap3A_132 = vector.shape_cast %broadcast_in_dim3A_127 : vector<16xf32> to vector<16xf32>
      tpu.vector_store %arg25[%swap3A], %swap3A_132 {strides = array<i32>} : memref<7168xf32, #tpu.memory_space<vmem>>, vector<16xf32>,
      %scan3A_133 = arith.constant 0 : i32
      scf.yield %scan3A_133 : i32
    }
    %scan3A_22 = arith.constant 448 : i32
    %barrier3A = arith.constant 0 : index
    tpu.barrier barrier_id(%barrier3A)
    %dma_start3A = tpu.memref_slice %arg7[%mul3A_4] : memref<3211264xi32, #tpu.memory_space<hbm>> -> memref<7168xi32, #tpu.memory_space<hbm>>
    %dma_start3A_23 = tpu.memref_slice %arg7[%mul3A_4] : memref<3211264xi32, #tpu.memory_space<hbm>> -> memref<7168xi32, #tpu.memory_space<hbm>>
    tpu.enqueue_dma source(%dma_start3A_23 : memref<7168xi32, #tpu.memory_space<hbm>>) target(%arg23 : memref<7168xi32, #tpu.memory_space<vmem>>) target_semaphore(%arg28 : memref<!tpu.dma_semaphore, #tpu.memory_space<semaphore_mem>>)
    %dma_wait3A = tpu.memref_slice %arg7[%mul3A_4] : memref<3211264xi32, #tpu.memory_space<hbm>> -> memref<7168xi32, #tpu.memory_space<hbm>>
    %dma_wait3A_24 = tpu.memref_slice %arg7[%mul3A_4] : memref<3211264xi32, #tpu.memory_space<hbm>> -> memref<7168xi32, #tpu.memory_space<hbm>>
    tpu.wait_dma2 semaphore(%arg28 : memref<!tpu.dma_semaphore, #tpu.memory_space<semaphore_mem>>) src(%dma_wait3A_24 : memref<7168xi32, #tpu.memory_space<hbm>>) dst(%arg23 : memref<7168xi32, #tpu.memory_space<vmem>>)
    %add3A_25 = arith.constant 7168 : i32
    %add3A_26 = arith.addi %mul3A_4, %add3A_25 : i32
    %dma_start3A_27 = tpu.memref_slice %arg7[%add3A_26] : memref<3211264xi32, #tpu.memory_space<hbm>> -> memref<7168xi32, #tpu.memory_space<hbm>>
    %dma_start3A_28 = tpu.memref_slice %arg7[%add3A_26] : memref<3211264xi32, #tpu.memory_space<hbm>> -> memref<7168xi32, #tpu.memory_space<hbm>>
    tpu.enqueue_dma source(%dma_start3A_28 : memref<7168xi32, #tpu.memory_space<hbm>>) target(%arg24 : memref<7168xi32, #tpu.memory_space<vmem>>) target_semaphore(%arg28 : memref<!tpu.dma_semaphore, #tpu.memory_space<semaphore_mem>>)
    "tpu.region"() ({
      %run_scoped3A = tpu.sem_alloc : memref<!tpu.dma_semaphore, #tpu.memory_space<semaphore_mem>>
      %dma_start3A_125 = arith.constant 0 : i32
      %dma_start3A_126 = tpu.memref_slice %arg12[%dma_start3A_125] : memref<100096xf32, #tpu.memory_space<vmem_shared>> -> memref<100096xf32, #tpu.memory_space<vmem_shared>>
      tpu.enqueue_indirect_dma source(%arg25 : memref<7168xf32, #tpu.memory_space<vmem>>) target(%dma_start3A_126 : memref<100096xf32, #tpu.memory_space<vmem_shared>>) offsets(%arg23 : memref<7168xi32, #tpu.memory_space<vmem>>) semaphore(%run_scoped3A : memref<!tpu.dma_semaphore, #tpu.memory_space<semaphore_mem>>) {add = true}
      %dma_wait3A_127 = arith.constant 0 : i32
      %dma_wait3A_128 = tpu.memref_slice %arg12[%dma_wait3A_127] : memref<100096xf32, #tpu.memory_space<vmem_shared>> -> memref<100096xf32, #tpu.memory_space<vmem_shared>>
      tpu.wait_indirect_dma semaphore(%run_scoped3A : memref<!tpu.dma_semaphore, #tpu.memory_space<semaphore_mem>>) src(%arg25 : memref<7168xf32, #tpu.memory_space<vmem>>) dst(%dma_wait3A_128 : memref<100096xf32, #tpu.memory_space<vmem_shared>>)
      tpu.yield
    }) : () -> ()
    %dma_wait3A_29 = tpu.memref_slice %arg7[%add3A_26] : memref<3211264xi32, #tpu.memory_space<hbm>> -> memref<7168xi32, #tpu.memory_space<hbm>>
    %dma_wait3A_30 = tpu.memref_slice %arg7[%add3A_26] : memref<3211264xi32, #tpu.memory_space<hbm>> -> memref<7168xi32, #tpu.memory_space<hbm>>
    tpu.wait_dma2 semaphore(%arg28 : memref<!tpu.dma_semaphore, #tpu.memory_space<semaphore_mem>>) src(%dma_wait3A_30 : memref<7168xi32, #tpu.memory_space<hbm>>) dst(%arg24 : memref<7168xi32, #tpu.memory_space<vmem>>)
    %add3A_31 = arith.constant 14336 : i32
    %add3A_32 = arith.addi %mul3A_4, %add3A_31 : i32
    %dma_start3A_33 = tpu.memref_slice %arg7[%add3A_32] : memref<3211264xi32, #tpu.memory_space<hbm>> -> memref<7168xi32, #tpu.memory_space<hbm>>
    %dma_start3A_34 = tpu.memref_slice %arg7[%add3A_32] : memref<3211264xi32, #tpu.memory_space<hbm>> -> memref<7168xi32, #tpu.memory_space<hbm>>
    tpu.enqueue_dma source(%dma_start3A_34 : memref<7168xi32, #tpu.memory_space<hbm>>) target(%arg23 : memref<7168xi32, #tpu.memory_space<vmem>>) target_semaphore(%arg28 : memref<!tpu.dma_semaphore, #tpu.memory_space<semaphore_mem>>)
    "tpu.region"() ({
      %run_scoped3A = tpu.sem_alloc : memref<!tpu.dma_semaphore, #tpu.memory_space<semaphore_mem>>
      %dma_start3A_125 = arith.constant 0 : i32
      %dma_start3A_126 = tpu.memref_slice %arg12[%dma_start3A_125] : memref<100096xf32, #tpu.memory_space<vmem_shared>> -> memref<100096xf32, #tpu.memory_space<vmem_shared>>
      tpu.enqueue_indirect_dma source(%arg25 : memref<7168xf32, #tpu.memory_space<vmem>>) target(%dma_start3A_126 : memref<100096xf32, #tpu.memory_space<vmem_shared>>) offsets(%arg24 : memref<7168xi32, #tpu.memory_space<vmem>>) semaphore(%run_scoped3A : memref<!tpu.dma_semaphore, #tpu.memory_space<semaphore_mem>>) {add = true}
      %dma_wait3A_127 = arith.constant 0 : i32
      %dma_wait3A_128 = tpu.memref_slice %arg12[%dma_wait3A_127] : memref<100096xf32, #tpu.memory_space<vmem_shared>> -> memref<100096xf32, #tpu.memory_space<vmem_shared>>
      tpu.wait_indirect_dma semaphore(%run_scoped3A : memref<!tpu.dma_semaphore, #tpu.memory_space<semaphore_mem>>) src(%arg25 : memref<7168xf32, #tpu.memory_space<vmem>>) dst(%dma_wait3A_128 : memref<100096xf32, #tpu.memory_space<vmem_shared>>)
      tpu.yield
    }) : () -> ()
    %dma_wait3A_35 = tpu.memref_slice %arg7[%add3A_32] : memref<3211264xi32, #tpu.memory_space<hbm>> -> memref<7168xi32, #tpu.memory_space<hbm>>
    %dma_wait3A_36 = tpu.memref_slice %arg7[%add3A_32] : memref<3211264xi32, #tpu.memory_space<hbm>> -> memref<7168xi32, #tpu.memory_space<hbm>>
    tpu.wait_dma2 semaphore(%arg28 : memref<!tpu.dma_semaphore, #tpu.memory_space<semaphore_mem>>) src(%dma_wait3A_36 : memref<7168xi32, #tpu.memory_space<hbm>>) dst(%arg23 : memref<7168xi32, #tpu.memory_space<vmem>>)
    %add3A_37 = arith.constant 21504 : i32
    %add3A_38 = arith.addi %mul3A_4, %add3A_37 : i32
    %dma_start3A_39 = tpu.memref_slice %arg7[%add3A_38] : memref<3211264xi32, #tpu.memory_space<hbm>> -> memref<7168xi32, #tpu.memory_space<hbm>>
    %dma_start3A_40 = tpu.memref_slice %arg7[%add3A_38] : memref<3211264xi32, #tpu.memory_space<hbm>> -> memref<7168xi32, #tpu.memory_space<hbm>>
    tpu.enqueue_dma source(%dma_start3A_40 : memref<7168xi32, #tpu.memory_space<hbm>>) target(%arg24 : memref<7168xi32, #tpu.memory_space<vmem>>) target_semaphore(%arg28 : memref<!tpu.dma_semaphore, #tpu.memory_space<semaphore_mem>>)
    "tpu.region"() ({
      %run_scoped3A = tpu.sem_alloc : memref<!tpu.dma_semaphore, #tpu.memory_space<semaphore_mem>>
      %dma_start3A_125 = arith.constant 0 : i32
      %dma_start3A_126 = tpu.memref_slice %arg12[%dma_start3A_125] : memref<100096xf32, #tpu.memory_space<vmem_shared>> -> memref<100096xf32, #tpu.memory_space<vmem_shared>>
      tpu.enqueue_indirect_dma source(%arg25 : memref<7168xf32, #tpu.memory_space<vmem>>) target(%dma_start3A_126 : memref<100096xf32, #tpu.memory_space<vmem_shared>>) offsets(%arg23 : memref<7168xi32, #tpu.memory_space<vmem>>) semaphore(%run_scoped3A : memref<!tpu.dma_semaphore, #tpu.memory_space<semaphore_mem>>) {add = true}
      %dma_wait3A_127 = arith.constant 0 : i32
      %dma_wait3A_128 = tpu.memref_slice %arg12[%dma_wait3A_127] : memref<100096xf32, #tpu.memory_space<vmem_shared>> -> memref<100096xf32, #tpu.memory_space<vmem_shared>>
      tpu.wait_indirect_dma semaphore(%run_scoped3A : memref<!tpu.dma_semaphore, #tpu.memory_space<semaphore_mem>>) src(%arg25 : memref<7168xf32, #tpu.memory_space<vmem>>) dst(%dma_wait3A_128 : memref<100096xf32, #tpu.memory_space<vmem_shared>>)
      tpu.yield
    }) : () -> ()
    %dma_wait3A_41 = tpu.memref_slice %arg7[%add3A_38] : memref<3211264xi32, #tpu.memory_space<hbm>> -> memref<7168xi32, #tpu.memory_space<hbm>>
    %dma_wait3A_42 = tpu.memref_slice %arg7[%add3A_38] : memref<3211264xi32, #tpu.memory_space<hbm>> -> memref<7168xi32, #tpu.memory_space<hbm>>
    tpu.wait_dma2 semaphore(%arg28 : memref<!tpu.dma_semaphore, #tpu.memory_space<semaphore_mem>>) src(%dma_wait3A_42 : memref<7168xi32, #tpu.memory_space<hbm>>) dst(%arg24 : memref<7168xi32, #tpu.memory_space<vmem>>)
    %add3A_43 = arith.constant 28672 : i32
    %add3A_44 = arith.addi %mul3A_4, %add3A_43 : i32
    %dma_start3A_45 = tpu.memref_slice %arg7[%add3A_44] : memref<3211264xi32, #tpu.memory_space<hbm>> -> memref<7168xi32, #tpu.memory_space<hbm>>
    %dma_start3A_46 = tpu.memref_slice %arg7[%add3A_44] : memref<3211264xi32, #tpu.memory_space<hbm>> -> memref<7168xi32, #tpu.memory_space<hbm>>
    tpu.enqueue_dma source(%dma_start3A_46 : memref<7168xi32, #tpu.memory_space<hbm>>) target(%arg23 : memref<7168xi32, #tpu.memory_space<vmem>>) target_semaphore(%arg28 : memref<!tpu.dma_semaphore, #tpu.memory_space<semaphore_mem>>)
    "tpu.region"() ({
      %run_scoped3A = tpu.sem_alloc : memref<!tpu.dma_semaphore, #tpu.memory_space<semaphore_mem>>
      %dma_start3A_125 = arith.constant 0 : i32
      %dma_start3A_126 = tpu.memref_slice %arg12[%dma_start3A_125] : memref<100096xf32, #tpu.memory_space<vmem_shared>> -> memref<100096xf32, #tpu.memory_space<vmem_shared>>
      tpu.enqueue_indirect_dma source(%arg25 : memref<7168xf32, #tpu.memory_space<vmem>>) target(%dma_start3A_126 : memref<100096xf32, #tpu.memory_space<vmem_shared>>) offsets(%arg24 : memref<7168xi32, #tpu.memory_space<vmem>>) semaphore(%run_scoped3A : memref<!tpu.dma_semaphore, #tpu.memory_space<semaphore_mem>>) {add = true}
      %dma_wait3A_127 = arith.constant 0 : i32
      %dma_wait3A_128 = tpu.memref_slice %arg12[%dma_wait3A_127] : memref<100096xf32, #tpu.memory_space<vmem_shared>> -> memref<100096xf32, #tpu.memory_space<vmem_shared>>
      tpu.wait_indirect_dma semaphore(%run_scoped3A : memref<!tpu.dma_semaphore, #tpu.memory_space<semaphore_mem>>) src(%arg25 : memref<7168xf32, #tpu.memory_space<vmem>>) dst(%dma_wait3A_128 : memref<100096xf32, #tpu.memory_space<vmem_shared>>)
      tpu.yield
    }) : () -> ()
    %dma_wait3A_47 = tpu.memref_slice %arg7[%add3A_44] : memref<3211264xi32, #tpu.memory_space<hbm>> -> memref<7168xi32, #tpu.memory_space<hbm>>
    %dma_wait3A_48 = tpu.memref_slice %arg7[%add3A_44] : memref<3211264xi32, #tpu.memory_space<hbm>> -> memref<7168xi32, #tpu.memory_space<hbm>>
    tpu.wait_dma2 semaphore(%arg28 : memref<!tpu.dma_semaphore, #tpu.memory_space<semaphore_mem>>) src(%dma_wait3A_48 : memref<7168xi32, #tpu.memory_space<hbm>>) dst(%arg23 : memref<7168xi32, #tpu.memory_space<vmem>>)
    %add3A_49 = arith.constant 35840 : i32
    %add3A_50 = arith.addi %mul3A_4, %add3A_49 : i32
    %dma_start3A_51 = tpu.memref_slice %arg7[%add3A_50] : memref<3211264xi32, #tpu.memory_space<hbm>> -> memref<7168xi32, #tpu.memory_space<hbm>>
    %dma_start3A_52 = tpu.memref_slice %arg7[%add3A_50] : memref<3211264xi32, #tpu.memory_space<hbm>> -> memref<7168xi32, #tpu.memory_space<hbm>>
    tpu.enqueue_dma source(%dma_start3A_52 : memref<7168xi32, #tpu.memory_space<hbm>>) target(%arg24 : memref<7168xi32, #tpu.memory_space<vmem>>) target_semaphore(%arg28 : memref<!tpu.dma_semaphore, #tpu.memory_space<semaphore_mem>>)
    "tpu.region"() ({
      %run_scoped3A = tpu.sem_alloc : memref<!tpu.dma_semaphore, #tpu.memory_space<semaphore_mem>>
      %dma_start3A_125 = arith.constant 0 : i32
      %dma_start3A_126 = tpu.memref_slice %arg12[%dma_start3A_125] : memref<100096xf32, #tpu.memory_space<vmem_shared>> -> memref<100096xf32, #tpu.memory_space<vmem_shared>>
      tpu.enqueue_indirect_dma source(%arg25 : memref<7168xf32, #tpu.memory_space<vmem>>) target(%dma_start3A_126 : memref<100096xf32, #tpu.memory_space<vmem_shared>>) offsets(%arg23 : memref<7168xi32, #tpu.memory_space<vmem>>) semaphore(%run_scoped3A : memref<!tpu.dma_semaphore, #tpu.memory_space<semaphore_mem>>) {add = true}
      %dma_wait3A_127 = arith.constant 0 : i32
      %dma_wait3A_128 = tpu.memref_slice %arg12[%dma_wait3A_127] : memref<100096xf32, #tpu.memory_space<vmem_shared>> -> memref<100096xf32, #tpu.memory_space<vmem_shared>>
      tpu.wait_indirect_dma semaphore(%run_scoped3A : memref<!tpu.dma_semaphore, #tpu.memory_space<semaphore_mem>>) src(%arg25 : memref<7168xf32, #tpu.memory_space<vmem>>) dst(%dma_wait3A_128 : memref<100096xf32, #tpu.memory_space<vmem_shared>>)
      tpu.yield
    }) : () -> ()
    %dma_wait3A_53 = tpu.memref_slice %arg7[%add3A_50] : memref<3211264xi32, #tpu.memory_space<hbm>> -> memref<7168xi32, #tpu.memory_space<hbm>>
    %dma_wait3A_54 = tpu.memref_slice %arg7[%add3A_50] : memref<3211264xi32, #tpu.memory_space<hbm>> -> memref<7168xi32, #tpu.memory_space<hbm>>
    tpu.wait_dma2 semaphore(%arg28 : memref<!tpu.dma_semaphore, #tpu.memory_space<semaphore_mem>>) src(%dma_wait3A_54 : memref<7168xi32, #tpu.memory_space<hbm>>) dst(%arg24 : memref<7168xi32, #tpu.memory_space<vmem>>)
    %add3A_55 = arith.constant 43008 : i32
    %add3A_56 = arith.addi %mul3A_4, %add3A_55 : i32
    %dma_start3A_57 = tpu.memref_slice %arg7[%add3A_56] : memref<3211264xi32, #tpu.memory_space<hbm>> -> memref<7168xi32, #tpu.memory_space<hbm>>
    %dma_start3A_58 = tpu.memref_slice %arg7[%add3A_56] : memref<3211264xi32, #tpu.memory_space<hbm>> -> memref<7168xi32, #tpu.memory_space<hbm>>
    tpu.enqueue_dma source(%dma_start3A_58 : memref<7168xi32, #tpu.memory_space<hbm>>) target(%arg23 : memref<7168xi32, #tpu.memory_space<vmem>>) target_semaphore(%arg28 : memref<!tpu.dma_semaphore, #tpu.memory_space<semaphore_mem>>)
    "tpu.region"() ({
      %run_scoped3A = tpu.sem_alloc : memref<!tpu.dma_semaphore, #tpu.memory_space<semaphore_mem>>
      %dma_start3A_125 = arith.constant 0 : i32
      %dma_start3A_126 = tpu.memref_slice %arg12[%dma_start3A_125] : memref<100096xf32, #tpu.memory_space<vmem_shared>> -> memref<100096xf32, #tpu.memory_space<vmem_shared>>
      tpu.enqueue_indirect_dma source(%arg25 : memref<7168xf32, #tpu.memory_space<vmem>>) target(%dma_start3A_126 : memref<100096xf32, #tpu.memory_space<vmem_shared>>) offsets(%arg24 : memref<7168xi32, #tpu.memory_space<vmem>>) semaphore(%run_scoped3A : memref<!tpu.dma_semaphore, #tpu.memory_space<semaphore_mem>>) {add = true}
      %dma_wait3A_127 = arith.constant 0 : i32
      %dma_wait3A_128 = tpu.memref_slice %arg12[%dma_wait3A_127] : memref<100096xf32, #tpu.memory_space<vmem_shared>> -> memref<100096xf32, #tpu.memory_space<vmem_shared>>
      tpu.wait_indirect_dma semaphore(%run_scoped3A : memref<!tpu.dma_semaphore, #tpu.memory_space<semaphore_mem>>) src(%arg25 : memref<7168xf32, #tpu.memory_space<vmem>>) dst(%dma_wait3A_128 : memref<100096xf32, #tpu.memory_space<vmem_shared>>)
      tpu.yield
    }) : () -> ()
    %dma_wait3A_59 = tpu.memref_slice %arg7[%add3A_56] : memref<3211264xi32, #tpu.memory_space<hbm>> -> memref<7168xi32, #tpu.memory_space<hbm>>
    %dma_wait3A_60 = tpu.memref_slice %arg7[%add3A_56] : memref<3211264xi32, #tpu.memory_space<hbm>> -> memref<7168xi32, #tpu.memory_space<hbm>>
    tpu.wait_dma2 semaphore(%arg28 : memref<!tpu.dma_semaphore, #tpu.memory_space<semaphore_mem>>) src(%dma_wait3A_60 : memref<7168xi32, #tpu.memory_space<hbm>>) dst(%arg23 : memref<7168xi32, #tpu.memory_space<vmem>>)
    %add3A_61 = arith.constant 50176 : i32
    %add3A_62 = arith.addi %mul3A_4, %add3A_61 : i32
    %dma_start3A_63 = tpu.memref_slice %arg7[%add3A_62] : memref<3211264xi32, #tpu.memory_space<hbm>> -> memref<7168xi32, #tpu.memory_space<hbm>>
    %dma_start3A_64 = tpu.memref_slice %arg7[%add3A_62] : memref<3211264xi32, #tpu.memory_space<hbm>> -> memref<7168xi32, #tpu.memory_space<hbm>>
    tpu.enqueue_dma source(%dma_start3A_64 : memref<7168xi32, #tpu.memory_space<hbm>>) target(%arg24 : memref<7168xi32, #tpu.memory_space<vmem>>) target_semaphore(%arg28 : memref<!tpu.dma_semaphore, #tpu.memory_space<semaphore_mem>>)
    "tpu.region"() ({
      %run_scoped3A = tpu.sem_alloc : memref<!tpu.dma_semaphore, #tpu.memory_space<semaphore_mem>>
      %dma_start3A_125 = arith.constant 0 : i32
      %dma_start3A_126 = tpu.memref_slice %arg12[%dma_start3A_125] : memref<100096xf32, #tpu.memory_space<vmem_shared>> -> memref<100096xf32, #tpu.memory_space<vmem_shared>>
      tpu.enqueue_indirect_dma source(%arg25 : memref<7168xf32, #tpu.memory_space<vmem>>) target(%dma_start3A_126 : memref<100096xf32, #tpu.memory_space<vmem_shared>>) offsets(%arg23 : memref<7168xi32, #tpu.memory_space<vmem>>) semaphore(%run_scoped3A : memref<!tpu.dma_semaphore, #tpu.memory_space<semaphore_mem>>) {add = true}
      %dma_wait3A_127 = arith.constant 0 : i32
      %dma_wait3A_128 = tpu.memref_slice %arg12[%dma_wait3A_127] : memref<100096xf32, #tpu.memory_space<vmem_shared>> -> memref<100096xf32, #tpu.memory_space<vmem_shared>>
      tpu.wait_indirect_dma semaphore(%run_scoped3A : memref<!tpu.dma_semaphore, #tpu.memory_space<semaphore_mem>>) src(%arg25 : memref<7168xf32, #tpu.memory_space<vmem>>) dst(%dma_wait3A_128 : memref<100096xf32, #tpu.memory_space<vmem_shared>>)
      tpu.yield
    }) : () -> ()
    %dma_wait3A_65 = tpu.memref_slice %arg7[%add3A_62] : memref<3211264xi32, #tpu.memory_space<hbm>> -> memref<7168xi32, #tpu.memory_space<hbm>>
    %dma_wait3A_66 = tpu.memref_slice %arg7[%add3A_62] : memref<3211264xi32, #tpu.memory_space<hbm>> -> memref<7168xi32, #tpu.memory_space<hbm>>
    tpu.wait_dma2 semaphore(%arg28 : memref<!tpu.dma_semaphore, #tpu.memory_space<semaphore_mem>>) src(%dma_wait3A_66 : memref<7168xi32, #tpu.memory_space<hbm>>) dst(%arg24 : memref<7168xi32, #tpu.memory_space<vmem>>)
    %add3A_67 = arith.constant 57344 : i32
    %add3A_68 = arith.addi %mul3A_4, %add3A_67 : i32
    %dma_start3A_69 = tpu.memref_slice %arg7[%add3A_68] : memref<3211264xi32, #tpu.memory_space<hbm>> -> memref<7168xi32, #tpu.memory_space<hbm>>
    %dma_start3A_70 = tpu.memref_slice %arg7[%add3A_68] : memref<3211264xi32, #tpu.memory_space<hbm>> -> memref<7168xi32, #tpu.memory_space<hbm>>
    tpu.enqueue_dma source(%dma_start3A_70 : memref<7168xi32, #tpu.memory_space<hbm>>) target(%arg23 : memref<7168xi32, #tpu.memory_space<vmem>>) target_semaphore(%arg28 : memref<!tpu.dma_semaphore, #tpu.memory_space<semaphore_mem>>)
    "tpu.region"() ({
      %run_scoped3A = tpu.sem_alloc : memref<!tpu.dma_semaphore, #tpu.memory_space<semaphore_mem>>
      %dma_start3A_125 = arith.constant 0 : i32
      %dma_start3A_126 = tpu.memref_slice %arg12[%dma_start3A_125] : memref<100096xf32, #tpu.memory_space<vmem_shared>> -> memref<100096xf32, #tpu.memory_space<vmem_shared>>
      tpu.enqueue_indirect_dma source(%arg25 : memref<7168xf32, #tpu.memory_space<vmem>>) target(%dma_start3A_126 : memref<100096xf32, #tpu.memory_space<vmem_shared>>) offsets(%arg24 : memref<7168xi32, #tpu.memory_space<vmem>>) semaphore(%run_scoped3A : memref<!tpu.dma_semaphore, #tpu.memory_space<semaphore_mem>>) {add = true}
      %dma_wait3A_127 = arith.constant 0 : i32
      %dma_wait3A_128 = tpu.memref_slice %arg12[%dma_wait3A_127] : memref<100096xf32, #tpu.memory_space<vmem_shared>> -> memref<100096xf32, #tpu.memory_space<vmem_shared>>
      tpu.wait_indirect_dma semaphore(%run_scoped3A : memref<!tpu.dma_semaphore, #tpu.memory_space<semaphore_mem>>) src(%arg25 : memref<7168xf32, #tpu.memory_space<vmem>>) dst(%dma_wait3A_128 : memref<100096xf32, #tpu.memory_space<vmem_shared>>)
      tpu.yield
    }) : () -> ()
    %dma_wait3A_71 = tpu.memref_slice %arg7[%add3A_68] : memref<3211264xi32, #tpu.memory_space<hbm>> -> memref<7168xi32, #tpu.memory_space<hbm>>
    %dma_wait3A_72 = tpu.memref_slice %arg7[%add3A_68] : memref<3211264xi32, #tpu.memory_space<hbm>> -> memref<7168xi32, #tpu.memory_space<hbm>>
    tpu.wait_dma2 semaphore(%arg28 : memref<!tpu.dma_semaphore, #tpu.memory_space<semaphore_mem>>) src(%dma_wait3A_72 : memref<7168xi32, #tpu.memory_space<hbm>>) dst(%arg23 : memref<7168xi32, #tpu.memory_space<vmem>>)
    %add3A_73 = arith.constant 64512 : i32
    %add3A_74 = arith.addi %mul3A_4, %add3A_73 : i32
    %dma_start3A_75 = tpu.memref_slice %arg7[%add3A_74] : memref<3211264xi32, #tpu.memory_space<hbm>> -> memref<7168xi32, #tpu.memory_space<hbm>>
    %dma_start3A_76 = tpu.memref_slice %arg7[%add3A_74] : memref<3211264xi32, #tpu.memory_space<hbm>> -> memref<7168xi32, #tpu.memory_space<hbm>>
    tpu.enqueue_dma source(%dma_start3A_76 : memref<7168xi32, #tpu.memory_space<hbm>>) target(%arg24 : memref<7168xi32, #tpu.memory_space<vmem>>) target_semaphore(%arg28 : memref<!tpu.dma_semaphore, #tpu.memory_space<semaphore_mem>>)
    "tpu.region"() ({
      %run_scoped3A = tpu.sem_alloc : memref<!tpu.dma_semaphore, #tpu.memory_space<semaphore_mem>>
      %dma_start3A_125 = arith.constant 0 : i32
      %dma_start3A_126 = tpu.memref_slice %arg12[%dma_start3A_125] : memref<100096xf32, #tpu.memory_space<vmem_shared>> -> memref<100096xf32, #tpu.memory_space<vmem_shared>>
      tpu.enqueue_indirect_dma source(%arg25 : memref<7168xf32, #tpu.memory_space<vmem>>) target(%dma_start3A_126 : memref<100096xf32, #tpu.memory_space<vmem_shared>>) offsets(%arg23 : memref<7168xi32, #tpu.memory_space<vmem>>) semaphore(%run_scoped3A : memref<!tpu.dma_semaphore, #tpu.memory_space<semaphore_mem>>) {add = true}
      %dma_wait3A_127 = arith.constant 0 : i32
      %dma_wait3A_128 = tpu.memref_slice %arg12[%dma_wait3A_127] : memref<100096xf32, #tpu.memory_space<vmem_shared>> -> memref<100096xf32, #tpu.memory_space<vmem_shared>>
      tpu.wait_indirect_dma semaphore(%run_scoped3A : memref<!tpu.dma_semaphore, #tpu.memory_space<semaphore_mem>>) src(%arg25 : memref<7168xf32, #tpu.memory_space<vmem>>) dst(%dma_wait3A_128 : memref<100096xf32, #tpu.memory_space<vmem_shared>>)
      tpu.yield
    }) : () -> ()
    %dma_wait3A_77 = tpu.memref_slice %arg7[%add3A_74] : memref<3211264xi32, #tpu.memory_space<hbm>> -> memref<7168xi32, #tpu.memory_space<hbm>>
    %dma_wait3A_78 = tpu.memref_slice %arg7[%add3A_74] : memref<3211264xi32, #tpu.memory_space<hbm>> -> memref<7168xi32, #tpu.memory_space<hbm>>
    tpu.wait_dma2 semaphore(%arg28 : memref<!tpu.dma_semaphore, #tpu.memory_space<semaphore_mem>>) src(%dma_wait3A_78 : memref<7168xi32, #tpu.memory_space<hbm>>) dst(%arg24 : memref<7168xi32, #tpu.memory_space<vmem>>)
    %add3A_79 = arith.constant 71680 : i32
    %add3A_80 = arith.addi %mul3A_4, %add3A_79 : i32
    %dma_start3A_81 = tpu.memref_slice %arg7[%add3A_80] : memref<3211264xi32, #tpu.memory_space<hbm>> -> memref<7168xi32, #tpu.memory_space<hbm>>
    %dma_start3A_82 = tpu.memref_slice %arg7[%add3A_80] : memref<3211264xi32, #tpu.memory_space<hbm>> -> memref<7168xi32, #tpu.memory_space<hbm>>
    tpu.enqueue_dma source(%dma_start3A_82 : memref<7168xi32, #tpu.memory_space<hbm>>) target(%arg23 : memref<7168xi32, #tpu.memory_space<vmem>>) target_semaphore(%arg28 : memref<!tpu.dma_semaphore, #tpu.memory_space<semaphore_mem>>)
    "tpu.region"() ({
      %run_scoped3A = tpu.sem_alloc : memref<!tpu.dma_semaphore, #tpu.memory_space<semaphore_mem>>
      %dma_start3A_125 = arith.constant 0 : i32
      %dma_start3A_126 = tpu.memref_slice %arg12[%dma_start3A_125] : memref<100096xf32, #tpu.memory_space<vmem_shared>> -> memref<100096xf32, #tpu.memory_space<vmem_shared>>
      tpu.enqueue_indirect_dma source(%arg25 : memref<7168xf32, #tpu.memory_space<vmem>>) target(%dma_start3A_126 : memref<100096xf32, #tpu.memory_space<vmem_shared>>) offsets(%arg24 : memref<7168xi32, #tpu.memory_space<vmem>>) semaphore(%run_scoped3A : memref<!tpu.dma_semaphore, #tpu.memory_space<semaphore_mem>>) {add = true}
      %dma_wait3A_127 = arith.constant 0 : i32
      %dma_wait3A_128 = tpu.memref_slice %arg12[%dma_wait3A_127] : memref<100096xf32, #tpu.memory_space<vmem_shared>> -> memref<100096xf32, #tpu.memory_space<vmem_shared>>
      tpu.wait_indirect_dma semaphore(%run_scoped3A : memref<!tpu.dma_semaphore, #tpu.memory_space<semaphore_mem>>) src(%arg25 : memref<7168xf32, #tpu.memory_space<vmem>>) dst(%dma_wait3A_128 : memref<100096xf32, #tpu.memory_space<vmem_shared>>)
      tpu.yield
    }) : () -> ()
    %dma_wait3A_83 = tpu.memref_slice %arg7[%add3A_80] : memref<3211264xi32, #tpu.memory_space<hbm>> -> memref<7168xi32, #tpu.memory_space<hbm>>
    %dma_wait3A_84 = tpu.memref_slice %arg7[%add3A_80] : memref<3211264xi32, #tpu.memory_space<hbm>> -> memref<7168xi32, #tpu.memory_space<hbm>>
    tpu.wait_dma2 semaphore(%arg28 : memref<!tpu.dma_semaphore, #tpu.memory_space<semaphore_mem>>) src(%dma_wait3A_84 : memref<7168xi32, #tpu.memory_space<hbm>>) dst(%arg23 : memref<7168xi32, #tpu.memory_space<vmem>>)
    %add3A_85 = arith.constant 78848 : i32
    %add3A_86 = arith.addi %mul3A_4, %add3A_85 : i32
    %dma_start3A_87 = tpu.memref_slice %arg7[%add3A_86] : memref<3211264xi32, #tpu.memory_space<hbm>> -> memref<7168xi32, #tpu.memory_space<hbm>>
    %dma_start3A_88 = tpu.memref_slice %arg7[%add3A_86] : memref<3211264xi32, #tpu.memory_space<hbm>> -> memref<7168xi32, #tpu.memory_space<hbm>>
    tpu.enqueue_dma source(%dma_start3A_88 : memref<7168xi32, #tpu.memory_space<hbm>>) target(%arg24 : memref<7168xi32, #tpu.memory_space<vmem>>) target_semaphore(%arg28 : memref<!tpu.dma_semaphore, #tpu.memory_space<semaphore_mem>>)
    "tpu.region"() ({
      %run_scoped3A = tpu.sem_alloc : memref<!tpu.dma_semaphore, #tpu.memory_space<semaphore_mem>>
      %dma_start3A_125 = arith.constant 0 : i32
      %dma_start3A_126 = tpu.memref_slice %arg12[%dma_start3A_125] : memref<100096xf32, #tpu.memory_space<vmem_shared>> -> memref<100096xf32, #tpu.memory_space<vmem_shared>>
      tpu.enqueue_indirect_dma source(%arg25 : memref<7168xf32, #tpu.memory_space<vmem>>) target(%dma_start3A_126 : memref<100096xf32, #tpu.memory_space<vmem_shared>>) offsets(%arg23 : memref<7168xi32, #tpu.memory_space<vmem>>) semaphore(%run_scoped3A : memref<!tpu.dma_semaphore, #tpu.memory_space<semaphore_mem>>) {add = true}
      %dma_wait3A_127 = arith.constant 0 : i32
      %dma_wait3A_128 = tpu.memref_slice %arg12[%dma_wait3A_127] : memref<100096xf32, #tpu.memory_space<vmem_shared>> -> memref<100096xf32, #tpu.memory_space<vmem_shared>>
      tpu.wait_indirect_dma semaphore(%run_scoped3A : memref<!tpu.dma_semaphore, #tpu.memory_space<semaphore_mem>>) src(%arg25 : memref<7168xf32, #tpu.memory_space<vmem>>) dst(%dma_wait3A_128 : memref<100096xf32, #tpu.memory_space<vmem_shared>>)
      tpu.yield
    }) : () -> ()
    %dma_wait3A_89 = tpu.memref_slice %arg7[%add3A_86] : memref<3211264xi32, #tpu.memory_space<hbm>> -> memref<7168xi32, #tpu.memory_space<hbm>>
    %dma_wait3A_90 = tpu.memref_slice %arg7[%add3A_86] : memref<3211264xi32, #tpu.memory_space<hbm>> -> memref<7168xi32, #tpu.memory_space<hbm>>
    tpu.wait_dma2 semaphore(%arg28 : memref<!tpu.dma_semaphore, #tpu.memory_space<semaphore_mem>>) src(%dma_wait3A_90 : memref<7168xi32, #tpu.memory_space<hbm>>) dst(%arg24 : memref<7168xi32, #tpu.memory_space<vmem>>)
    %add3A_91 = arith.constant 86016 : i32
    %add3A_92 = arith.addi %mul3A_4, %add3A_91 : i32
    %dma_start3A_93 = tpu.memref_slice %arg7[%add3A_92] : memref<3211264xi32, #tpu.memory_space<hbm>> -> memref<7168xi32, #tpu.memory_space<hbm>>
    %dma_start3A_94 = tpu.memref_slice %arg7[%add3A_92] : memref<3211264xi32, #tpu.memory_space<hbm>> -> memref<7168xi32, #tpu.memory_space<hbm>>
    tpu.enqueue_dma source(%dma_start3A_94 : memref<7168xi32, #tpu.memory_space<hbm>>) target(%arg23 : memref<7168xi32, #tpu.memory_space<vmem>>) target_semaphore(%arg28 : memref<!tpu.dma_semaphore, #tpu.memory_space<semaphore_mem>>)
    "tpu.region"() ({
      %run_scoped3A = tpu.sem_alloc : memref<!tpu.dma_semaphore, #tpu.memory_space<semaphore_mem>>
      %dma_start3A_125 = arith.constant 0 : i32
      %dma_start3A_126 = tpu.memref_slice %arg12[%dma_start3A_125] : memref<100096xf32, #tpu.memory_space<vmem_shared>> -> memref<100096xf32, #tpu.memory_space<vmem_shared>>
      tpu.enqueue_indirect_dma source(%arg25 : memref<7168xf32, #tpu.memory_space<vmem>>) target(%dma_start3A_126 : memref<100096xf32, #tpu.memory_space<vmem_shared>>) offsets(%arg24 : memref<7168xi32, #tpu.memory_space<vmem>>) semaphore(%run_scoped3A : memref<!tpu.dma_semaphore, #tpu.memory_space<semaphore_mem>>) {add = true}
      %dma_wait3A_127 = arith.constant 0 : i32
      %dma_wait3A_128 = tpu.memref_slice %arg12[%dma_wait3A_127] : memref<100096xf32, #tpu.memory_space<vmem_shared>> -> memref<100096xf32, #tpu.memory_space<vmem_shared>>
      tpu.wait_indirect_dma semaphore(%run_scoped3A : memref<!tpu.dma_semaphore, #tpu.memory_space<semaphore_mem>>) src(%arg25 : memref<7168xf32, #tpu.memory_space<vmem>>) dst(%dma_wait3A_128 : memref<100096xf32, #tpu.memory_space<vmem_shared>>)
      tpu.yield
    }) : () -> ()
    %dma_wait3A_95 = tpu.memref_slice %arg7[%add3A_92] : memref<3211264xi32, #tpu.memory_space<hbm>> -> memref<7168xi32, #tpu.memory_space<hbm>>
    %dma_wait3A_96 = tpu.memref_slice %arg7[%add3A_92] : memref<3211264xi32, #tpu.memory_space<hbm>> -> memref<7168xi32, #tpu.memory_space<hbm>>
    tpu.wait_dma2 semaphore(%arg28 : memref<!tpu.dma_semaphore, #tpu.memory_space<semaphore_mem>>) src(%dma_wait3A_96 : memref<7168xi32, #tpu.memory_space<hbm>>) dst(%arg23 : memref<7168xi32, #tpu.memory_space<vmem>>)
    %add3A_97 = arith.constant 93184 : i32
    %add3A_98 = arith.addi %mul3A_4, %add3A_97 : i32
    %dma_start3A_99 = tpu.memref_slice %arg7[%add3A_98] : memref<3211264xi32, #tpu.memory_space<hbm>> -> memref<7168xi32, #tpu.memory_space<hbm>>
    %dma_start3A_100 = tpu.memref_slice %arg7[%add3A_98] : memref<3211264xi32, #tpu.memory_space<hbm>> -> memref<7168xi32, #tpu.memory_space<hbm>>
    tpu.enqueue_dma source(%dma_start3A_100 : memref<7168xi32, #tpu.memory_space<hbm>>) target(%arg24 : memref<7168xi32, #tpu.memory_space<vmem>>) target_semaphore(%arg28 : memref<!tpu.dma_semaphore, #tpu.memory_space<semaphore_mem>>)
    "tpu.region"() ({
      %run_scoped3A = tpu.sem_alloc : memref<!tpu.dma_semaphore, #tpu.memory_space<semaphore_mem>>
      %dma_start3A_125 = arith.constant 0 : i32
      %dma_start3A_126 = tpu.memref_slice %arg12[%dma_start3A_125] : memref<100096xf32, #tpu.memory_space<vmem_shared>> -> memref<100096xf32, #tpu.memory_space<vmem_shared>>
      tpu.enqueue_indirect_dma source(%arg25 : memref<7168xf32, #tpu.memory_space<vmem>>) target(%dma_start3A_126 : memref<100096xf32, #tpu.memory_space<vmem_shared>>) offsets(%arg23 : memref<7168xi32, #tpu.memory_space<vmem>>) semaphore(%run_scoped3A : memref<!tpu.dma_semaphore, #tpu.memory_space<semaphore_mem>>) {add = true}
      %dma_wait3A_127 = arith.constant 0 : i32
      %dma_wait3A_128 = tpu.memref_slice %arg12[%dma_wait3A_127] : memref<100096xf32, #tpu.memory_space<vmem_shared>> -> memref<100096xf32, #tpu.memory_space<vmem_shared>>
      tpu.wait_indirect_dma semaphore(%run_scoped3A : memref<!tpu.dma_semaphore, #tpu.memory_space<semaphore_mem>>) src(%arg25 : memref<7168xf32, #tpu.memory_space<vmem>>) dst(%dma_wait3A_128 : memref<100096xf32, #tpu.memory_space<vmem_shared>>)
      tpu.yield
    }) : () -> ()
    %dma_wait3A_101 = tpu.memref_slice %arg7[%add3A_98] : memref<3211264xi32, #tpu.memory_space<hbm>> -> memref<7168xi32, #tpu.memory_space<hbm>>
    %dma_wait3A_102 = tpu.memref_slice %arg7[%add3A_98] : memref<3211264xi32, #tpu.memory_space<hbm>> -> memref<7168xi32, #tpu.memory_space<hbm>>
    tpu.wait_dma2 semaphore(%arg28 : memref<!tpu.dma_semaphore, #tpu.memory_space<semaphore_mem>>) src(%dma_wait3A_102 : memref<7168xi32, #tpu.memory_space<hbm>>) dst(%arg24 : memref<7168xi32, #tpu.memory_space<vmem>>)
    "tpu.region"() ({
      %run_scoped3A = tpu.sem_alloc : memref<!tpu.dma_semaphore, #tpu.memory_space<semaphore_mem>>
      %dma_start3A_125 = arith.constant 0 : i32
      %dma_start3A_126 = tpu.memref_slice %arg12[%dma_start3A_125] : memref<100096xf32, #tpu.memory_space<vmem_shared>> -> memref<100096xf32, #tpu.memory_space<vmem_shared>>
      tpu.enqueue_indirect_dma source(%arg25 : memref<7168xf32, #tpu.memory_space<vmem>>) target(%dma_start3A_126 : memref<100096xf32, #tpu.memory_space<vmem_shared>>) offsets(%arg24 : memref<7168xi32, #tpu.memory_space<vmem>>) semaphore(%run_scoped3A : memref<!tpu.dma_semaphore, #tpu.memory_space<semaphore_mem>>) {add = true}
      %dma_wait3A_127 = arith.constant 0 : i32
      %dma_wait3A_128 = tpu.memref_slice %arg12[%dma_wait3A_127] : memref<100096xf32, #tpu.memory_space<vmem_shared>> -> memref<100096xf32, #tpu.memory_space<vmem_shared>>
      tpu.wait_indirect_dma semaphore(%run_scoped3A : memref<!tpu.dma_semaphore, #tpu.memory_space<semaphore_mem>>) src(%arg25 : memref<7168xf32, #tpu.memory_space<vmem>>) dst(%dma_wait3A_128 : memref<100096xf32, #tpu.memory_space<vmem_shared>>)
      tpu.yield
    }) : () -> ()
    %barrier3A_103 = arith.constant 0 : index
    tpu.barrier barrier_id(%barrier3A_103)
    "tpu.region"() ({
      %run_scoped3A = tpu.sem_alloc : memref<!tpu.dma_semaphore, #tpu.memory_space<semaphore_mem>>
      %dma_start3A_125 = tpu.memref_slice %arg12[%mul3A_0] : memref<100096xf32, #tpu.memory_space<vmem_shared>> -> memref<6256xf32, #tpu.memory_space<vmem_shared>>
      %dma_start3A_126 = tpu.memref_slice %arg12[%mul3A_0] : memref<100096xf32, #tpu.memory_space<vmem_shared>> -> memref<6256xf32, #tpu.memory_space<vmem_shared>>
      tpu.enqueue_dma source(%dma_start3A_126 : memref<6256xf32, #tpu.memory_space<vmem_shared>>) target(%arg18 : memref<6256xf32, #tpu.memory_space<vmem>>) target_semaphore(%run_scoped3A : memref<!tpu.dma_semaphore, #tpu.memory_space<semaphore_mem>>)
      %dma_wait3A_127 = tpu.memref_slice %arg12[%mul3A_0] : memref<100096xf32, #tpu.memory_space<vmem_shared>> -> memref<6256xf32, #tpu.memory_space<vmem_shared>>
      %dma_wait3A_128 = tpu.memref_slice %arg12[%mul3A_0] : memref<100096xf32, #tpu.memory_space<vmem_shared>> -> memref<6256xf32, #tpu.memory_space<vmem_shared>>
      tpu.wait_dma2 semaphore(%run_scoped3A : memref<!tpu.dma_semaphore, #tpu.memory_space<semaphore_mem>>) src(%dma_wait3A_128 : memref<6256xf32, #tpu.memory_space<vmem_shared>>) dst(%arg18 : memref<6256xf32, #tpu.memory_space<vmem>>)
      tpu.yield
    }) : () -> ()
    %add3A_104 = arith.addi %mul3A_6, %mul3A_0 : i32
    "tpu.region"() ({
      %run_scoped3A = tpu.sem_alloc : memref<!tpu.dma_semaphore, #tpu.memory_space<semaphore_mem>>
      %dma_start3A_125 = tpu.memref_slice %arg9[%add3A_104] : memref<200192xf32, #tpu.memory_space<hbm>> -> memref<6256xf32, #tpu.memory_space<hbm>>
      %dma_start3A_126 = tpu.memref_slice %arg9[%add3A_104] : memref<200192xf32, #tpu.memory_space<hbm>> -> memref<6256xf32, #tpu.memory_space<hbm>>
      tpu.enqueue_dma source(%arg18 : memref<6256xf32, #tpu.memory_space<vmem>>) target(%dma_start3A_126 : memref<6256xf32, #tpu.memory_space<hbm>>) target_semaphore(%run_scoped3A : memref<!tpu.dma_semaphore, #tpu.memory_space<semaphore_mem>>)
      %dma_wait3A_127 = tpu.memref_slice %arg9[%add3A_104] : memref<200192xf32, #tpu.memory_space<hbm>> -> memref<6256xf32, #tpu.memory_space<hbm>>
      %dma_wait3A_128 = tpu.memref_slice %arg9[%add3A_104] : memref<200192xf32, #tpu.memory_space<hbm>> -> memref<6256xf32, #tpu.memory_space<hbm>>
      tpu.wait_dma2 semaphore(%run_scoped3A : memref<!tpu.dma_semaphore, #tpu.memory_space<semaphore_mem>>) src(%arg18 : memref<6256xf32, #tpu.memory_space<vmem>>) dst(%dma_wait3A_128 : memref<6256xf32, #tpu.memory_space<hbm>>)
      tpu.yield
    }) : () -> ()
    %barrier3A_105 = arith.constant 0 : index
    tpu.barrier barrier_id(%barrier3A_105)
    %sub3A_106 = arith.constant 1 : i32
    %sub3A_107 = arith.subi %sub3A_106, %arg0 : i32
    %semaphore_signal3A = arith.constant 1 : i32
    tpu.sem_signal %arg33, %semaphore_signal3A core_id %sub3A_107 : memref<!tpu.semaphore, #tpu.memory_space<semaphore_mem>>
    %semaphore_wait3A = arith.constant 1 : i32
    %semaphore_wait3A_108 = arith.constant true
    tpu.sem_wait %arg33, %semaphore_wait3A : memref<!tpu.semaphore, #tpu.memory_space<semaphore_mem>>
    %add3A_109 = arith.addi %mul3A_9, %mul3A_0 : i32
    "tpu.region"() ({
      %run_scoped3A = tpu.sem_alloc : memref<!tpu.dma_semaphore, #tpu.memory_space<semaphore_mem>>
      %dma_start3A_125 = tpu.memref_slice %arg9[%add3A_109] : memref<200192xf32, #tpu.memory_space<hbm>> -> memref<6256xf32, #tpu.memory_space<hbm>>
      %dma_start3A_126 = tpu.memref_slice %arg9[%add3A_109] : memref<200192xf32, #tpu.memory_space<hbm>> -> memref<6256xf32, #tpu.memory_space<hbm>>
      tpu.enqueue_dma source(%dma_start3A_126 : memref<6256xf32, #tpu.memory_space<hbm>>) target(%arg19 : memref<6256xf32, #tpu.memory_space<vmem>>) target_semaphore(%run_scoped3A : memref<!tpu.dma_semaphore, #tpu.memory_space<semaphore_mem>>)
      %dma_wait3A_127 = tpu.memref_slice %arg9[%add3A_109] : memref<200192xf32, #tpu.memory_space<hbm>> -> memref<6256xf32, #tpu.memory_space<hbm>>
      %dma_wait3A_128 = tpu.memref_slice %arg9[%add3A_109] : memref<200192xf32, #tpu.memory_space<hbm>> -> memref<6256xf32, #tpu.memory_space<hbm>>
      tpu.wait_dma2 semaphore(%run_scoped3A : memref<!tpu.dma_semaphore, #tpu.memory_space<semaphore_mem>>) src(%dma_wait3A_128 : memref<6256xf32, #tpu.memory_space<hbm>>) dst(%arg19 : memref<6256xf32, #tpu.memory_space<vmem>>)
      tpu.yield
    }) : () -> ()
    %scan3A_110 = arith.constant 0 : i32
    %scan3A_111 = arith.constant 0 : i32
    %scan3A_112 = arith.constant 391 : i32
    %scan3A_113 = arith.addi %scan3A_111, %scan3A_112 : i32
    %scan3A_114 = arith.constant 1 : i32
    %scan3A_115 = scf.for %scan3A_125 = %scan3A_111 to %scan3A_113 step %scan3A_114 iter_args(%scan3A_126 = %scan3A_110) -> (i32)  : i32 {
      %mul3A_127 = arith.constant 16 : i32
      %mul3A_128 = arith.muli %scan3A_125, %mul3A_127 : i32
      %get3A = arith.index_cast %mul3A_128 : i32 to index
      %get3A_129 = tpu.vector_load %arg18[%get3A] {strides = array<i32>} : memref<6256xf32, #tpu.memory_space<vmem>>, vector<16xf32>,
      %get3A_130 = vector.shape_cast %get3A_129 : vector<16xf32> to vector<16xf32>
      %get3A_131 = arith.index_cast %mul3A_128 : i32 to index
      %get3A_132 = tpu.vector_load %arg19[%get3A_131] {strides = array<i32>} : memref<6256xf32, #tpu.memory_space<vmem>>, vector<16xf32>,
      %get3A_133 = vector.shape_cast %get3A_132 : vector<16xf32> to vector<16xf32>
      %add3A_134 = arith.addf %get3A_130, %get3A_133 : vector<16xf32>
      %max3A = arith.constant 1.000000e+00 : f32
      %max3A_135 = vector.broadcast %max3A : f32 to vector<16xf32>
      %max3A_136 = arith.maximumf %add3A_134, %max3A_135 : vector<16xf32>
      %div3A = arith.constant 1.000000e+00 : f32
      %div3A_137 = vector.broadcast %div3A : f32 to vector<16xf32>
      %div3A_138 = arith.divf %div3A_137, %max3A_136 : vector<16xf32>
      %swap3A = arith.index_cast %mul3A_128 : i32 to index
      %swap3A_139 = tpu.vector_load %arg16[%swap3A] {strides = array<i32>} : memref<6256xf32, #tpu.memory_space<vmem>>, vector<16xf32>,
      %swap3A_140 = vector.shape_cast %swap3A_139 : vector<16xf32> to vector<16xf32>
      %swap3A_141 = vector.shape_cast %div3A_138 : vector<16xf32> to vector<16xf32>
      tpu.vector_store %arg16[%swap3A], %swap3A_141 {strides = array<i32>} : memref<6256xf32, #tpu.memory_space<vmem>>, vector<16xf32>,
      %scan3A_142 = arith.constant 0 : i32
      scf.yield %scan3A_142 : i32
    }
    %scan3A_116 = arith.constant 391 : i32
    %barrier3A_117 = arith.constant 0 : index
    tpu.barrier barrier_id(%barrier3A_117)
    %scan3A_118 = arith.constant 0 : i32
    %scan3A_119 = arith.constant 0 : i32
    %scan3A_120 = arith.constant 10 : i32
    %scan3A_121 = arith.addi %scan3A_119, %scan3A_120 : i32
    %scan3A_122 = arith.constant 1 : i32
    %scan3A_123 = scf.for %scan3A_125 = %scan3A_119 to %scan3A_121 step %scan3A_122 iter_args(%scan3A_126 = %scan3A_118) -> (i32)  : i32 {
      %dma_start3A_127 = tpu.memref_slice %arg5[%mul3A_4] : memref<3211264xi32, #tpu.memory_space<hbm>> -> memref<7168xi32, #tpu.memory_space<hbm>>
      %dma_start3A_128 = tpu.memref_slice %arg5[%mul3A_4] : memref<3211264xi32, #tpu.memory_space<hbm>> -> memref<7168xi32, #tpu.memory_space<hbm>>
      tpu.enqueue_dma source(%dma_start3A_128 : memref<7168xi32, #tpu.memory_space<hbm>>) target(%arg21 : memref<7168xi32, #tpu.memory_space<vmem>>) target_semaphore(%arg27 : memref<!tpu.dma_semaphore, #tpu.memory_space<semaphore_mem>>)
      %dma_start3A_129 = tpu.memref_slice %arg7[%mul3A_4] : memref<3211264xi32, #tpu.memory_space<hbm>> -> memref<7168xi32, #tpu.memory_space<hbm>>
      %dma_start3A_130 = tpu.memref_slice %arg7[%mul3A_4] : memref<3211264xi32, #tpu.memory_space<hbm>> -> memref<7168xi32, #tpu.memory_space<hbm>>
      tpu.enqueue_dma source(%dma_start3A_130 : memref<7168xi32, #tpu.memory_space<hbm>>) target(%arg23 : memref<7168xi32, #tpu.memory_space<vmem>>) target_semaphore(%arg28 : memref<!tpu.dma_semaphore, #tpu.memory_space<semaphore_mem>>)
      %mul3A_131 = arith.constant 100096 : i32
      %mul3A_132 = arith.muli %scan3A_125, %mul3A_131 : i32
      %add3A_133 = arith.addi %mul3A_132, %mul3A_0 : i32
      "tpu.region"() ({
        %run_scoped3A = tpu.sem_alloc : memref<!tpu.dma_semaphore, #tpu.memory_space<semaphore_mem>>
        %dma_start3A_772 = tpu.memref_slice %arg3[%add3A_133] : memref<1000960xf32, #tpu.memory_space<hbm>> -> memref<6256xf32, #tpu.memory_space<hbm>>
        %dma_start3A_773 = tpu.memref_slice %arg3[%add3A_133] : memref<1000960xf32, #tpu.memory_space<hbm>> -> memref<6256xf32, #tpu.memory_space<hbm>>
        tpu.enqueue_dma source(%dma_start3A_773 : memref<6256xf32, #tpu.memory_space<hbm>>) target(%arg18 : memref<6256xf32, #tpu.memory_space<vmem>>) target_semaphore(%run_scoped3A : memref<!tpu.dma_semaphore, #tpu.memory_space<semaphore_mem>>)
        %dma_wait3A_774 = tpu.memref_slice %arg3[%add3A_133] : memref<1000960xf32, #tpu.memory_space<hbm>> -> memref<6256xf32, #tpu.memory_space<hbm>>
        %dma_wait3A_775 = tpu.memref_slice %arg3[%add3A_133] : memref<1000960xf32, #tpu.memory_space<hbm>> -> memref<6256xf32, #tpu.memory_space<hbm>>
        tpu.wait_dma2 semaphore(%run_scoped3A : memref<!tpu.dma_semaphore, #tpu.memory_space<semaphore_mem>>) src(%dma_wait3A_775 : memref<6256xf32, #tpu.memory_space<hbm>>) dst(%arg18 : memref<6256xf32, #tpu.memory_space<vmem>>)
        tpu.yield
      }) : () -> ()
      %get3A = arith.constant 0 : i32
      %get3A_134 = arith.index_cast %get3A : i32 to index
      %get3A_135 = arith.constant 0 : index
      %get3A_136 = tpu.vector_load %arg20[%get3A_134, %get3A_135] {strides = array<i32>} : memref<3x16xf32, #tpu.memory_space<vmem>>, vector<1x16xf32>,
      %get3A_137 = vector.shape_cast %get3A_136 : vector<1x16xf32> to vector<16xf32>
      %get3A_138 = arith.constant 1 : i32
      %get3A_139 = arith.index_cast %get3A_138 : i32 to index
      %get3A_140 = arith.constant 0 : index
      %get3A_141 = tpu.vector_load %arg20[%get3A_139, %get3A_140] {strides = array<i32>} : memref<3x16xf32, #tpu.memory_space<vmem>>, vector<1x16xf32>,
      %get3A_142 = vector.shape_cast %get3A_141 : vector<1x16xf32> to vector<16xf32>
      %get3A_143 = arith.constant 2 : i32
      %get3A_144 = arith.index_cast %get3A_143 : i32 to index
      %get3A_145 = arith.constant 0 : index
      %get3A_146 = tpu.vector_load %arg20[%get3A_144, %get3A_145] {strides = array<i32>} : memref<3x16xf32, #tpu.memory_space<vmem>>, vector<1x16xf32>,
      %get3A_147 = vector.shape_cast %get3A_146 : vector<1x16xf32> to vector<16xf32>
      %scan3A_148 = arith.constant 0 : i32
      %scan3A_149 = arith.constant 0 : i32
      %scan3A_150 = arith.constant 391 : i32
      %scan3A_151 = arith.addi %scan3A_149, %scan3A_150 : i32
      %scan3A_152 = arith.constant 1 : i32
      %scan3A_153 = scf.for %scan3A_772 = %scan3A_149 to %scan3A_151 step %scan3A_152 iter_args(%scan3A_773 = %scan3A_148) -> (i32)  : i32 {
        %mul3A_774 = arith.constant 16 : i32
        %mul3A_775 = arith.muli %scan3A_772, %mul3A_774 : i32
        %get3A_776 = arith.index_cast %mul3A_775 : i32 to index
        %get3A_777 = tpu.vector_load %arg18[%get3A_776] {strides = array<i32>} : memref<6256xf32, #tpu.memory_space<vmem>>, vector<16xf32>,
        %get3A_778 = vector.shape_cast %get3A_777 : vector<16xf32> to vector<16xf32>
        %get3A_779 = arith.index_cast %mul3A_775 : i32 to index
        %get3A_780 = tpu.vector_load %arg15[%get3A_779] {strides = array<i32>} : memref<6256xf32, #tpu.memory_space<vmem>>, vector<16xf32>,
        %get3A_781 = vector.shape_cast %get3A_780 : vector<16xf32> to vector<16xf32>
        %mul3A_782 = arith.constant 3.000000e-01 : f32
        %mul3A_783 = vector.broadcast %mul3A_782 : f32 to vector<16xf32>
        %mul3A_784 = arith.mulf %mul3A_783, %get3A_781 : vector<16xf32>
        %add3A_785 = arith.addf %get3A_778, %mul3A_784 : vector<16xf32>
        %mul3A_786 = arith.mulf %get3A_137, %add3A_785 : vector<16xf32>
        %swap3A = arith.index_cast %mul3A_775 : i32 to index
        %swap3A_787 = tpu.vector_load %arg18[%swap3A] {strides = array<i32>} : memref<6256xf32, #tpu.memory_space<vmem>>, vector<16xf32>,
        %swap3A_788 = vector.shape_cast %swap3A_787 : vector<16xf32> to vector<16xf32>
        %swap3A_789 = vector.shape_cast %mul3A_786 : vector<16xf32> to vector<16xf32>
        tpu.vector_store %arg18[%swap3A], %swap3A_789 {strides = array<i32>} : memref<6256xf32, #tpu.memory_space<vmem>>, vector<16xf32>,
        %mul3A_790 = arith.mulf %get3A_142, %add3A_785 : vector<16xf32>
        %swap3A_791 = arith.index_cast %mul3A_775 : i32 to index
        %swap3A_792 = tpu.vector_load %arg19[%swap3A_791] {strides = array<i32>} : memref<6256xf32, #tpu.memory_space<vmem>>, vector<16xf32>,
        %swap3A_793 = vector.shape_cast %swap3A_792 : vector<16xf32> to vector<16xf32>
        %swap3A_794 = vector.shape_cast %mul3A_790 : vector<16xf32> to vector<16xf32>
        tpu.vector_store %arg19[%swap3A_791], %swap3A_794 {strides = array<i32>} : memref<6256xf32, #tpu.memory_space<vmem>>, vector<16xf32>,
        %mul3A_795 = arith.mulf %get3A_147, %add3A_785 : vector<16xf32>
        %swap3A_796 = arith.index_cast %mul3A_775 : i32 to index
        %swap3A_797 = tpu.vector_load %arg25[%swap3A_796] {strides = array<i32>} : memref<7168xf32, #tpu.memory_space<vmem>>, vector<16xf32>,
        %swap3A_798 = vector.shape_cast %swap3A_797 : vector<16xf32> to vector<16xf32>
        %swap3A_799 = vector.shape_cast %mul3A_795 : vector<16xf32> to vector<16xf32>
        tpu.vector_store %arg25[%swap3A_796], %swap3A_799 {strides = array<i32>} : memref<7168xf32, #tpu.memory_space<vmem>>, vector<16xf32>,
        %scan3A_800 = arith.constant 0 : i32
        scf.yield %scan3A_800 : i32
      }
      %scan3A_154 = arith.constant 391 : i32
      %dma_start3A_155 = tpu.memref_slice %arg12[%mul3A_0] : memref<100096xf32, #tpu.memory_space<vmem_shared>> -> memref<6256xf32, #tpu.memory_space<vmem_shared>>
      %dma_start3A_156 = tpu.memref_slice %arg12[%mul3A_0] : memref<100096xf32, #tpu.memory_space<vmem_shared>> -> memref<6256xf32, #tpu.memory_space<vmem_shared>>
      tpu.enqueue_dma source(%arg17 : memref<6256xf32, #tpu.memory_space<vmem>>) target(%dma_start3A_156 : memref<6256xf32, #tpu.memory_space<vmem_shared>>) target_semaphore(%arg30 : memref<!tpu.dma_semaphore, #tpu.memory_space<semaphore_mem>>)
      %dma_start3A_157 = tpu.memref_slice %arg11[%mul3A_0] : memref<300288xf32, #tpu.memory_space<vmem_shared>> -> memref<6256xf32, #tpu.memory_space<vmem_shared>>
      %dma_start3A_158 = tpu.memref_slice %arg11[%mul3A_0] : memref<300288xf32, #tpu.memory_space<vmem_shared>> -> memref<6256xf32, #tpu.memory_space<vmem_shared>>
      tpu.enqueue_dma source(%arg18 : memref<6256xf32, #tpu.memory_space<vmem>>) target(%dma_start3A_158 : memref<6256xf32, #tpu.memory_space<vmem_shared>>) target_semaphore(%arg31 : memref<!tpu.dma_semaphore, #tpu.memory_space<semaphore_mem>>)
      %add3A_159 = arith.constant 100096 : i32
      %add3A_160 = arith.addi %add3A_159, %mul3A_0 : i32
      %dma_start3A_161 = tpu.memref_slice %arg11[%add3A_160] : memref<300288xf32, #tpu.memory_space<vmem_shared>> -> memref<6256xf32, #tpu.memory_space<vmem_shared>>
      %dma_start3A_162 = tpu.memref_slice %arg11[%add3A_160] : memref<300288xf32, #tpu.memory_space<vmem_shared>> -> memref<6256xf32, #tpu.memory_space<vmem_shared>>
      tpu.enqueue_dma source(%arg19 : memref<6256xf32, #tpu.memory_space<vmem>>) target(%dma_start3A_162 : memref<6256xf32, #tpu.memory_space<vmem_shared>>) target_semaphore(%arg32 : memref<!tpu.dma_semaphore, #tpu.memory_space<semaphore_mem>>)
      %add3A_163 = arith.constant 200192 : i32
      %add3A_164 = arith.addi %add3A_163, %mul3A_0 : i32
      %dma_start3A_165 = arith.constant 0 : i32
      %dma_start3A_166 = tpu.memref_slice %arg25[%dma_start3A_165] : memref<7168xf32, #tpu.memory_space<vmem>> -> memref<6256xf32, #tpu.memory_space<vmem>>
      %dma_start3A_167 = tpu.memref_slice %arg11[%add3A_164] : memref<300288xf32, #tpu.memory_space<vmem_shared>> -> memref<6256xf32, #tpu.memory_space<vmem_shared>>
      %dma_start3A_168 = tpu.memref_slice %arg11[%add3A_164] : memref<300288xf32, #tpu.memory_space<vmem_shared>> -> memref<6256xf32, #tpu.memory_space<vmem_shared>>
      %dma_start3A_169 = arith.constant 0 : i32
      %dma_start3A_170 = tpu.memref_slice %arg25[%dma_start3A_169] : memref<7168xf32, #tpu.memory_space<vmem>> -> memref<6256xf32, #tpu.memory_space<vmem>>
      tpu.enqueue_dma source(%dma_start3A_170 : memref<6256xf32, #tpu.memory_space<vmem>>) target(%dma_start3A_168 : memref<6256xf32, #tpu.memory_space<vmem_shared>>) target_semaphore(%arg29 : memref<!tpu.dma_semaphore, #tpu.memory_space<semaphore_mem>>)
      %dma_wait3A_171 = tpu.memref_slice %arg12[%mul3A_0] : memref<100096xf32, #tpu.memory_space<vmem_shared>> -> memref<6256xf32, #tpu.memory_space<vmem_shared>>
      %dma_wait3A_172 = tpu.memref_slice %arg12[%mul3A_0] : memref<100096xf32, #tpu.memory_space<vmem_shared>> -> memref<6256xf32, #tpu.memory_space<vmem_shared>>
      tpu.wait_dma2 semaphore(%arg30 : memref<!tpu.dma_semaphore, #tpu.memory_space<semaphore_mem>>) src(%arg17 : memref<6256xf32, #tpu.memory_space<vmem>>) dst(%dma_wait3A_172 : memref<6256xf32, #tpu.memory_space<vmem_shared>>)
      %dma_wait3A_173 = tpu.memref_slice %arg11[%mul3A_0] : memref<300288xf32, #tpu.memory_space<vmem_shared>> -> memref<6256xf32, #tpu.memory_space<vmem_shared>>
      %dma_wait3A_174 = tpu.memref_slice %arg11[%mul3A_0] : memref<300288xf32, #tpu.memory_space<vmem_shared>> -> memref<6256xf32, #tpu.memory_space<vmem_shared>>
      tpu.wait_dma2 semaphore(%arg31 : memref<!tpu.dma_semaphore, #tpu.memory_space<semaphore_mem>>) src(%arg18 : memref<6256xf32, #tpu.memory_space<vmem>>) dst(%dma_wait3A_174 : memref<6256xf32, #tpu.memory_space<vmem_shared>>)
      %dma_wait3A_175 = tpu.memref_slice %arg11[%add3A_160] : memref<300288xf32, #tpu.memory_space<vmem_shared>> -> memref<6256xf32, #tpu.memory_space<vmem_shared>>
      %dma_wait3A_176 = tpu.memref_slice %arg11[%add3A_160] : memref<300288xf32, #tpu.memory_space<vmem_shared>> -> memref<6256xf32, #tpu.memory_space<vmem_shared>>
      tpu.wait_dma2 semaphore(%arg32 : memref<!tpu.dma_semaphore, #tpu.memory_space<semaphore_mem>>) src(%arg19 : memref<6256xf32, #tpu.memory_space<vmem>>) dst(%dma_wait3A_176 : memref<6256xf32, #tpu.memory_space<vmem_shared>>)
      %dma_wait3A_177 = arith.constant 0 : i32
      %dma_wait3A_178 = tpu.memref_slice %arg25[%dma_wait3A_177] : memref<7168xf32, #tpu.memory_space<vmem>> -> memref<6256xf32, #tpu.memory_space<vmem>>
      %dma_wait3A_179 = tpu.memref_slice %arg11[%add3A_164] : memref<300288xf32, #tpu.memory_space<vmem_shared>> -> memref<6256xf32, #tpu.memory_space<vmem_shared>>
      %dma_wait3A_180 = tpu.memref_slice %arg11[%add3A_164] : memref<300288xf32, #tpu.memory_space<vmem_shared>> -> memref<6256xf32, #tpu.memory_space<vmem_shared>>
      %dma_wait3A_181 = arith.constant 0 : i32
      %dma_wait3A_182 = tpu.memref_slice %arg25[%dma_wait3A_181] : memref<7168xf32, #tpu.memory_space<vmem>> -> memref<6256xf32, #tpu.memory_space<vmem>>
      tpu.wait_dma2 semaphore(%arg29 : memref<!tpu.dma_semaphore, #tpu.memory_space<semaphore_mem>>) src(%dma_wait3A_182 : memref<6256xf32, #tpu.memory_space<vmem>>) dst(%dma_wait3A_180 : memref<6256xf32, #tpu.memory_space<vmem_shared>>)
      %barrier3A_183 = arith.constant 0 : index
      tpu.barrier barrier_id(%barrier3A_183)
      %dma_wait3A_184 = tpu.memref_slice %arg5[%mul3A_4] : memref<3211264xi32, #tpu.memory_space<hbm>> -> memref<7168xi32, #tpu.memory_space<hbm>>
      %dma_wait3A_185 = tpu.memref_slice %arg5[%mul3A_4] : memref<3211264xi32, #tpu.memory_space<hbm>> -> memref<7168xi32, #tpu.memory_space<hbm>>
      tpu.wait_dma2 semaphore(%arg27 : memref<!tpu.dma_semaphore, #tpu.memory_space<semaphore_mem>>) src(%dma_wait3A_185 : memref<7168xi32, #tpu.memory_space<hbm>>) dst(%arg21 : memref<7168xi32, #tpu.memory_space<vmem>>)
      %dma_start3A_186 = arith.constant 0 : i32
      %dma_start3A_187 = tpu.memref_slice %arg11[%dma_start3A_186] : memref<300288xf32, #tpu.memory_space<vmem_shared>> -> memref<300288xf32, #tpu.memory_space<vmem_shared>>
      tpu.enqueue_indirect_dma source(%dma_start3A_187 : memref<300288xf32, #tpu.memory_space<vmem_shared>>) target(%arg25 : memref<7168xf32, #tpu.memory_space<vmem>>) offsets(%arg21 : memref<7168xi32, #tpu.memory_space<vmem>>) semaphore(%arg29 : memref<!tpu.dma_semaphore, #tpu.memory_space<semaphore_mem>>)
      %dma_wait3A_188 = tpu.memref_slice %arg7[%mul3A_4] : memref<3211264xi32, #tpu.memory_space<hbm>> -> memref<7168xi32, #tpu.memory_space<hbm>>
      %dma_wait3A_189 = tpu.memref_slice %arg7[%mul3A_4] : memref<3211264xi32, #tpu.memory_space<hbm>> -> memref<7168xi32, #tpu.memory_space<hbm>>
      tpu.wait_dma2 semaphore(%arg28 : memref<!tpu.dma_semaphore, #tpu.memory_space<semaphore_mem>>) src(%dma_wait3A_189 : memref<7168xi32, #tpu.memory_space<hbm>>) dst(%arg23 : memref<7168xi32, #tpu.memory_space<vmem>>)
      %add3A_190 = arith.constant 7168 : i32
      %add3A_191 = arith.addi %mul3A_4, %add3A_190 : i32
      %dma_start3A_192 = tpu.memref_slice %arg5[%add3A_191] : memref<3211264xi32, #tpu.memory_space<hbm>> -> memref<7168xi32, #tpu.memory_space<hbm>>
      %dma_start3A_193 = tpu.memref_slice %arg5[%add3A_191] : memref<3211264xi32, #tpu.memory_space<hbm>> -> memref<7168xi32, #tpu.memory_space<hbm>>
      tpu.enqueue_dma source(%dma_start3A_193 : memref<7168xi32, #tpu.memory_space<hbm>>) target(%arg22 : memref<7168xi32, #tpu.memory_space<vmem>>) target_semaphore(%arg27 : memref<!tpu.dma_semaphore, #tpu.memory_space<semaphore_mem>>)
      %dma_start3A_194 = tpu.memref_slice %arg7[%add3A_191] : memref<3211264xi32, #tpu.memory_space<hbm>> -> memref<7168xi32, #tpu.memory_space<hbm>>
      %dma_start3A_195 = tpu.memref_slice %arg7[%add3A_191] : memref<3211264xi32, #tpu.memory_space<hbm>> -> memref<7168xi32, #tpu.memory_space<hbm>>
      tpu.enqueue_dma source(%dma_start3A_195 : memref<7168xi32, #tpu.memory_space<hbm>>) target(%arg24 : memref<7168xi32, #tpu.memory_space<vmem>>) target_semaphore(%arg28 : memref<!tpu.dma_semaphore, #tpu.memory_space<semaphore_mem>>)
      %dma_wait3A_196 = arith.constant 0 : i32
      %dma_wait3A_197 = tpu.memref_slice %arg11[%dma_wait3A_196] : memref<300288xf32, #tpu.memory_space<vmem_shared>> -> memref<300288xf32, #tpu.memory_space<vmem_shared>>
      tpu.wait_indirect_dma semaphore(%arg29 : memref<!tpu.dma_semaphore, #tpu.memory_space<semaphore_mem>>) src(%dma_wait3A_197 : memref<300288xf32, #tpu.memory_space<vmem_shared>>) dst(%arg25 : memref<7168xf32, #tpu.memory_space<vmem>>)
      %dma_start3A_198 = arith.constant 0 : i32
      %dma_start3A_199 = tpu.memref_slice %arg12[%dma_start3A_198] : memref<100096xf32, #tpu.memory_space<vmem_shared>> -> memref<100096xf32, #tpu.memory_space<vmem_shared>>
      tpu.enqueue_indirect_dma source(%arg25 : memref<7168xf32, #tpu.memory_space<vmem>>) target(%dma_start3A_199 : memref<100096xf32, #tpu.memory_space<vmem_shared>>) offsets(%arg23 : memref<7168xi32, #tpu.memory_space<vmem>>) semaphore(%arg30 : memref<!tpu.dma_semaphore, #tpu.memory_space<semaphore_mem>>) {add = true}
      %dma_wait3A_200 = tpu.memref_slice %arg5[%add3A_191] : memref<3211264xi32, #tpu.memory_space<hbm>> -> memref<7168xi32, #tpu.memory_space<hbm>>
      %dma_wait3A_201 = tpu.memref_slice %arg5[%add3A_191] : memref<3211264xi32, #tpu.memory_space<hbm>> -> memref<7168xi32, #tpu.memory_space<hbm>>
      tpu.wait_dma2 semaphore(%arg27 : memref<!tpu.dma_semaphore, #tpu.memory_space<semaphore_mem>>) src(%dma_wait3A_201 : memref<7168xi32, #tpu.memory_space<hbm>>) dst(%arg22 : memref<7168xi32, #tpu.memory_space<vmem>>)
      %dma_start3A_202 = arith.constant 0 : i32
      %dma_start3A_203 = tpu.memref_slice %arg11[%dma_start3A_202] : memref<300288xf32, #tpu.memory_space<vmem_shared>> -> memref<300288xf32, #tpu.memory_space<vmem_shared>>
      tpu.enqueue_indirect_dma source(%dma_start3A_203 : memref<300288xf32, #tpu.memory_space<vmem_shared>>) target(%arg26 : memref<7168xf32, #tpu.memory_space<vmem>>) offsets(%arg22 : memref<7168xi32, #tpu.memory_space<vmem>>) semaphore(%arg29 : memref<!tpu.dma_semaphore, #tpu.memory_space<semaphore_mem>>)
      %add3A_204 = arith.constant 14336 : i32
      %add3A_205 = arith.addi %mul3A_4, %add3A_204 : i32
      %dma_start3A_206 = tpu.memref_slice %arg5[%add3A_205] : memref<3211264xi32, #tpu.memory_space<hbm>> -> memref<7168xi32, #tpu.memory_space<hbm>>
      %dma_start3A_207 = tpu.memref_slice %arg5[%add3A_205] : memref<3211264xi32, #tpu.memory_space<hbm>> -> memref<7168xi32, #tpu.memory_space<hbm>>
      tpu.enqueue_dma source(%dma_start3A_207 : memref<7168xi32, #tpu.memory_space<hbm>>) target(%arg21 : memref<7168xi32, #tpu.memory_space<vmem>>) target_semaphore(%arg27 : memref<!tpu.dma_semaphore, #tpu.memory_space<semaphore_mem>>)
      %dma_wait3A_208 = arith.constant 0 : i32
      %dma_wait3A_209 = tpu.memref_slice %arg12[%dma_wait3A_208] : memref<100096xf32, #tpu.memory_space<vmem_shared>> -> memref<100096xf32, #tpu.memory_space<vmem_shared>>
      tpu.wait_indirect_dma semaphore(%arg30 : memref<!tpu.dma_semaphore, #tpu.memory_space<semaphore_mem>>) src(%arg25 : memref<7168xf32, #tpu.memory_space<vmem>>) dst(%dma_wait3A_209 : memref<100096xf32, #tpu.memory_space<vmem_shared>>)
      %dma_wait3A_210 = tpu.memref_slice %arg7[%add3A_191] : memref<3211264xi32, #tpu.memory_space<hbm>> -> memref<7168xi32, #tpu.memory_space<hbm>>
      %dma_wait3A_211 = tpu.memref_slice %arg7[%add3A_191] : memref<3211264xi32, #tpu.memory_space<hbm>> -> memref<7168xi32, #tpu.memory_space<hbm>>
      tpu.wait_dma2 semaphore(%arg28 : memref<!tpu.dma_semaphore, #tpu.memory_space<semaphore_mem>>) src(%dma_wait3A_211 : memref<7168xi32, #tpu.memory_space<hbm>>) dst(%arg24 : memref<7168xi32, #tpu.memory_space<vmem>>)
      %add3A_212 = arith.constant 14336 : i32
      %add3A_213 = arith.addi %mul3A_4, %add3A_212 : i32
      %dma_start3A_214 = tpu.memref_slice %arg7[%add3A_213] : memref<3211264xi32, #tpu.memory_space<hbm>> -> memref<7168xi32, #tpu.memory_space<hbm>>
      %dma_start3A_215 = tpu.memref_slice %arg7[%add3A_213] : memref<3211264xi32, #tpu.memory_space<hbm>> -> memref<7168xi32, #tpu.memory_space<hbm>>
      tpu.enqueue_dma source(%dma_start3A_215 : memref<7168xi32, #tpu.memory_space<hbm>>) target(%arg23 : memref<7168xi32, #tpu.memory_space<vmem>>) target_semaphore(%arg28 : memref<!tpu.dma_semaphore, #tpu.memory_space<semaphore_mem>>)
      %dma_wait3A_216 = arith.constant 0 : i32
      %dma_wait3A_217 = tpu.memref_slice %arg11[%dma_wait3A_216] : memref<300288xf32, #tpu.memory_space<vmem_shared>> -> memref<300288xf32, #tpu.memory_space<vmem_shared>>
      tpu.wait_indirect_dma semaphore(%arg29 : memref<!tpu.dma_semaphore, #tpu.memory_space<semaphore_mem>>) src(%dma_wait3A_217 : memref<300288xf32, #tpu.memory_space<vmem_shared>>) dst(%arg26 : memref<7168xf32, #tpu.memory_space<vmem>>)
      %dma_start3A_218 = arith.constant 0 : i32
      %dma_start3A_219 = tpu.memref_slice %arg12[%dma_start3A_218] : memref<100096xf32, #tpu.memory_space<vmem_shared>> -> memref<100096xf32, #tpu.memory_space<vmem_shared>>
      tpu.enqueue_indirect_dma source(%arg26 : memref<7168xf32, #tpu.memory_space<vmem>>) target(%dma_start3A_219 : memref<100096xf32, #tpu.memory_space<vmem_shared>>) offsets(%arg24 : memref<7168xi32, #tpu.memory_space<vmem>>) semaphore(%arg30 : memref<!tpu.dma_semaphore, #tpu.memory_space<semaphore_mem>>) {add = true}
      %dma_wait3A_220 = tpu.memref_slice %arg5[%add3A_205] : memref<3211264xi32, #tpu.memory_space<hbm>> -> memref<7168xi32, #tpu.memory_space<hbm>>
      %dma_wait3A_221 = tpu.memref_slice %arg5[%add3A_205] : memref<3211264xi32, #tpu.memory_space<hbm>> -> memref<7168xi32, #tpu.memory_space<hbm>>
      tpu.wait_dma2 semaphore(%arg27 : memref<!tpu.dma_semaphore, #tpu.memory_space<semaphore_mem>>) src(%dma_wait3A_221 : memref<7168xi32, #tpu.memory_space<hbm>>) dst(%arg21 : memref<7168xi32, #tpu.memory_space<vmem>>)
      %dma_start3A_222 = arith.constant 0 : i32
      %dma_start3A_223 = tpu.memref_slice %arg11[%dma_start3A_222] : memref<300288xf32, #tpu.memory_space<vmem_shared>> -> memref<300288xf32, #tpu.memory_space<vmem_shared>>
      tpu.enqueue_indirect_dma source(%dma_start3A_223 : memref<300288xf32, #tpu.memory_space<vmem_shared>>) target(%arg25 : memref<7168xf32, #tpu.memory_space<vmem>>) offsets(%arg21 : memref<7168xi32, #tpu.memory_space<vmem>>) semaphore(%arg29 : memref<!tpu.dma_semaphore, #tpu.memory_space<semaphore_mem>>)
      %add3A_224 = arith.constant 21504 : i32
      %add3A_225 = arith.addi %mul3A_4, %add3A_224 : i32
      %dma_start3A_226 = tpu.memref_slice %arg5[%add3A_225] : memref<3211264xi32, #tpu.memory_space<hbm>> -> memref<7168xi32, #tpu.memory_space<hbm>>
      %dma_start3A_227 = tpu.memref_slice %arg5[%add3A_225] : memref<3211264xi32, #tpu.memory_space<hbm>> -> memref<7168xi32, #tpu.memory_space<hbm>>
      tpu.enqueue_dma source(%dma_start3A_227 : memref<7168xi32, #tpu.memory_space<hbm>>) target(%arg22 : memref<7168xi32, #tpu.memory_space<vmem>>) target_semaphore(%arg27 : memref<!tpu.dma_semaphore, #tpu.memory_space<semaphore_mem>>)
      %dma_wait3A_228 = arith.constant 0 : i32
      %dma_wait3A_229 = tpu.memref_slice %arg12[%dma_wait3A_228] : memref<100096xf32, #tpu.memory_space<vmem_shared>> -> memref<100096xf32, #tpu.memory_space<vmem_shared>>
      tpu.wait_indirect_dma semaphore(%arg30 : memref<!tpu.dma_semaphore, #tpu.memory_space<semaphore_mem>>) src(%arg26 : memref<7168xf32, #tpu.memory_space<vmem>>) dst(%dma_wait3A_229 : memref<100096xf32, #tpu.memory_space<vmem_shared>>)
      %dma_wait3A_230 = tpu.memref_slice %arg7[%add3A_213] : memref<3211264xi32, #tpu.memory_space<hbm>> -> memref<7168xi32, #tpu.memory_space<hbm>>
      %dma_wait3A_231 = tpu.memref_slice %arg7[%add3A_213] : memref<3211264xi32, #tpu.memory_space<hbm>> -> memref<7168xi32, #tpu.memory_space<hbm>>
      tpu.wait_dma2 semaphore(%arg28 : memref<!tpu.dma_semaphore, #tpu.memory_space<semaphore_mem>>) src(%dma_wait3A_231 : memref<7168xi32, #tpu.memory_space<hbm>>) dst(%arg23 : memref<7168xi32, #tpu.memory_space<vmem>>)
      %add3A_232 = arith.constant 21504 : i32
      %add3A_233 = arith.addi %mul3A_4, %add3A_232 : i32
      %dma_start3A_234 = tpu.memref_slice %arg7[%add3A_233] : memref<3211264xi32, #tpu.memory_space<hbm>> -> memref<7168xi32, #tpu.memory_space<hbm>>
      %dma_start3A_235 = tpu.memref_slice %arg7[%add3A_233] : memref<3211264xi32, #tpu.memory_space<hbm>> -> memref<7168xi32, #tpu.memory_space<hbm>>
      tpu.enqueue_dma source(%dma_start3A_235 : memref<7168xi32, #tpu.memory_space<hbm>>) target(%arg24 : memref<7168xi32, #tpu.memory_space<vmem>>) target_semaphore(%arg28 : memref<!tpu.dma_semaphore, #tpu.memory_space<semaphore_mem>>)
      %dma_wait3A_236 = arith.constant 0 : i32
      %dma_wait3A_237 = tpu.memref_slice %arg11[%dma_wait3A_236] : memref<300288xf32, #tpu.memory_space<vmem_shared>> -> memref<300288xf32, #tpu.memory_space<vmem_shared>>
      tpu.wait_indirect_dma semaphore(%arg29 : memref<!tpu.dma_semaphore, #tpu.memory_space<semaphore_mem>>) src(%dma_wait3A_237 : memref<300288xf32, #tpu.memory_space<vmem_shared>>) dst(%arg25 : memref<7168xf32, #tpu.memory_space<vmem>>)
      %dma_start3A_238 = arith.constant 0 : i32
      %dma_start3A_239 = tpu.memref_slice %arg12[%dma_start3A_238] : memref<100096xf32, #tpu.memory_space<vmem_shared>> -> memref<100096xf32, #tpu.memory_space<vmem_shared>>
      tpu.enqueue_indirect_dma source(%arg25 : memref<7168xf32, #tpu.memory_space<vmem>>) target(%dma_start3A_239 : memref<100096xf32, #tpu.memory_space<vmem_shared>>) offsets(%arg23 : memref<7168xi32, #tpu.memory_space<vmem>>) semaphore(%arg30 : memref<!tpu.dma_semaphore, #tpu.memory_space<semaphore_mem>>) {add = true}
      %dma_wait3A_240 = tpu.memref_slice %arg5[%add3A_225] : memref<3211264xi32, #tpu.memory_space<hbm>> -> memref<7168xi32, #tpu.memory_space<hbm>>
      %dma_wait3A_241 = tpu.memref_slice %arg5[%add3A_225] : memref<3211264xi32, #tpu.memory_space<hbm>> -> memref<7168xi32, #tpu.memory_space<hbm>>
      tpu.wait_dma2 semaphore(%arg27 : memref<!tpu.dma_semaphore, #tpu.memory_space<semaphore_mem>>) src(%dma_wait3A_241 : memref<7168xi32, #tpu.memory_space<hbm>>) dst(%arg22 : memref<7168xi32, #tpu.memory_space<vmem>>)
      %dma_start3A_242 = arith.constant 0 : i32
      %dma_start3A_243 = tpu.memref_slice %arg11[%dma_start3A_242] : memref<300288xf32, #tpu.memory_space<vmem_shared>> -> memref<300288xf32, #tpu.memory_space<vmem_shared>>
      tpu.enqueue_indirect_dma source(%dma_start3A_243 : memref<300288xf32, #tpu.memory_space<vmem_shared>>) target(%arg26 : memref<7168xf32, #tpu.memory_space<vmem>>) offsets(%arg22 : memref<7168xi32, #tpu.memory_space<vmem>>) semaphore(%arg29 : memref<!tpu.dma_semaphore, #tpu.memory_space<semaphore_mem>>)
      %add3A_244 = arith.constant 28672 : i32
      %add3A_245 = arith.addi %mul3A_4, %add3A_244 : i32
      %dma_start3A_246 = tpu.memref_slice %arg5[%add3A_245] : memref<3211264xi32, #tpu.memory_space<hbm>> -> memref<7168xi32, #tpu.memory_space<hbm>>
      %dma_start3A_247 = tpu.memref_slice %arg5[%add3A_245] : memref<3211264xi32, #tpu.memory_space<hbm>> -> memref<7168xi32, #tpu.memory_space<hbm>>
      tpu.enqueue_dma source(%dma_start3A_247 : memref<7168xi32, #tpu.memory_space<hbm>>) target(%arg21 : memref<7168xi32, #tpu.memory_space<vmem>>) target_semaphore(%arg27 : memref<!tpu.dma_semaphore, #tpu.memory_space<semaphore_mem>>)
      %dma_wait3A_248 = arith.constant 0 : i32
      %dma_wait3A_249 = tpu.memref_slice %arg12[%dma_wait3A_248] : memref<100096xf32, #tpu.memory_space<vmem_shared>> -> memref<100096xf32, #tpu.memory_space<vmem_shared>>
      tpu.wait_indirect_dma semaphore(%arg30 : memref<!tpu.dma_semaphore, #tpu.memory_space<semaphore_mem>>) src(%arg25 : memref<7168xf32, #tpu.memory_space<vmem>>) dst(%dma_wait3A_249 : memref<100096xf32, #tpu.memory_space<vmem_shared>>)
      %dma_wait3A_250 = tpu.memref_slice %arg7[%add3A_233] : memref<3211264xi32, #tpu.memory_space<hbm>> -> memref<7168xi32, #tpu.memory_space<hbm>>
      %dma_wait3A_251 = tpu.memref_slice %arg7[%add3A_233] : memref<3211264xi32, #tpu.memory_space<hbm>> -> memref<7168xi32, #tpu.memory_space<hbm>>
      tpu.wait_dma2 semaphore(%arg28 : memref<!tpu.dma_semaphore, #tpu.memory_space<semaphore_mem>>) src(%dma_wait3A_251 : memref<7168xi32, #tpu.memory_space<hbm>>) dst(%arg24 : memref<7168xi32, #tpu.memory_space<vmem>>)
      %add3A_252 = arith.constant 28672 : i32
      %add3A_253 = arith.addi %mul3A_4, %add3A_252 : i32
      %dma_start3A_254 = tpu.memref_slice %arg7[%add3A_253] : memref<3211264xi32, #tpu.memory_space<hbm>> -> memref<7168xi32, #tpu.memory_space<hbm>>
      %dma_start3A_255 = tpu.memref_slice %arg7[%add3A_253] : memref<3211264xi32, #tpu.memory_space<hbm>> -> memref<7168xi32, #tpu.memory_space<hbm>>
      tpu.enqueue_dma source(%dma_start3A_255 : memref<7168xi32, #tpu.memory_space<hbm>>) target(%arg23 : memref<7168xi32, #tpu.memory_space<vmem>>) target_semaphore(%arg28 : memref<!tpu.dma_semaphore, #tpu.memory_space<semaphore_mem>>)
      %dma_wait3A_256 = arith.constant 0 : i32
      %dma_wait3A_257 = tpu.memref_slice %arg11[%dma_wait3A_256] : memref<300288xf32, #tpu.memory_space<vmem_shared>> -> memref<300288xf32, #tpu.memory_space<vmem_shared>>
      tpu.wait_indirect_dma semaphore(%arg29 : memref<!tpu.dma_semaphore, #tpu.memory_space<semaphore_mem>>) src(%dma_wait3A_257 : memref<300288xf32, #tpu.memory_space<vmem_shared>>) dst(%arg26 : memref<7168xf32, #tpu.memory_space<vmem>>)
      %dma_start3A_258 = arith.constant 0 : i32
      %dma_start3A_259 = tpu.memref_slice %arg12[%dma_start3A_258] : memref<100096xf32, #tpu.memory_space<vmem_shared>> -> memref<100096xf32, #tpu.memory_space<vmem_shared>>
      tpu.enqueue_indirect_dma source(%arg26 : memref<7168xf32, #tpu.memory_space<vmem>>) target(%dma_start3A_259 : memref<100096xf32, #tpu.memory_space<vmem_shared>>) offsets(%arg24 : memref<7168xi32, #tpu.memory_space<vmem>>) semaphore(%arg30 : memref<!tpu.dma_semaphore, #tpu.memory_space<semaphore_mem>>) {add = true}
      %dma_wait3A_260 = tpu.memref_slice %arg5[%add3A_245] : memref<3211264xi32, #tpu.memory_space<hbm>> -> memref<7168xi32, #tpu.memory_space<hbm>>
      %dma_wait3A_261 = tpu.memref_slice %arg5[%add3A_245] : memref<3211264xi32, #tpu.memory_space<hbm>> -> memref<7168xi32, #tpu.memory_space<hbm>>
      tpu.wait_dma2 semaphore(%arg27 : memref<!tpu.dma_semaphore, #tpu.memory_space<semaphore_mem>>) src(%dma_wait3A_261 : memref<7168xi32, #tpu.memory_space<hbm>>) dst(%arg21 : memref<7168xi32, #tpu.memory_space<vmem>>)
      %dma_start3A_262 = arith.constant 0 : i32
      %dma_start3A_263 = tpu.memref_slice %arg11[%dma_start3A_262] : memref<300288xf32, #tpu.memory_space<vmem_shared>> -> memref<300288xf32, #tpu.memory_space<vmem_shared>>
      tpu.enqueue_indirect_dma source(%dma_start3A_263 : memref<300288xf32, #tpu.memory_space<vmem_shared>>) target(%arg25 : memref<7168xf32, #tpu.memory_space<vmem>>) offsets(%arg21 : memref<7168xi32, #tpu.memory_space<vmem>>) semaphore(%arg29 : memref<!tpu.dma_semaphore, #tpu.memory_space<semaphore_mem>>)
      %add3A_264 = arith.constant 35840 : i32
      %add3A_265 = arith.addi %mul3A_4, %add3A_264 : i32
      %dma_start3A_266 = tpu.memref_slice %arg5[%add3A_265] : memref<3211264xi32, #tpu.memory_space<hbm>> -> memref<7168xi32, #tpu.memory_space<hbm>>
      %dma_start3A_267 = tpu.memref_slice %arg5[%add3A_265] : memref<3211264xi32, #tpu.memory_space<hbm>> -> memref<7168xi32, #tpu.memory_space<hbm>>
      tpu.enqueue_dma source(%dma_start3A_267 : memref<7168xi32, #tpu.memory_space<hbm>>) target(%arg22 : memref<7168xi32, #tpu.memory_space<vmem>>) target_semaphore(%arg27 : memref<!tpu.dma_semaphore, #tpu.memory_space<semaphore_mem>>)
      %dma_wait3A_268 = arith.constant 0 : i32
      %dma_wait3A_269 = tpu.memref_slice %arg12[%dma_wait3A_268] : memref<100096xf32, #tpu.memory_space<vmem_shared>> -> memref<100096xf32, #tpu.memory_space<vmem_shared>>
      tpu.wait_indirect_dma semaphore(%arg30 : memref<!tpu.dma_semaphore, #tpu.memory_space<semaphore_mem>>) src(%arg26 : memref<7168xf32, #tpu.memory_space<vmem>>) dst(%dma_wait3A_269 : memref<100096xf32, #tpu.memory_space<vmem_shared>>)
      %dma_wait3A_270 = tpu.memref_slice %arg7[%add3A_253] : memref<3211264xi32, #tpu.memory_space<hbm>> -> memref<7168xi32, #tpu.memory_space<hbm>>
      %dma_wait3A_271 = tpu.memref_slice %arg7[%add3A_253] : memref<3211264xi32, #tpu.memory_space<hbm>> -> memref<7168xi32, #tpu.memory_space<hbm>>
      tpu.wait_dma2 semaphore(%arg28 : memref<!tpu.dma_semaphore, #tpu.memory_space<semaphore_mem>>) src(%dma_wait3A_271 : memref<7168xi32, #tpu.memory_space<hbm>>) dst(%arg23 : memref<7168xi32, #tpu.memory_space<vmem>>)
      %add3A_272 = arith.constant 35840 : i32
      %add3A_273 = arith.addi %mul3A_4, %add3A_272 : i32
      %dma_start3A_274 = tpu.memref_slice %arg7[%add3A_273] : memref<3211264xi32, #tpu.memory_space<hbm>> -> memref<7168xi32, #tpu.memory_space<hbm>>
      %dma_start3A_275 = tpu.memref_slice %arg7[%add3A_273] : memref<3211264xi32, #tpu.memory_space<hbm>> -> memref<7168xi32, #tpu.memory_space<hbm>>
      tpu.enqueue_dma source(%dma_start3A_275 : memref<7168xi32, #tpu.memory_space<hbm>>) target(%arg24 : memref<7168xi32, #tpu.memory_space<vmem>>) target_semaphore(%arg28 : memref<!tpu.dma_semaphore, #tpu.memory_space<semaphore_mem>>)
      %dma_wait3A_276 = arith.constant 0 : i32
      %dma_wait3A_277 = tpu.memref_slice %arg11[%dma_wait3A_276] : memref<300288xf32, #tpu.memory_space<vmem_shared>> -> memref<300288xf32, #tpu.memory_space<vmem_shared>>
      tpu.wait_indirect_dma semaphore(%arg29 : memref<!tpu.dma_semaphore, #tpu.memory_space<semaphore_mem>>) src(%dma_wait3A_277 : memref<300288xf32, #tpu.memory_space<vmem_shared>>) dst(%arg25 : memref<7168xf32, #tpu.memory_space<vmem>>)
      %dma_start3A_278 = arith.constant 0 : i32
      %dma_start3A_279 = tpu.memref_slice %arg12[%dma_start3A_278] : memref<100096xf32, #tpu.memory_space<vmem_shared>> -> memref<100096xf32, #tpu.memory_space<vmem_shared>>
      tpu.enqueue_indirect_dma source(%arg25 : memref<7168xf32, #tpu.memory_space<vmem>>) target(%dma_start3A_279 : memref<100096xf32, #tpu.memory_space<vmem_shared>>) offsets(%arg23 : memref<7168xi32, #tpu.memory_space<vmem>>) semaphore(%arg30 : memref<!tpu.dma_semaphore, #tpu.memory_space<semaphore_mem>>) {add = true}
      %dma_wait3A_280 = tpu.memref_slice %arg5[%add3A_265] : memref<3211264xi32, #tpu.memory_space<hbm>> -> memref<7168xi32, #tpu.memory_space<hbm>>
      %dma_wait3A_281 = tpu.memref_slice %arg5[%add3A_265] : memref<3211264xi32, #tpu.memory_space<hbm>> -> memref<7168xi32, #tpu.memory_space<hbm>>
      tpu.wait_dma2 semaphore(%arg27 : memref<!tpu.dma_semaphore, #tpu.memory_space<semaphore_mem>>) src(%dma_wait3A_281 : memref<7168xi32, #tpu.memory_space<hbm>>) dst(%arg22 : memref<7168xi32, #tpu.memory_space<vmem>>)
      %dma_start3A_282 = arith.constant 0 : i32
      %dma_start3A_283 = tpu.memref_slice %arg11[%dma_start3A_282] : memref<300288xf32, #tpu.memory_space<vmem_shared>> -> memref<300288xf32, #tpu.memory_space<vmem_shared>>
      tpu.enqueue_indirect_dma source(%dma_start3A_283 : memref<300288xf32, #tpu.memory_space<vmem_shared>>) target(%arg26 : memref<7168xf32, #tpu.memory_space<vmem>>) offsets(%arg22 : memref<7168xi32, #tpu.memory_space<vmem>>) semaphore(%arg29 : memref<!tpu.dma_semaphore, #tpu.memory_space<semaphore_mem>>)
      %add3A_284 = arith.constant 43008 : i32
      %add3A_285 = arith.addi %mul3A_4, %add3A_284 : i32
      %dma_start3A_286 = tpu.memref_slice %arg5[%add3A_285] : memref<3211264xi32, #tpu.memory_space<hbm>> -> memref<7168xi32, #tpu.memory_space<hbm>>
      %dma_start3A_287 = tpu.memref_slice %arg5[%add3A_285] : memref<3211264xi32, #tpu.memory_space<hbm>> -> memref<7168xi32, #tpu.memory_space<hbm>>
      tpu.enqueue_dma source(%dma_start3A_287 : memref<7168xi32, #tpu.memory_space<hbm>>) target(%arg21 : memref<7168xi32, #tpu.memory_space<vmem>>) target_semaphore(%arg27 : memref<!tpu.dma_semaphore, #tpu.memory_space<semaphore_mem>>)
      %dma_wait3A_288 = arith.constant 0 : i32
      %dma_wait3A_289 = tpu.memref_slice %arg12[%dma_wait3A_288] : memref<100096xf32, #tpu.memory_space<vmem_shared>> -> memref<100096xf32, #tpu.memory_space<vmem_shared>>
      tpu.wait_indirect_dma semaphore(%arg30 : memref<!tpu.dma_semaphore, #tpu.memory_space<semaphore_mem>>) src(%arg25 : memref<7168xf32, #tpu.memory_space<vmem>>) dst(%dma_wait3A_289 : memref<100096xf32, #tpu.memory_space<vmem_shared>>)
      %dma_wait3A_290 = tpu.memref_slice %arg7[%add3A_273] : memref<3211264xi32, #tpu.memory_space<hbm>> -> memref<7168xi32, #tpu.memory_space<hbm>>
      %dma_wait3A_291 = tpu.memref_slice %arg7[%add3A_273] : memref<3211264xi32, #tpu.memory_space<hbm>> -> memref<7168xi32, #tpu.memory_space<hbm>>
      tpu.wait_dma2 semaphore(%arg28 : memref<!tpu.dma_semaphore, #tpu.memory_space<semaphore_mem>>) src(%dma_wait3A_291 : memref<7168xi32, #tpu.memory_space<hbm>>) dst(%arg24 : memref<7168xi32, #tpu.memory_space<vmem>>)
      %add3A_292 = arith.constant 43008 : i32
      %add3A_293 = arith.addi %mul3A_4, %add3A_292 : i32
      %dma_start3A_294 = tpu.memref_slice %arg7[%add3A_293] : memref<3211264xi32, #tpu.memory_space<hbm>> -> memref<7168xi32, #tpu.memory_space<hbm>>
      %dma_start3A_295 = tpu.memref_slice %arg7[%add3A_293] : memref<3211264xi32, #tpu.memory_space<hbm>> -> memref<7168xi32, #tpu.memory_space<hbm>>
      tpu.enqueue_dma source(%dma_start3A_295 : memref<7168xi32, #tpu.memory_space<hbm>>) target(%arg23 : memref<7168xi32, #tpu.memory_space<vmem>>) target_semaphore(%arg28 : memref<!tpu.dma_semaphore, #tpu.memory_space<semaphore_mem>>)
      %dma_wait3A_296 = arith.constant 0 : i32
      %dma_wait3A_297 = tpu.memref_slice %arg11[%dma_wait3A_296] : memref<300288xf32, #tpu.memory_space<vmem_shared>> -> memref<300288xf32, #tpu.memory_space<vmem_shared>>
      tpu.wait_indirect_dma semaphore(%arg29 : memref<!tpu.dma_semaphore, #tpu.memory_space<semaphore_mem>>) src(%dma_wait3A_297 : memref<300288xf32, #tpu.memory_space<vmem_shared>>) dst(%arg26 : memref<7168xf32, #tpu.memory_space<vmem>>)
      %dma_start3A_298 = arith.constant 0 : i32
      %dma_start3A_299 = tpu.memref_slice %arg12[%dma_start3A_298] : memref<100096xf32, #tpu.memory_space<vmem_shared>> -> memref<100096xf32, #tpu.memory_space<vmem_shared>>
      tpu.enqueue_indirect_dma source(%arg26 : memref<7168xf32, #tpu.memory_space<vmem>>) target(%dma_start3A_299 : memref<100096xf32, #tpu.memory_space<vmem_shared>>) offsets(%arg24 : memref<7168xi32, #tpu.memory_space<vmem>>) semaphore(%arg30 : memref<!tpu.dma_semaphore, #tpu.memory_space<semaphore_mem>>) {add = true}
      %dma_wait3A_300 = tpu.memref_slice %arg5[%add3A_285] : memref<3211264xi32, #tpu.memory_space<hbm>> -> memref<7168xi32, #tpu.memory_space<hbm>>
      %dma_wait3A_301 = tpu.memref_slice %arg5[%add3A_285] : memref<3211264xi32, #tpu.memory_space<hbm>> -> memref<7168xi32, #tpu.memory_space<hbm>>
      tpu.wait_dma2 semaphore(%arg27 : memref<!tpu.dma_semaphore, #tpu.memory_space<semaphore_mem>>) src(%dma_wait3A_301 : memref<7168xi32, #tpu.memory_space<hbm>>) dst(%arg21 : memref<7168xi32, #tpu.memory_space<vmem>>)
      %dma_start3A_302 = arith.constant 0 : i32
      %dma_start3A_303 = tpu.memref_slice %arg11[%dma_start3A_302] : memref<300288xf32, #tpu.memory_space<vmem_shared>> -> memref<300288xf32, #tpu.memory_space<vmem_shared>>
      tpu.enqueue_indirect_dma source(%dma_start3A_303 : memref<300288xf32, #tpu.memory_space<vmem_shared>>) target(%arg25 : memref<7168xf32, #tpu.memory_space<vmem>>) offsets(%arg21 : memref<7168xi32, #tpu.memory_space<vmem>>) semaphore(%arg29 : memref<!tpu.dma_semaphore, #tpu.memory_space<semaphore_mem>>)
      %add3A_304 = arith.constant 50176 : i32
      %add3A_305 = arith.addi %mul3A_4, %add3A_304 : i32
      %dma_start3A_306 = tpu.memref_slice %arg5[%add3A_305] : memref<3211264xi32, #tpu.memory_space<hbm>> -> memref<7168xi32, #tpu.memory_space<hbm>>
      %dma_start3A_307 = tpu.memref_slice %arg5[%add3A_305] : memref<3211264xi32, #tpu.memory_space<hbm>> -> memref<7168xi32, #tpu.memory_space<hbm>>
      tpu.enqueue_dma source(%dma_start3A_307 : memref<7168xi32, #tpu.memory_space<hbm>>) target(%arg22 : memref<7168xi32, #tpu.memory_space<vmem>>) target_semaphore(%arg27 : memref<!tpu.dma_semaphore, #tpu.memory_space<semaphore_mem>>)
      %dma_wait3A_308 = arith.constant 0 : i32
      %dma_wait3A_309 = tpu.memref_slice %arg12[%dma_wait3A_308] : memref<100096xf32, #tpu.memory_space<vmem_shared>> -> memref<100096xf32, #tpu.memory_space<vmem_shared>>
      tpu.wait_indirect_dma semaphore(%arg30 : memref<!tpu.dma_semaphore, #tpu.memory_space<semaphore_mem>>) src(%arg26 : memref<7168xf32, #tpu.memory_space<vmem>>) dst(%dma_wait3A_309 : memref<100096xf32, #tpu.memory_space<vmem_shared>>)
      %dma_wait3A_310 = tpu.memref_slice %arg7[%add3A_293] : memref<3211264xi32, #tpu.memory_space<hbm>> -> memref<7168xi32, #tpu.memory_space<hbm>>
      %dma_wait3A_311 = tpu.memref_slice %arg7[%add3A_293] : memref<3211264xi32, #tpu.memory_space<hbm>> -> memref<7168xi32, #tpu.memory_space<hbm>>
      tpu.wait_dma2 semaphore(%arg28 : memref<!tpu.dma_semaphore, #tpu.memory_space<semaphore_mem>>) src(%dma_wait3A_311 : memref<7168xi32, #tpu.memory_space<hbm>>) dst(%arg23 : memref<7168xi32, #tpu.memory_space<vmem>>)
      %add3A_312 = arith.constant 50176 : i32
      %add3A_313 = arith.addi %mul3A_4, %add3A_312 : i32
      %dma_start3A_314 = tpu.memref_slice %arg7[%add3A_313] : memref<3211264xi32, #tpu.memory_space<hbm>> -> memref<7168xi32, #tpu.memory_space<hbm>>
      %dma_start3A_315 = tpu.memref_slice %arg7[%add3A_313] : memref<3211264xi32, #tpu.memory_space<hbm>> -> memref<7168xi32, #tpu.memory_space<hbm>>
      tpu.enqueue_dma source(%dma_start3A_315 : memref<7168xi32, #tpu.memory_space<hbm>>) target(%arg24 : memref<7168xi32, #tpu.memory_space<vmem>>) target_semaphore(%arg28 : memref<!tpu.dma_semaphore, #tpu.memory_space<semaphore_mem>>)
      %dma_wait3A_316 = arith.constant 0 : i32
      %dma_wait3A_317 = tpu.memref_slice %arg11[%dma_wait3A_316] : memref<300288xf32, #tpu.memory_space<vmem_shared>> -> memref<300288xf32, #tpu.memory_space<vmem_shared>>
      tpu.wait_indirect_dma semaphore(%arg29 : memref<!tpu.dma_semaphore, #tpu.memory_space<semaphore_mem>>) src(%dma_wait3A_317 : memref<300288xf32, #tpu.memory_space<vmem_shared>>) dst(%arg25 : memref<7168xf32, #tpu.memory_space<vmem>>)
      %dma_start3A_318 = arith.constant 0 : i32
      %dma_start3A_319 = tpu.memref_slice %arg12[%dma_start3A_318] : memref<100096xf32, #tpu.memory_space<vmem_shared>> -> memref<100096xf32, #tpu.memory_space<vmem_shared>>
      tpu.enqueue_indirect_dma source(%arg25 : memref<7168xf32, #tpu.memory_space<vmem>>) target(%dma_start3A_319 : memref<100096xf32, #tpu.memory_space<vmem_shared>>) offsets(%arg23 : memref<7168xi32, #tpu.memory_space<vmem>>) semaphore(%arg30 : memref<!tpu.dma_semaphore, #tpu.memory_space<semaphore_mem>>) {add = true}
      %dma_wait3A_320 = tpu.memref_slice %arg5[%add3A_305] : memref<3211264xi32, #tpu.memory_space<hbm>> -> memref<7168xi32, #tpu.memory_space<hbm>>
      %dma_wait3A_321 = tpu.memref_slice %arg5[%add3A_305] : memref<3211264xi32, #tpu.memory_space<hbm>> -> memref<7168xi32, #tpu.memory_space<hbm>>
      tpu.wait_dma2 semaphore(%arg27 : memref<!tpu.dma_semaphore, #tpu.memory_space<semaphore_mem>>) src(%dma_wait3A_321 : memref<7168xi32, #tpu.memory_space<hbm>>) dst(%arg22 : memref<7168xi32, #tpu.memory_space<vmem>>)
      %dma_start3A_322 = arith.constant 0 : i32
      %dma_start3A_323 = tpu.memref_slice %arg11[%dma_start3A_322] : memref<300288xf32, #tpu.memory_space<vmem_shared>> -> memref<300288xf32, #tpu.memory_space<vmem_shared>>
      tpu.enqueue_indirect_dma source(%dma_start3A_323 : memref<300288xf32, #tpu.memory_space<vmem_shared>>) target(%arg26 : memref<7168xf32, #tpu.memory_space<vmem>>) offsets(%arg22 : memref<7168xi32, #tpu.memory_space<vmem>>) semaphore(%arg29 : memref<!tpu.dma_semaphore, #tpu.memory_space<semaphore_mem>>)
      %add3A_324 = arith.constant 57344 : i32
      %add3A_325 = arith.addi %mul3A_4, %add3A_324 : i32
      %dma_start3A_326 = tpu.memref_slice %arg5[%add3A_325] : memref<3211264xi32, #tpu.memory_space<hbm>> -> memref<7168xi32, #tpu.memory_space<hbm>>
      %dma_start3A_327 = tpu.memref_slice %arg5[%add3A_325] : memref<3211264xi32, #tpu.memory_space<hbm>> -> memref<7168xi32, #tpu.memory_space<hbm>>
      tpu.enqueue_dma source(%dma_start3A_327 : memref<7168xi32, #tpu.memory_space<hbm>>) target(%arg21 : memref<7168xi32, #tpu.memory_space<vmem>>) target_semaphore(%arg27 : memref<!tpu.dma_semaphore, #tpu.memory_space<semaphore_mem>>)
      %dma_wait3A_328 = arith.constant 0 : i32
      %dma_wait3A_329 = tpu.memref_slice %arg12[%dma_wait3A_328] : memref<100096xf32, #tpu.memory_space<vmem_shared>> -> memref<100096xf32, #tpu.memory_space<vmem_shared>>
      tpu.wait_indirect_dma semaphore(%arg30 : memref<!tpu.dma_semaphore, #tpu.memory_space<semaphore_mem>>) src(%arg25 : memref<7168xf32, #tpu.memory_space<vmem>>) dst(%dma_wait3A_329 : memref<100096xf32, #tpu.memory_space<vmem_shared>>)
      %dma_wait3A_330 = tpu.memref_slice %arg7[%add3A_313] : memref<3211264xi32, #tpu.memory_space<hbm>> -> memref<7168xi32, #tpu.memory_space<hbm>>
      %dma_wait3A_331 = tpu.memref_slice %arg7[%add3A_313] : memref<3211264xi32, #tpu.memory_space<hbm>> -> memref<7168xi32, #tpu.memory_space<hbm>>
      tpu.wait_dma2 semaphore(%arg28 : memref<!tpu.dma_semaphore, #tpu.memory_space<semaphore_mem>>) src(%dma_wait3A_331 : memref<7168xi32, #tpu.memory_space<hbm>>) dst(%arg24 : memref<7168xi32, #tpu.memory_space<vmem>>)
      %add3A_332 = arith.constant 57344 : i32
      %add3A_333 = arith.addi %mul3A_4, %add3A_332 : i32
      %dma_start3A_334 = tpu.memref_slice %arg7[%add3A_333] : memref<3211264xi32, #tpu.memory_space<hbm>> -> memref<7168xi32, #tpu.memory_space<hbm>>
      %dma_start3A_335 = tpu.memref_slice %arg7[%add3A_333] : memref<3211264xi32, #tpu.memory_space<hbm>> -> memref<7168xi32, #tpu.memory_space<hbm>>
      tpu.enqueue_dma source(%dma_start3A_335 : memref<7168xi32, #tpu.memory_space<hbm>>) target(%arg23 : memref<7168xi32, #tpu.memory_space<vmem>>) target_semaphore(%arg28 : memref<!tpu.dma_semaphore, #tpu.memory_space<semaphore_mem>>)
      %dma_wait3A_336 = arith.constant 0 : i32
      %dma_wait3A_337 = tpu.memref_slice %arg11[%dma_wait3A_336] : memref<300288xf32, #tpu.memory_space<vmem_shared>> -> memref<300288xf32, #tpu.memory_space<vmem_shared>>
      tpu.wait_indirect_dma semaphore(%arg29 : memref<!tpu.dma_semaphore, #tpu.memory_space<semaphore_mem>>) src(%dma_wait3A_337 : memref<300288xf32, #tpu.memory_space<vmem_shared>>) dst(%arg26 : memref<7168xf32, #tpu.memory_space<vmem>>)
      %dma_start3A_338 = arith.constant 0 : i32
      %dma_start3A_339 = tpu.memref_slice %arg12[%dma_start3A_338] : memref<100096xf32, #tpu.memory_space<vmem_shared>> -> memref<100096xf32, #tpu.memory_space<vmem_shared>>
      tpu.enqueue_indirect_dma source(%arg26 : memref<7168xf32, #tpu.memory_space<vmem>>) target(%dma_start3A_339 : memref<100096xf32, #tpu.memory_space<vmem_shared>>) offsets(%arg24 : memref<7168xi32, #tpu.memory_space<vmem>>) semaphore(%arg30 : memref<!tpu.dma_semaphore, #tpu.memory_space<semaphore_mem>>) {add = true}
      %dma_wait3A_340 = tpu.memref_slice %arg5[%add3A_325] : memref<3211264xi32, #tpu.memory_space<hbm>> -> memref<7168xi32, #tpu.memory_space<hbm>>
      %dma_wait3A_341 = tpu.memref_slice %arg5[%add3A_325] : memref<3211264xi32, #tpu.memory_space<hbm>> -> memref<7168xi32, #tpu.memory_space<hbm>>
      tpu.wait_dma2 semaphore(%arg27 : memref<!tpu.dma_semaphore, #tpu.memory_space<semaphore_mem>>) src(%dma_wait3A_341 : memref<7168xi32, #tpu.memory_space<hbm>>) dst(%arg21 : memref<7168xi32, #tpu.memory_space<vmem>>)
      %dma_start3A_342 = arith.constant 0 : i32
      %dma_start3A_343 = tpu.memref_slice %arg11[%dma_start3A_342] : memref<300288xf32, #tpu.memory_space<vmem_shared>> -> memref<300288xf32, #tpu.memory_space<vmem_shared>>
      tpu.enqueue_indirect_dma source(%dma_start3A_343 : memref<300288xf32, #tpu.memory_space<vmem_shared>>) target(%arg25 : memref<7168xf32, #tpu.memory_space<vmem>>) offsets(%arg21 : memref<7168xi32, #tpu.memory_space<vmem>>) semaphore(%arg29 : memref<!tpu.dma_semaphore, #tpu.memory_space<semaphore_mem>>)
      %add3A_344 = arith.constant 64512 : i32
      %add3A_345 = arith.addi %mul3A_4, %add3A_344 : i32
      %dma_start3A_346 = tpu.memref_slice %arg5[%add3A_345] : memref<3211264xi32, #tpu.memory_space<hbm>> -> memref<7168xi32, #tpu.memory_space<hbm>>
      %dma_start3A_347 = tpu.memref_slice %arg5[%add3A_345] : memref<3211264xi32, #tpu.memory_space<hbm>> -> memref<7168xi32, #tpu.memory_space<hbm>>
      tpu.enqueue_dma source(%dma_start3A_347 : memref<7168xi32, #tpu.memory_space<hbm>>) target(%arg22 : memref<7168xi32, #tpu.memory_space<vmem>>) target_semaphore(%arg27 : memref<!tpu.dma_semaphore, #tpu.memory_space<semaphore_mem>>)
      %dma_wait3A_348 = arith.constant 0 : i32
      %dma_wait3A_349 = tpu.memref_slice %arg12[%dma_wait3A_348] : memref<100096xf32, #tpu.memory_space<vmem_shared>> -> memref<100096xf32, #tpu.memory_space<vmem_shared>>
      tpu.wait_indirect_dma semaphore(%arg30 : memref<!tpu.dma_semaphore, #tpu.memory_space<semaphore_mem>>) src(%arg26 : memref<7168xf32, #tpu.memory_space<vmem>>) dst(%dma_wait3A_349 : memref<100096xf32, #tpu.memory_space<vmem_shared>>)
      %dma_wait3A_350 = tpu.memref_slice %arg7[%add3A_333] : memref<3211264xi32, #tpu.memory_space<hbm>> -> memref<7168xi32, #tpu.memory_space<hbm>>
      %dma_wait3A_351 = tpu.memref_slice %arg7[%add3A_333] : memref<3211264xi32, #tpu.memory_space<hbm>> -> memref<7168xi32, #tpu.memory_space<hbm>>
      tpu.wait_dma2 semaphore(%arg28 : memref<!tpu.dma_semaphore, #tpu.memory_space<semaphore_mem>>) src(%dma_wait3A_351 : memref<7168xi32, #tpu.memory_space<hbm>>) dst(%arg23 : memref<7168xi32, #tpu.memory_space<vmem>>)
      %add3A_352 = arith.constant 64512 : i32
      %add3A_353 = arith.addi %mul3A_4, %add3A_352 : i32
      %dma_start3A_354 = tpu.memref_slice %arg7[%add3A_353] : memref<3211264xi32, #tpu.memory_space<hbm>> -> memref<7168xi32, #tpu.memory_space<hbm>>
      %dma_start3A_355 = tpu.memref_slice %arg7[%add3A_353] : memref<3211264xi32, #tpu.memory_space<hbm>> -> memref<7168xi32, #tpu.memory_space<hbm>>
      tpu.enqueue_dma source(%dma_start3A_355 : memref<7168xi32, #tpu.memory_space<hbm>>) target(%arg24 : memref<7168xi32, #tpu.memory_space<vmem>>) target_semaphore(%arg28 : memref<!tpu.dma_semaphore, #tpu.memory_space<semaphore_mem>>)
      %dma_wait3A_356 = arith.constant 0 : i32
      %dma_wait3A_357 = tpu.memref_slice %arg11[%dma_wait3A_356] : memref<300288xf32, #tpu.memory_space<vmem_shared>> -> memref<300288xf32, #tpu.memory_space<vmem_shared>>
      tpu.wait_indirect_dma semaphore(%arg29 : memref<!tpu.dma_semaphore, #tpu.memory_space<semaphore_mem>>) src(%dma_wait3A_357 : memref<300288xf32, #tpu.memory_space<vmem_shared>>) dst(%arg25 : memref<7168xf32, #tpu.memory_space<vmem>>)
      %dma_start3A_358 = arith.constant 0 : i32
      %dma_start3A_359 = tpu.memref_slice %arg12[%dma_start3A_358] : memref<100096xf32, #tpu.memory_space<vmem_shared>> -> memref<100096xf32, #tpu.memory_space<vmem_shared>>
      tpu.enqueue_indirect_dma source(%arg25 : memref<7168xf32, #tpu.memory_space<vmem>>) target(%dma_start3A_359 : memref<100096xf32, #tpu.memory_space<vmem_shared>>) offsets(%arg23 : memref<7168xi32, #tpu.memory_space<vmem>>) semaphore(%arg30 : memref<!tpu.dma_semaphore, #tpu.memory_space<semaphore_mem>>) {add = true}
      %dma_wait3A_360 = tpu.memref_slice %arg5[%add3A_345] : memref<3211264xi32, #tpu.memory_space<hbm>> -> memref<7168xi32, #tpu.memory_space<hbm>>
      %dma_wait3A_361 = tpu.memref_slice %arg5[%add3A_345] : memref<3211264xi32, #tpu.memory_space<hbm>> -> memref<7168xi32, #tpu.memory_space<hbm>>
      tpu.wait_dma2 semaphore(%arg27 : memref<!tpu.dma_semaphore, #tpu.memory_space<semaphore_mem>>) src(%dma_wait3A_361 : memref<7168xi32, #tpu.memory_space<hbm>>) dst(%arg22 : memref<7168xi32, #tpu.memory_space<vmem>>)
      %dma_start3A_362 = arith.constant 0 : i32
      %dma_start3A_363 = tpu.memref_slice %arg11[%dma_start3A_362] : memref<300288xf32, #tpu.memory_space<vmem_shared>> -> memref<300288xf32, #tpu.memory_space<vmem_shared>>
      tpu.enqueue_indirect_dma source(%dma_start3A_363 : memref<300288xf32, #tpu.memory_space<vmem_shared>>) target(%arg26 : memref<7168xf32, #tpu.memory_space<vmem>>) offsets(%arg22 : memref<7168xi32, #tpu.memory_space<vmem>>) semaphore(%arg29 : memref<!tpu.dma_semaphore, #tpu.memory_space<semaphore_mem>>)
      %add3A_364 = arith.constant 71680 : i32
      %add3A_365 = arith.addi %mul3A_4, %add3A_364 : i32
      %dma_start3A_366 = tpu.memref_slice %arg5[%add3A_365] : memref<3211264xi32, #tpu.memory_space<hbm>> -> memref<7168xi32, #tpu.memory_space<hbm>>
      %dma_start3A_367 = tpu.memref_slice %arg5[%add3A_365] : memref<3211264xi32, #tpu.memory_space<hbm>> -> memref<7168xi32, #tpu.memory_space<hbm>>
      tpu.enqueue_dma source(%dma_start3A_367 : memref<7168xi32, #tpu.memory_space<hbm>>) target(%arg21 : memref<7168xi32, #tpu.memory_space<vmem>>) target_semaphore(%arg27 : memref<!tpu.dma_semaphore, #tpu.memory_space<semaphore_mem>>)
      %dma_wait3A_368 = arith.constant 0 : i32
      %dma_wait3A_369 = tpu.memref_slice %arg12[%dma_wait3A_368] : memref<100096xf32, #tpu.memory_space<vmem_shared>> -> memref<100096xf32, #tpu.memory_space<vmem_shared>>
      tpu.wait_indirect_dma semaphore(%arg30 : memref<!tpu.dma_semaphore, #tpu.memory_space<semaphore_mem>>) src(%arg25 : memref<7168xf32, #tpu.memory_space<vmem>>) dst(%dma_wait3A_369 : memref<100096xf32, #tpu.memory_space<vmem_shared>>)
      %dma_wait3A_370 = tpu.memref_slice %arg7[%add3A_353] : memref<3211264xi32, #tpu.memory_space<hbm>> -> memref<7168xi32, #tpu.memory_space<hbm>>
      %dma_wait3A_371 = tpu.memref_slice %arg7[%add3A_353] : memref<3211264xi32, #tpu.memory_space<hbm>> -> memref<7168xi32, #tpu.memory_space<hbm>>
      tpu.wait_dma2 semaphore(%arg28 : memref<!tpu.dma_semaphore, #tpu.memory_space<semaphore_mem>>) src(%dma_wait3A_371 : memref<7168xi32, #tpu.memory_space<hbm>>) dst(%arg24 : memref<7168xi32, #tpu.memory_space<vmem>>)
      %add3A_372 = arith.constant 71680 : i32
      %add3A_373 = arith.addi %mul3A_4, %add3A_372 : i32
      %dma_start3A_374 = tpu.memref_slice %arg7[%add3A_373] : memref<3211264xi32, #tpu.memory_space<hbm>> -> memref<7168xi32, #tpu.memory_space<hbm>>
      %dma_start3A_375 = tpu.memref_slice %arg7[%add3A_373] : memref<3211264xi32, #tpu.memory_space<hbm>> -> memref<7168xi32, #tpu.memory_space<hbm>>
      tpu.enqueue_dma source(%dma_start3A_375 : memref<7168xi32, #tpu.memory_space<hbm>>) target(%arg23 : memref<7168xi32, #tpu.memory_space<vmem>>) target_semaphore(%arg28 : memref<!tpu.dma_semaphore, #tpu.memory_space<semaphore_mem>>)
      %dma_wait3A_376 = arith.constant 0 : i32
      %dma_wait3A_377 = tpu.memref_slice %arg11[%dma_wait3A_376] : memref<300288xf32, #tpu.memory_space<vmem_shared>> -> memref<300288xf32, #tpu.memory_space<vmem_shared>>
      tpu.wait_indirect_dma semaphore(%arg29 : memref<!tpu.dma_semaphore, #tpu.memory_space<semaphore_mem>>) src(%dma_wait3A_377 : memref<300288xf32, #tpu.memory_space<vmem_shared>>) dst(%arg26 : memref<7168xf32, #tpu.memory_space<vmem>>)
      %dma_start3A_378 = arith.constant 0 : i32
      %dma_start3A_379 = tpu.memref_slice %arg12[%dma_start3A_378] : memref<100096xf32, #tpu.memory_space<vmem_shared>> -> memref<100096xf32, #tpu.memory_space<vmem_shared>>
      tpu.enqueue_indirect_dma source(%arg26 : memref<7168xf32, #tpu.memory_space<vmem>>) target(%dma_start3A_379 : memref<100096xf32, #tpu.memory_space<vmem_shared>>) offsets(%arg24 : memref<7168xi32, #tpu.memory_space<vmem>>) semaphore(%arg30 : memref<!tpu.dma_semaphore, #tpu.memory_space<semaphore_mem>>) {add = true}
      %dma_wait3A_380 = tpu.memref_slice %arg5[%add3A_365] : memref<3211264xi32, #tpu.memory_space<hbm>> -> memref<7168xi32, #tpu.memory_space<hbm>>
      %dma_wait3A_381 = tpu.memref_slice %arg5[%add3A_365] : memref<3211264xi32, #tpu.memory_space<hbm>> -> memref<7168xi32, #tpu.memory_space<hbm>>
      tpu.wait_dma2 semaphore(%arg27 : memref<!tpu.dma_semaphore, #tpu.memory_space<semaphore_mem>>) src(%dma_wait3A_381 : memref<7168xi32, #tpu.memory_space<hbm>>) dst(%arg21 : memref<7168xi32, #tpu.memory_space<vmem>>)
      %dma_start3A_382 = arith.constant 0 : i32
      %dma_start3A_383 = tpu.memref_slice %arg11[%dma_start3A_382] : memref<300288xf32, #tpu.memory_space<vmem_shared>> -> memref<300288xf32, #tpu.memory_space<vmem_shared>>
      tpu.enqueue_indirect_dma source(%dma_start3A_383 : memref<300288xf32, #tpu.memory_space<vmem_shared>>) target(%arg25 : memref<7168xf32, #tpu.memory_space<vmem>>) offsets(%arg21 : memref<7168xi32, #tpu.memory_space<vmem>>) semaphore(%arg29 : memref<!tpu.dma_semaphore, #tpu.memory_space<semaphore_mem>>)
      %add3A_384 = arith.constant 78848 : i32
      %add3A_385 = arith.addi %mul3A_4, %add3A_384 : i32
      %dma_start3A_386 = tpu.memref_slice %arg5[%add3A_385] : memref<3211264xi32, #tpu.memory_space<hbm>> -> memref<7168xi32, #tpu.memory_space<hbm>>
      %dma_start3A_387 = tpu.memref_slice %arg5[%add3A_385] : memref<3211264xi32, #tpu.memory_space<hbm>> -> memref<7168xi32, #tpu.memory_space<hbm>>
      tpu.enqueue_dma source(%dma_start3A_387 : memref<7168xi32, #tpu.memory_space<hbm>>) target(%arg22 : memref<7168xi32, #tpu.memory_space<vmem>>) target_semaphore(%arg27 : memref<!tpu.dma_semaphore, #tpu.memory_space<semaphore_mem>>)
      %dma_wait3A_388 = arith.constant 0 : i32
      %dma_wait3A_389 = tpu.memref_slice %arg12[%dma_wait3A_388] : memref<100096xf32, #tpu.memory_space<vmem_shared>> -> memref<100096xf32, #tpu.memory_space<vmem_shared>>
      tpu.wait_indirect_dma semaphore(%arg30 : memref<!tpu.dma_semaphore, #tpu.memory_space<semaphore_mem>>) src(%arg26 : memref<7168xf32, #tpu.memory_space<vmem>>) dst(%dma_wait3A_389 : memref<100096xf32, #tpu.memory_space<vmem_shared>>)
      %dma_wait3A_390 = tpu.memref_slice %arg7[%add3A_373] : memref<3211264xi32, #tpu.memory_space<hbm>> -> memref<7168xi32, #tpu.memory_space<hbm>>
      %dma_wait3A_391 = tpu.memref_slice %arg7[%add3A_373] : memref<3211264xi32, #tpu.memory_space<hbm>> -> memref<7168xi32, #tpu.memory_space<hbm>>
      tpu.wait_dma2 semaphore(%arg28 : memref<!tpu.dma_semaphore, #tpu.memory_space<semaphore_mem>>) src(%dma_wait3A_391 : memref<7168xi32, #tpu.memory_space<hbm>>) dst(%arg23 : memref<7168xi32, #tpu.memory_space<vmem>>)
      %add3A_392 = arith.constant 78848 : i32
      %add3A_393 = arith.addi %mul3A_4, %add3A_392 : i32
      %dma_start3A_394 = tpu.memref_slice %arg7[%add3A_393] : memref<3211264xi32, #tpu.memory_space<hbm>> -> memref<7168xi32, #tpu.memory_space<hbm>>
      %dma_start3A_395 = tpu.memref_slice %arg7[%add3A_393] : memref<3211264xi32, #tpu.memory_space<hbm>> -> memref<7168xi32, #tpu.memory_space<hbm>>
      tpu.enqueue_dma source(%dma_start3A_395 : memref<7168xi32, #tpu.memory_space<hbm>>) target(%arg24 : memref<7168xi32, #tpu.memory_space<vmem>>) target_semaphore(%arg28 : memref<!tpu.dma_semaphore, #tpu.memory_space<semaphore_mem>>)
      %dma_wait3A_396 = arith.constant 0 : i32
      %dma_wait3A_397 = tpu.memref_slice %arg11[%dma_wait3A_396] : memref<300288xf32, #tpu.memory_space<vmem_shared>> -> memref<300288xf32, #tpu.memory_space<vmem_shared>>
      tpu.wait_indirect_dma semaphore(%arg29 : memref<!tpu.dma_semaphore, #tpu.memory_space<semaphore_mem>>) src(%dma_wait3A_397 : memref<300288xf32, #tpu.memory_space<vmem_shared>>) dst(%arg25 : memref<7168xf32, #tpu.memory_space<vmem>>)
      %dma_start3A_398 = arith.constant 0 : i32
      %dma_start3A_399 = tpu.memref_slice %arg12[%dma_start3A_398] : memref<100096xf32, #tpu.memory_space<vmem_shared>> -> memref<100096xf32, #tpu.memory_space<vmem_shared>>
      tpu.enqueue_indirect_dma source(%arg25 : memref<7168xf32, #tpu.memory_space<vmem>>) target(%dma_start3A_399 : memref<100096xf32, #tpu.memory_space<vmem_shared>>) offsets(%arg23 : memref<7168xi32, #tpu.memory_space<vmem>>) semaphore(%arg30 : memref<!tpu.dma_semaphore, #tpu.memory_space<semaphore_mem>>) {add = true}
      %dma_wait3A_400 = tpu.memref_slice %arg5[%add3A_385] : memref<3211264xi32, #tpu.memory_space<hbm>> -> memref<7168xi32, #tpu.memory_space<hbm>>
      %dma_wait3A_401 = tpu.memref_slice %arg5[%add3A_385] : memref<3211264xi32, #tpu.memory_space<hbm>> -> memref<7168xi32, #tpu.memory_space<hbm>>
      tpu.wait_dma2 semaphore(%arg27 : memref<!tpu.dma_semaphore, #tpu.memory_space<semaphore_mem>>) src(%dma_wait3A_401 : memref<7168xi32, #tpu.memory_space<hbm>>) dst(%arg22 : memref<7168xi32, #tpu.memory_space<vmem>>)
      %dma_start3A_402 = arith.constant 0 : i32
      %dma_start3A_403 = tpu.memref_slice %arg11[%dma_start3A_402] : memref<300288xf32, #tpu.memory_space<vmem_shared>> -> memref<300288xf32, #tpu.memory_space<vmem_shared>>
      tpu.enqueue_indirect_dma source(%dma_start3A_403 : memref<300288xf32, #tpu.memory_space<vmem_shared>>) target(%arg26 : memref<7168xf32, #tpu.memory_space<vmem>>) offsets(%arg22 : memref<7168xi32, #tpu.memory_space<vmem>>) semaphore(%arg29 : memref<!tpu.dma_semaphore, #tpu.memory_space<semaphore_mem>>)
      %add3A_404 = arith.constant 86016 : i32
      %add3A_405 = arith.addi %mul3A_4, %add3A_404 : i32
      %dma_start3A_406 = tpu.memref_slice %arg5[%add3A_405] : memref<3211264xi32, #tpu.memory_space<hbm>> -> memref<7168xi32, #tpu.memory_space<hbm>>
      %dma_start3A_407 = tpu.memref_slice %arg5[%add3A_405] : memref<3211264xi32, #tpu.memory_space<hbm>> -> memref<7168xi32, #tpu.memory_space<hbm>>
      tpu.enqueue_dma source(%dma_start3A_407 : memref<7168xi32, #tpu.memory_space<hbm>>) target(%arg21 : memref<7168xi32, #tpu.memory_space<vmem>>) target_semaphore(%arg27 : memref<!tpu.dma_semaphore, #tpu.memory_space<semaphore_mem>>)
      %dma_wait3A_408 = arith.constant 0 : i32
      %dma_wait3A_409 = tpu.memref_slice %arg12[%dma_wait3A_408] : memref<100096xf32, #tpu.memory_space<vmem_shared>> -> memref<100096xf32, #tpu.memory_space<vmem_shared>>
      tpu.wait_indirect_dma semaphore(%arg30 : memref<!tpu.dma_semaphore, #tpu.memory_space<semaphore_mem>>) src(%arg25 : memref<7168xf32, #tpu.memory_space<vmem>>) dst(%dma_wait3A_409 : memref<100096xf32, #tpu.memory_space<vmem_shared>>)
      %dma_wait3A_410 = tpu.memref_slice %arg7[%add3A_393] : memref<3211264xi32, #tpu.memory_space<hbm>> -> memref<7168xi32, #tpu.memory_space<hbm>>
      %dma_wait3A_411 = tpu.memref_slice %arg7[%add3A_393] : memref<3211264xi32, #tpu.memory_space<hbm>> -> memref<7168xi32, #tpu.memory_space<hbm>>
      tpu.wait_dma2 semaphore(%arg28 : memref<!tpu.dma_semaphore, #tpu.memory_space<semaphore_mem>>) src(%dma_wait3A_411 : memref<7168xi32, #tpu.memory_space<hbm>>) dst(%arg24 : memref<7168xi32, #tpu.memory_space<vmem>>)
      %add3A_412 = arith.constant 86016 : i32
      %add3A_413 = arith.addi %mul3A_4, %add3A_412 : i32
      %dma_start3A_414 = tpu.memref_slice %arg7[%add3A_413] : memref<3211264xi32, #tpu.memory_space<hbm>> -> memref<7168xi32, #tpu.memory_space<hbm>>
      %dma_start3A_415 = tpu.memref_slice %arg7[%add3A_413] : memref<3211264xi32, #tpu.memory_space<hbm>> -> memref<7168xi32, #tpu.memory_space<hbm>>
      tpu.enqueue_dma source(%dma_start3A_415 : memref<7168xi32, #tpu.memory_space<hbm>>) target(%arg23 : memref<7168xi32, #tpu.memory_space<vmem>>) target_semaphore(%arg28 : memref<!tpu.dma_semaphore, #tpu.memory_space<semaphore_mem>>)
      %dma_wait3A_416 = arith.constant 0 : i32
      %dma_wait3A_417 = tpu.memref_slice %arg11[%dma_wait3A_416] : memref<300288xf32, #tpu.memory_space<vmem_shared>> -> memref<300288xf32, #tpu.memory_space<vmem_shared>>
      tpu.wait_indirect_dma semaphore(%arg29 : memref<!tpu.dma_semaphore, #tpu.memory_space<semaphore_mem>>) src(%dma_wait3A_417 : memref<300288xf32, #tpu.memory_space<vmem_shared>>) dst(%arg26 : memref<7168xf32, #tpu.memory_space<vmem>>)
      %dma_start3A_418 = arith.constant 0 : i32
      %dma_start3A_419 = tpu.memref_slice %arg12[%dma_start3A_418] : memref<100096xf32, #tpu.memory_space<vmem_shared>> -> memref<100096xf32, #tpu.memory_space<vmem_shared>>
      tpu.enqueue_indirect_dma source(%arg26 : memref<7168xf32, #tpu.memory_space<vmem>>) target(%dma_start3A_419 : memref<100096xf32, #tpu.memory_space<vmem_shared>>) offsets(%arg24 : memref<7168xi32, #tpu.memory_space<vmem>>) semaphore(%arg30 : memref<!tpu.dma_semaphore, #tpu.memory_space<semaphore_mem>>) {add = true}
      %dma_wait3A_420 = tpu.memref_slice %arg5[%add3A_405] : memref<3211264xi32, #tpu.memory_space<hbm>> -> memref<7168xi32, #tpu.memory_space<hbm>>
      %dma_wait3A_421 = tpu.memref_slice %arg5[%add3A_405] : memref<3211264xi32, #tpu.memory_space<hbm>> -> memref<7168xi32, #tpu.memory_space<hbm>>
      tpu.wait_dma2 semaphore(%arg27 : memref<!tpu.dma_semaphore, #tpu.memory_space<semaphore_mem>>) src(%dma_wait3A_421 : memref<7168xi32, #tpu.memory_space<hbm>>) dst(%arg21 : memref<7168xi32, #tpu.memory_space<vmem>>)
      %dma_start3A_422 = arith.constant 0 : i32
      %dma_start3A_423 = tpu.memref_slice %arg11[%dma_start3A_422] : memref<300288xf32, #tpu.memory_space<vmem_shared>> -> memref<300288xf32, #tpu.memory_space<vmem_shared>>
      tpu.enqueue_indirect_dma source(%dma_start3A_423 : memref<300288xf32, #tpu.memory_space<vmem_shared>>) target(%arg25 : memref<7168xf32, #tpu.memory_space<vmem>>) offsets(%arg21 : memref<7168xi32, #tpu.memory_space<vmem>>) semaphore(%arg29 : memref<!tpu.dma_semaphore, #tpu.memory_space<semaphore_mem>>)
      %add3A_424 = arith.constant 93184 : i32
      %add3A_425 = arith.addi %mul3A_4, %add3A_424 : i32
      %dma_start3A_426 = tpu.memref_slice %arg5[%add3A_425] : memref<3211264xi32, #tpu.memory_space<hbm>> -> memref<7168xi32, #tpu.memory_space<hbm>>
      %dma_start3A_427 = tpu.memref_slice %arg5[%add3A_425] : memref<3211264xi32, #tpu.memory_space<hbm>> -> memref<7168xi32, #tpu.memory_space<hbm>>
      tpu.enqueue_dma source(%dma_start3A_427 : memref<7168xi32, #tpu.memory_space<hbm>>) target(%arg22 : memref<7168xi32, #tpu.memory_space<vmem>>) target_semaphore(%arg27 : memref<!tpu.dma_semaphore, #tpu.memory_space<semaphore_mem>>)
      %dma_wait3A_428 = arith.constant 0 : i32
      %dma_wait3A_429 = tpu.memref_slice %arg12[%dma_wait3A_428] : memref<100096xf32, #tpu.memory_space<vmem_shared>> -> memref<100096xf32, #tpu.memory_space<vmem_shared>>
      tpu.wait_indirect_dma semaphore(%arg30 : memref<!tpu.dma_semaphore, #tpu.memory_space<semaphore_mem>>) src(%arg26 : memref<7168xf32, #tpu.memory_space<vmem>>) dst(%dma_wait3A_429 : memref<100096xf32, #tpu.memory_space<vmem_shared>>)
      %dma_wait3A_430 = tpu.memref_slice %arg7[%add3A_413] : memref<3211264xi32, #tpu.memory_space<hbm>> -> memref<7168xi32, #tpu.memory_space<hbm>>
      %dma_wait3A_431 = tpu.memref_slice %arg7[%add3A_413] : memref<3211264xi32, #tpu.memory_space<hbm>> -> memref<7168xi32, #tpu.memory_space<hbm>>
      tpu.wait_dma2 semaphore(%arg28 : memref<!tpu.dma_semaphore, #tpu.memory_space<semaphore_mem>>) src(%dma_wait3A_431 : memref<7168xi32, #tpu.memory_space<hbm>>) dst(%arg23 : memref<7168xi32, #tpu.memory_space<vmem>>)
      %add3A_432 = arith.constant 93184 : i32
      %add3A_433 = arith.addi %mul3A_4, %add3A_432 : i32
      %dma_start3A_434 = tpu.memref_slice %arg7[%add3A_433] : memref<3211264xi32, #tpu.memory_space<hbm>> -> memref<7168xi32, #tpu.memory_space<hbm>>
      %dma_start3A_435 = tpu.memref_slice %arg7[%add3A_433] : memref<3211264xi32, #tpu.memory_space<hbm>> -> memref<7168xi32, #tpu.memory_space<hbm>>
      tpu.enqueue_dma source(%dma_start3A_435 : memref<7168xi32, #tpu.memory_space<hbm>>) target(%arg24 : memref<7168xi32, #tpu.memory_space<vmem>>) target_semaphore(%arg28 : memref<!tpu.dma_semaphore, #tpu.memory_space<semaphore_mem>>)
      %dma_wait3A_436 = arith.constant 0 : i32
      %dma_wait3A_437 = tpu.memref_slice %arg11[%dma_wait3A_436] : memref<300288xf32, #tpu.memory_space<vmem_shared>> -> memref<300288xf32, #tpu.memory_space<vmem_shared>>
      tpu.wait_indirect_dma semaphore(%arg29 : memref<!tpu.dma_semaphore, #tpu.memory_space<semaphore_mem>>) src(%dma_wait3A_437 : memref<300288xf32, #tpu.memory_space<vmem_shared>>) dst(%arg25 : memref<7168xf32, #tpu.memory_space<vmem>>)
      %dma_start3A_438 = arith.constant 0 : i32
      %dma_start3A_439 = tpu.memref_slice %arg12[%dma_start3A_438] : memref<100096xf32, #tpu.memory_space<vmem_shared>> -> memref<100096xf32, #tpu.memory_space<vmem_shared>>
      tpu.enqueue_indirect_dma source(%arg25 : memref<7168xf32, #tpu.memory_space<vmem>>) target(%dma_start3A_439 : memref<100096xf32, #tpu.memory_space<vmem_shared>>) offsets(%arg23 : memref<7168xi32, #tpu.memory_space<vmem>>) semaphore(%arg30 : memref<!tpu.dma_semaphore, #tpu.memory_space<semaphore_mem>>) {add = true}
      %dma_wait3A_440 = tpu.memref_slice %arg5[%add3A_425] : memref<3211264xi32, #tpu.memory_space<hbm>> -> memref<7168xi32, #tpu.memory_space<hbm>>
      %dma_wait3A_441 = tpu.memref_slice %arg5[%add3A_425] : memref<3211264xi32, #tpu.memory_space<hbm>> -> memref<7168xi32, #tpu.memory_space<hbm>>
      tpu.wait_dma2 semaphore(%arg27 : memref<!tpu.dma_semaphore, #tpu.memory_space<semaphore_mem>>) src(%dma_wait3A_441 : memref<7168xi32, #tpu.memory_space<hbm>>) dst(%arg22 : memref<7168xi32, #tpu.memory_space<vmem>>)
      %dma_start3A_442 = arith.constant 0 : i32
      %dma_start3A_443 = tpu.memref_slice %arg11[%dma_start3A_442] : memref<300288xf32, #tpu.memory_space<vmem_shared>> -> memref<300288xf32, #tpu.memory_space<vmem_shared>>
      tpu.enqueue_indirect_dma source(%dma_start3A_443 : memref<300288xf32, #tpu.memory_space<vmem_shared>>) target(%arg26 : memref<7168xf32, #tpu.memory_space<vmem>>) offsets(%arg22 : memref<7168xi32, #tpu.memory_space<vmem>>) semaphore(%arg29 : memref<!tpu.dma_semaphore, #tpu.memory_space<semaphore_mem>>)
      %dma_wait3A_444 = arith.constant 0 : i32
      %dma_wait3A_445 = tpu.memref_slice %arg12[%dma_wait3A_444] : memref<100096xf32, #tpu.memory_space<vmem_shared>> -> memref<100096xf32, #tpu.memory_space<vmem_shared>>
      tpu.wait_indirect_dma semaphore(%arg30 : memref<!tpu.dma_semaphore, #tpu.memory_space<semaphore_mem>>) src(%arg25 : memref<7168xf32, #tpu.memory_space<vmem>>) dst(%dma_wait3A_445 : memref<100096xf32, #tpu.memory_space<vmem_shared>>)
      %dma_wait3A_446 = tpu.memref_slice %arg7[%add3A_433] : memref<3211264xi32, #tpu.memory_space<hbm>> -> memref<7168xi32, #tpu.memory_space<hbm>>
      %dma_wait3A_447 = tpu.memref_slice %arg7[%add3A_433] : memref<3211264xi32, #tpu.memory_space<hbm>> -> memref<7168xi32, #tpu.memory_space<hbm>>
      tpu.wait_dma2 semaphore(%arg28 : memref<!tpu.dma_semaphore, #tpu.memory_space<semaphore_mem>>) src(%dma_wait3A_447 : memref<7168xi32, #tpu.memory_space<hbm>>) dst(%arg24 : memref<7168xi32, #tpu.memory_space<vmem>>)
      %dma_wait3A_448 = arith.constant 0 : i32
      %dma_wait3A_449 = tpu.memref_slice %arg11[%dma_wait3A_448] : memref<300288xf32, #tpu.memory_space<vmem_shared>> -> memref<300288xf32, #tpu.memory_space<vmem_shared>>
      tpu.wait_indirect_dma semaphore(%arg29 : memref<!tpu.dma_semaphore, #tpu.memory_space<semaphore_mem>>) src(%dma_wait3A_449 : memref<300288xf32, #tpu.memory_space<vmem_shared>>) dst(%arg26 : memref<7168xf32, #tpu.memory_space<vmem>>)
      %dma_start3A_450 = arith.constant 0 : i32
      %dma_start3A_451 = tpu.memref_slice %arg12[%dma_start3A_450] : memref<100096xf32, #tpu.memory_space<vmem_shared>> -> memref<100096xf32, #tpu.memory_space<vmem_shared>>
      tpu.enqueue_indirect_dma source(%arg26 : memref<7168xf32, #tpu.memory_space<vmem>>) target(%dma_start3A_451 : memref<100096xf32, #tpu.memory_space<vmem_shared>>) offsets(%arg24 : memref<7168xi32, #tpu.memory_space<vmem>>) semaphore(%arg30 : memref<!tpu.dma_semaphore, #tpu.memory_space<semaphore_mem>>) {add = true}
      %dma_wait3A_452 = arith.constant 0 : i32
      %dma_wait3A_453 = tpu.memref_slice %arg12[%dma_wait3A_452] : memref<100096xf32, #tpu.memory_space<vmem_shared>> -> memref<100096xf32, #tpu.memory_space<vmem_shared>>
      tpu.wait_indirect_dma semaphore(%arg30 : memref<!tpu.dma_semaphore, #tpu.memory_space<semaphore_mem>>) src(%arg26 : memref<7168xf32, #tpu.memory_space<vmem>>) dst(%dma_wait3A_453 : memref<100096xf32, #tpu.memory_space<vmem_shared>>)
      %barrier3A_454 = arith.constant 0 : index
      tpu.barrier barrier_id(%barrier3A_454)
      %dma_start3A_455 = tpu.memref_slice %arg7[%mul3A_4] : memref<3211264xi32, #tpu.memory_space<hbm>> -> memref<7168xi32, #tpu.memory_space<hbm>>
      %dma_start3A_456 = tpu.memref_slice %arg7[%mul3A_4] : memref<3211264xi32, #tpu.memory_space<hbm>> -> memref<7168xi32, #tpu.memory_space<hbm>>
      tpu.enqueue_dma source(%dma_start3A_456 : memref<7168xi32, #tpu.memory_space<hbm>>) target(%arg21 : memref<7168xi32, #tpu.memory_space<vmem>>) target_semaphore(%arg27 : memref<!tpu.dma_semaphore, #tpu.memory_space<semaphore_mem>>)
      %dma_start3A_457 = tpu.memref_slice %arg6[%mul3A_4] : memref<3211264xi32, #tpu.memory_space<hbm>> -> memref<7168xi32, #tpu.memory_space<hbm>>
      %dma_start3A_458 = tpu.memref_slice %arg6[%mul3A_4] : memref<3211264xi32, #tpu.memory_space<hbm>> -> memref<7168xi32, #tpu.memory_space<hbm>>
      tpu.enqueue_dma source(%dma_start3A_458 : memref<7168xi32, #tpu.memory_space<hbm>>) target(%arg23 : memref<7168xi32, #tpu.memory_space<vmem>>) target_semaphore(%arg28 : memref<!tpu.dma_semaphore, #tpu.memory_space<semaphore_mem>>)
      "tpu.region"() ({
        %run_scoped3A = tpu.sem_alloc : memref<!tpu.dma_semaphore, #tpu.memory_space<semaphore_mem>>
        %dma_start3A_772 = tpu.memref_slice %arg12[%mul3A_0] : memref<100096xf32, #tpu.memory_space<vmem_shared>> -> memref<6256xf32, #tpu.memory_space<vmem_shared>>
        %dma_start3A_773 = tpu.memref_slice %arg12[%mul3A_0] : memref<100096xf32, #tpu.memory_space<vmem_shared>> -> memref<6256xf32, #tpu.memory_space<vmem_shared>>
        tpu.enqueue_dma source(%dma_start3A_773 : memref<6256xf32, #tpu.memory_space<vmem_shared>>) target(%arg18 : memref<6256xf32, #tpu.memory_space<vmem>>) target_semaphore(%run_scoped3A : memref<!tpu.dma_semaphore, #tpu.memory_space<semaphore_mem>>)
        %dma_wait3A_774 = tpu.memref_slice %arg12[%mul3A_0] : memref<100096xf32, #tpu.memory_space<vmem_shared>> -> memref<6256xf32, #tpu.memory_space<vmem_shared>>
        %dma_wait3A_775 = tpu.memref_slice %arg12[%mul3A_0] : memref<100096xf32, #tpu.memory_space<vmem_shared>> -> memref<6256xf32, #tpu.memory_space<vmem_shared>>
        tpu.wait_dma2 semaphore(%run_scoped3A : memref<!tpu.dma_semaphore, #tpu.memory_space<semaphore_mem>>) src(%dma_wait3A_775 : memref<6256xf32, #tpu.memory_space<vmem_shared>>) dst(%arg18 : memref<6256xf32, #tpu.memory_space<vmem>>)
        tpu.yield
      }) : () -> ()
      %add3A_459 = arith.addi %mul3A_6, %mul3A_0 : i32
      "tpu.region"() ({
        %run_scoped3A = tpu.sem_alloc : memref<!tpu.dma_semaphore, #tpu.memory_space<semaphore_mem>>
        %dma_start3A_772 = tpu.memref_slice %arg9[%add3A_459] : memref<200192xf32, #tpu.memory_space<hbm>> -> memref<6256xf32, #tpu.memory_space<hbm>>
        %dma_start3A_773 = tpu.memref_slice %arg9[%add3A_459] : memref<200192xf32, #tpu.memory_space<hbm>> -> memref<6256xf32, #tpu.memory_space<hbm>>
        tpu.enqueue_dma source(%arg18 : memref<6256xf32, #tpu.memory_space<vmem>>) target(%dma_start3A_773 : memref<6256xf32, #tpu.memory_space<hbm>>) target_semaphore(%run_scoped3A : memref<!tpu.dma_semaphore, #tpu.memory_space<semaphore_mem>>)
        %dma_wait3A_774 = tpu.memref_slice %arg9[%add3A_459] : memref<200192xf32, #tpu.memory_space<hbm>> -> memref<6256xf32, #tpu.memory_space<hbm>>
        %dma_wait3A_775 = tpu.memref_slice %arg9[%add3A_459] : memref<200192xf32, #tpu.memory_space<hbm>> -> memref<6256xf32, #tpu.memory_space<hbm>>
        tpu.wait_dma2 semaphore(%run_scoped3A : memref<!tpu.dma_semaphore, #tpu.memory_space<semaphore_mem>>) src(%arg18 : memref<6256xf32, #tpu.memory_space<vmem>>) dst(%dma_wait3A_775 : memref<6256xf32, #tpu.memory_space<hbm>>)
        tpu.yield
      }) : () -> ()
      %barrier3A_460 = arith.constant 0 : index
      tpu.barrier barrier_id(%barrier3A_460)
      %sub3A_461 = arith.constant 1 : i32
      %sub3A_462 = arith.subi %sub3A_461, %arg0 : i32
      %semaphore_signal3A_463 = arith.constant 1 : i32
      tpu.sem_signal %arg33, %semaphore_signal3A_463 core_id %sub3A_462 : memref<!tpu.semaphore, #tpu.memory_space<semaphore_mem>>
      %semaphore_wait3A_464 = arith.constant 1 : i32
      %semaphore_wait3A_465 = arith.constant true
      tpu.sem_wait %arg33, %semaphore_wait3A_464 : memref<!tpu.semaphore, #tpu.memory_space<semaphore_mem>>
      %add3A_466 = arith.addi %mul3A_9, %mul3A_0 : i32
      "tpu.region"() ({
        %run_scoped3A = tpu.sem_alloc : memref<!tpu.dma_semaphore, #tpu.memory_space<semaphore_mem>>
        %dma_start3A_772 = tpu.memref_slice %arg9[%add3A_466] : memref<200192xf32, #tpu.memory_space<hbm>> -> memref<6256xf32, #tpu.memory_space<hbm>>
        %dma_start3A_773 = tpu.memref_slice %arg9[%add3A_466] : memref<200192xf32, #tpu.memory_space<hbm>> -> memref<6256xf32, #tpu.memory_space<hbm>>
        tpu.enqueue_dma source(%dma_start3A_773 : memref<6256xf32, #tpu.memory_space<hbm>>) target(%arg19 : memref<6256xf32, #tpu.memory_space<vmem>>) target_semaphore(%run_scoped3A : memref<!tpu.dma_semaphore, #tpu.memory_space<semaphore_mem>>)
        %dma_wait3A_774 = tpu.memref_slice %arg9[%add3A_466] : memref<200192xf32, #tpu.memory_space<hbm>> -> memref<6256xf32, #tpu.memory_space<hbm>>
        %dma_wait3A_775 = tpu.memref_slice %arg9[%add3A_466] : memref<200192xf32, #tpu.memory_space<hbm>> -> memref<6256xf32, #tpu.memory_space<hbm>>
        tpu.wait_dma2 semaphore(%run_scoped3A : memref<!tpu.dma_semaphore, #tpu.memory_space<semaphore_mem>>) src(%dma_wait3A_775 : memref<6256xf32, #tpu.memory_space<hbm>>) dst(%arg19 : memref<6256xf32, #tpu.memory_space<vmem>>)
        tpu.yield
      }) : () -> ()
      %scan3A_467 = arith.constant 0 : i32
      %scan3A_468 = arith.constant 0 : i32
      %scan3A_469 = arith.constant 391 : i32
      %scan3A_470 = arith.addi %scan3A_468, %scan3A_469 : i32
      %scan3A_471 = arith.constant 1 : i32
      %scan3A_472 = scf.for %scan3A_772 = %scan3A_468 to %scan3A_470 step %scan3A_471 iter_args(%scan3A_773 = %scan3A_467) -> (i32)  : i32 {
        %mul3A_774 = arith.constant 16 : i32
        %mul3A_775 = arith.muli %scan3A_772, %mul3A_774 : i32
        %get3A_776 = arith.index_cast %mul3A_775 : i32 to index
        %get3A_777 = tpu.vector_load %arg18[%get3A_776] {strides = array<i32>} : memref<6256xf32, #tpu.memory_space<vmem>>, vector<16xf32>,
        %get3A_778 = vector.shape_cast %get3A_777 : vector<16xf32> to vector<16xf32>
        %get3A_779 = arith.index_cast %mul3A_775 : i32 to index
        %get3A_780 = tpu.vector_load %arg19[%get3A_779] {strides = array<i32>} : memref<6256xf32, #tpu.memory_space<vmem>>, vector<16xf32>,
        %get3A_781 = vector.shape_cast %get3A_780 : vector<16xf32> to vector<16xf32>
        %add3A_782 = arith.addf %get3A_778, %get3A_781 : vector<16xf32>
        %get3A_783 = arith.index_cast %mul3A_775 : i32 to index
        %get3A_784 = tpu.vector_load %arg16[%get3A_783] {strides = array<i32>} : memref<6256xf32, #tpu.memory_space<vmem>>, vector<16xf32>,
        %get3A_785 = vector.shape_cast %get3A_784 : vector<16xf32> to vector<16xf32>
        %mul3A_786 = arith.mulf %add3A_782, %get3A_785 : vector<16xf32>
        %swap3A = arith.index_cast %mul3A_775 : i32 to index
        %swap3A_787 = tpu.vector_load %arg18[%swap3A] {strides = array<i32>} : memref<6256xf32, #tpu.memory_space<vmem>>, vector<16xf32>,
        %swap3A_788 = vector.shape_cast %swap3A_787 : vector<16xf32> to vector<16xf32>
        %swap3A_789 = vector.shape_cast %mul3A_786 : vector<16xf32> to vector<16xf32>
        tpu.vector_store %arg18[%swap3A], %swap3A_789 {strides = array<i32>} : memref<6256xf32, #tpu.memory_space<vmem>>, vector<16xf32>,
        %scan3A_790 = arith.constant 0 : i32
        scf.yield %scan3A_790 : i32
      }
      %scan3A_473 = arith.constant 391 : i32
      %dma_start3A_474 = tpu.memref_slice %arg12[%mul3A_0] : memref<100096xf32, #tpu.memory_space<vmem_shared>> -> memref<6256xf32, #tpu.memory_space<vmem_shared>>
      %dma_start3A_475 = tpu.memref_slice %arg12[%mul3A_0] : memref<100096xf32, #tpu.memory_space<vmem_shared>> -> memref<6256xf32, #tpu.memory_space<vmem_shared>>
      tpu.enqueue_dma source(%arg18 : memref<6256xf32, #tpu.memory_space<vmem>>) target(%dma_start3A_475 : memref<6256xf32, #tpu.memory_space<vmem_shared>>) target_semaphore(%arg29 : memref<!tpu.dma_semaphore, #tpu.memory_space<semaphore_mem>>)
      %dma_start3A_476 = tpu.memref_slice %arg13[%mul3A_0] : memref<100096xf32, #tpu.memory_space<vmem_shared>> -> memref<6256xf32, #tpu.memory_space<vmem_shared>>
      %dma_start3A_477 = tpu.memref_slice %arg13[%mul3A_0] : memref<100096xf32, #tpu.memory_space<vmem_shared>> -> memref<6256xf32, #tpu.memory_space<vmem_shared>>
      tpu.enqueue_dma source(%arg17 : memref<6256xf32, #tpu.memory_space<vmem>>) target(%dma_start3A_477 : memref<6256xf32, #tpu.memory_space<vmem_shared>>) target_semaphore(%arg30 : memref<!tpu.dma_semaphore, #tpu.memory_space<semaphore_mem>>)
      %dma_wait3A_478 = tpu.memref_slice %arg12[%mul3A_0] : memref<100096xf32, #tpu.memory_space<vmem_shared>> -> memref<6256xf32, #tpu.memory_space<vmem_shared>>
      %dma_wait3A_479 = tpu.memref_slice %arg12[%mul3A_0] : memref<100096xf32, #tpu.memory_space<vmem_shared>> -> memref<6256xf32, #tpu.memory_space<vmem_shared>>
      tpu.wait_dma2 semaphore(%arg29 : memref<!tpu.dma_semaphore, #tpu.memory_space<semaphore_mem>>) src(%arg18 : memref<6256xf32, #tpu.memory_space<vmem>>) dst(%dma_wait3A_479 : memref<6256xf32, #tpu.memory_space<vmem_shared>>)
      %dma_wait3A_480 = tpu.memref_slice %arg13[%mul3A_0] : memref<100096xf32, #tpu.memory_space<vmem_shared>> -> memref<6256xf32, #tpu.memory_space<vmem_shared>>
      %dma_wait3A_481 = tpu.memref_slice %arg13[%mul3A_0] : memref<100096xf32, #tpu.memory_space<vmem_shared>> -> memref<6256xf32, #tpu.memory_space<vmem_shared>>
      tpu.wait_dma2 semaphore(%arg30 : memref<!tpu.dma_semaphore, #tpu.memory_space<semaphore_mem>>) src(%arg17 : memref<6256xf32, #tpu.memory_space<vmem>>) dst(%dma_wait3A_481 : memref<6256xf32, #tpu.memory_space<vmem_shared>>)
      %barrier3A_482 = arith.constant 0 : index
      tpu.barrier barrier_id(%barrier3A_482)
      %dma_wait3A_483 = tpu.memref_slice %arg7[%mul3A_4] : memref<3211264xi32, #tpu.memory_space<hbm>> -> memref<7168xi32, #tpu.memory_space<hbm>>
      %dma_wait3A_484 = tpu.memref_slice %arg7[%mul3A_4] : memref<3211264xi32, #tpu.memory_space<hbm>> -> memref<7168xi32, #tpu.memory_space<hbm>>
      tpu.wait_dma2 semaphore(%arg27 : memref<!tpu.dma_semaphore, #tpu.memory_space<semaphore_mem>>) src(%dma_wait3A_484 : memref<7168xi32, #tpu.memory_space<hbm>>) dst(%arg21 : memref<7168xi32, #tpu.memory_space<vmem>>)
      %dma_start3A_485 = arith.constant 0 : i32
      %dma_start3A_486 = tpu.memref_slice %arg12[%dma_start3A_485] : memref<100096xf32, #tpu.memory_space<vmem_shared>> -> memref<100096xf32, #tpu.memory_space<vmem_shared>>
      tpu.enqueue_indirect_dma source(%dma_start3A_486 : memref<100096xf32, #tpu.memory_space<vmem_shared>>) target(%arg25 : memref<7168xf32, #tpu.memory_space<vmem>>) offsets(%arg21 : memref<7168xi32, #tpu.memory_space<vmem>>) semaphore(%arg29 : memref<!tpu.dma_semaphore, #tpu.memory_space<semaphore_mem>>)
      %dma_wait3A_487 = tpu.memref_slice %arg6[%mul3A_4] : memref<3211264xi32, #tpu.memory_space<hbm>> -> memref<7168xi32, #tpu.memory_space<hbm>>
      %dma_wait3A_488 = tpu.memref_slice %arg6[%mul3A_4] : memref<3211264xi32, #tpu.memory_space<hbm>> -> memref<7168xi32, #tpu.memory_space<hbm>>
      tpu.wait_dma2 semaphore(%arg28 : memref<!tpu.dma_semaphore, #tpu.memory_space<semaphore_mem>>) src(%dma_wait3A_488 : memref<7168xi32, #tpu.memory_space<hbm>>) dst(%arg23 : memref<7168xi32, #tpu.memory_space<vmem>>)
      %add3A_489 = arith.constant 7168 : i32
      %add3A_490 = arith.addi %mul3A_4, %add3A_489 : i32
      %dma_start3A_491 = tpu.memref_slice %arg7[%add3A_490] : memref<3211264xi32, #tpu.memory_space<hbm>> -> memref<7168xi32, #tpu.memory_space<hbm>>
      %dma_start3A_492 = tpu.memref_slice %arg7[%add3A_490] : memref<3211264xi32, #tpu.memory_space<hbm>> -> memref<7168xi32, #tpu.memory_space<hbm>>
      tpu.enqueue_dma source(%dma_start3A_492 : memref<7168xi32, #tpu.memory_space<hbm>>) target(%arg22 : memref<7168xi32, #tpu.memory_space<vmem>>) target_semaphore(%arg27 : memref<!tpu.dma_semaphore, #tpu.memory_space<semaphore_mem>>)
      %dma_start3A_493 = tpu.memref_slice %arg6[%add3A_490] : memref<3211264xi32, #tpu.memory_space<hbm>> -> memref<7168xi32, #tpu.memory_space<hbm>>
      %dma_start3A_494 = tpu.memref_slice %arg6[%add3A_490] : memref<3211264xi32, #tpu.memory_space<hbm>> -> memref<7168xi32, #tpu.memory_space<hbm>>
      tpu.enqueue_dma source(%dma_start3A_494 : memref<7168xi32, #tpu.memory_space<hbm>>) target(%arg24 : memref<7168xi32, #tpu.memory_space<vmem>>) target_semaphore(%arg28 : memref<!tpu.dma_semaphore, #tpu.memory_space<semaphore_mem>>)
      %dma_wait3A_495 = arith.constant 0 : i32
      %dma_wait3A_496 = tpu.memref_slice %arg12[%dma_wait3A_495] : memref<100096xf32, #tpu.memory_space<vmem_shared>> -> memref<100096xf32, #tpu.memory_space<vmem_shared>>
      tpu.wait_indirect_dma semaphore(%arg29 : memref<!tpu.dma_semaphore, #tpu.memory_space<semaphore_mem>>) src(%dma_wait3A_496 : memref<100096xf32, #tpu.memory_space<vmem_shared>>) dst(%arg25 : memref<7168xf32, #tpu.memory_space<vmem>>)
      %dma_start3A_497 = arith.constant 0 : i32
      %dma_start3A_498 = tpu.memref_slice %arg13[%dma_start3A_497] : memref<100096xf32, #tpu.memory_space<vmem_shared>> -> memref<100096xf32, #tpu.memory_space<vmem_shared>>
      tpu.enqueue_indirect_dma source(%arg25 : memref<7168xf32, #tpu.memory_space<vmem>>) target(%dma_start3A_498 : memref<100096xf32, #tpu.memory_space<vmem_shared>>) offsets(%arg23 : memref<7168xi32, #tpu.memory_space<vmem>>) semaphore(%arg30 : memref<!tpu.dma_semaphore, #tpu.memory_space<semaphore_mem>>) {add = true}
      %dma_wait3A_499 = tpu.memref_slice %arg7[%add3A_490] : memref<3211264xi32, #tpu.memory_space<hbm>> -> memref<7168xi32, #tpu.memory_space<hbm>>
      %dma_wait3A_500 = tpu.memref_slice %arg7[%add3A_490] : memref<3211264xi32, #tpu.memory_space<hbm>> -> memref<7168xi32, #tpu.memory_space<hbm>>
      tpu.wait_dma2 semaphore(%arg27 : memref<!tpu.dma_semaphore, #tpu.memory_space<semaphore_mem>>) src(%dma_wait3A_500 : memref<7168xi32, #tpu.memory_space<hbm>>) dst(%arg22 : memref<7168xi32, #tpu.memory_space<vmem>>)
      %dma_start3A_501 = arith.constant 0 : i32
      %dma_start3A_502 = tpu.memref_slice %arg12[%dma_start3A_501] : memref<100096xf32, #tpu.memory_space<vmem_shared>> -> memref<100096xf32, #tpu.memory_space<vmem_shared>>
      tpu.enqueue_indirect_dma source(%dma_start3A_502 : memref<100096xf32, #tpu.memory_space<vmem_shared>>) target(%arg26 : memref<7168xf32, #tpu.memory_space<vmem>>) offsets(%arg22 : memref<7168xi32, #tpu.memory_space<vmem>>) semaphore(%arg29 : memref<!tpu.dma_semaphore, #tpu.memory_space<semaphore_mem>>)
      %add3A_503 = arith.constant 14336 : i32
      %add3A_504 = arith.addi %mul3A_4, %add3A_503 : i32
      %dma_start3A_505 = tpu.memref_slice %arg7[%add3A_504] : memref<3211264xi32, #tpu.memory_space<hbm>> -> memref<7168xi32, #tpu.memory_space<hbm>>
      %dma_start3A_506 = tpu.memref_slice %arg7[%add3A_504] : memref<3211264xi32, #tpu.memory_space<hbm>> -> memref<7168xi32, #tpu.memory_space<hbm>>
      tpu.enqueue_dma source(%dma_start3A_506 : memref<7168xi32, #tpu.memory_space<hbm>>) target(%arg21 : memref<7168xi32, #tpu.memory_space<vmem>>) target_semaphore(%arg27 : memref<!tpu.dma_semaphore, #tpu.memory_space<semaphore_mem>>)
      %dma_wait3A_507 = arith.constant 0 : i32
      %dma_wait3A_508 = tpu.memref_slice %arg13[%dma_wait3A_507] : memref<100096xf32, #tpu.memory_space<vmem_shared>> -> memref<100096xf32, #tpu.memory_space<vmem_shared>>
      tpu.wait_indirect_dma semaphore(%arg30 : memref<!tpu.dma_semaphore, #tpu.memory_space<semaphore_mem>>) src(%arg25 : memref<7168xf32, #tpu.memory_space<vmem>>) dst(%dma_wait3A_508 : memref<100096xf32, #tpu.memory_space<vmem_shared>>)
      %dma_wait3A_509 = tpu.memref_slice %arg6[%add3A_490] : memref<3211264xi32, #tpu.memory_space<hbm>> -> memref<7168xi32, #tpu.memory_space<hbm>>
      %dma_wait3A_510 = tpu.memref_slice %arg6[%add3A_490] : memref<3211264xi32, #tpu.memory_space<hbm>> -> memref<7168xi32, #tpu.memory_space<hbm>>
      tpu.wait_dma2 semaphore(%arg28 : memref<!tpu.dma_semaphore, #tpu.memory_space<semaphore_mem>>) src(%dma_wait3A_510 : memref<7168xi32, #tpu.memory_space<hbm>>) dst(%arg24 : memref<7168xi32, #tpu.memory_space<vmem>>)
      %add3A_511 = arith.constant 14336 : i32
      %add3A_512 = arith.addi %mul3A_4, %add3A_511 : i32
      %dma_start3A_513 = tpu.memref_slice %arg6[%add3A_512] : memref<3211264xi32, #tpu.memory_space<hbm>> -> memref<7168xi32, #tpu.memory_space<hbm>>
      %dma_start3A_514 = tpu.memref_slice %arg6[%add3A_512] : memref<3211264xi32, #tpu.memory_space<hbm>> -> memref<7168xi32, #tpu.memory_space<hbm>>
      tpu.enqueue_dma source(%dma_start3A_514 : memref<7168xi32, #tpu.memory_space<hbm>>) target(%arg23 : memref<7168xi32, #tpu.memory_space<vmem>>) target_semaphore(%arg28 : memref<!tpu.dma_semaphore, #tpu.memory_space<semaphore_mem>>)
      %dma_wait3A_515 = arith.constant 0 : i32
      %dma_wait3A_516 = tpu.memref_slice %arg12[%dma_wait3A_515] : memref<100096xf32, #tpu.memory_space<vmem_shared>> -> memref<100096xf32, #tpu.memory_space<vmem_shared>>
      tpu.wait_indirect_dma semaphore(%arg29 : memref<!tpu.dma_semaphore, #tpu.memory_space<semaphore_mem>>) src(%dma_wait3A_516 : memref<100096xf32, #tpu.memory_space<vmem_shared>>) dst(%arg26 : memref<7168xf32, #tpu.memory_space<vmem>>)
      %dma_start3A_517 = arith.constant 0 : i32
      %dma_start3A_518 = tpu.memref_slice %arg13[%dma_start3A_517] : memref<100096xf32, #tpu.memory_space<vmem_shared>> -> memref<100096xf32, #tpu.memory_space<vmem_shared>>
      tpu.enqueue_indirect_dma source(%arg26 : memref<7168xf32, #tpu.memory_space<vmem>>) target(%dma_start3A_518 : memref<100096xf32, #tpu.memory_space<vmem_shared>>) offsets(%arg24 : memref<7168xi32, #tpu.memory_space<vmem>>) semaphore(%arg30 : memref<!tpu.dma_semaphore, #tpu.memory_space<semaphore_mem>>) {add = true}
      %dma_wait3A_519 = tpu.memref_slice %arg7[%add3A_504] : memref<3211264xi32, #tpu.memory_space<hbm>> -> memref<7168xi32, #tpu.memory_space<hbm>>
      %dma_wait3A_520 = tpu.memref_slice %arg7[%add3A_504] : memref<3211264xi32, #tpu.memory_space<hbm>> -> memref<7168xi32, #tpu.memory_space<hbm>>
      tpu.wait_dma2 semaphore(%arg27 : memref<!tpu.dma_semaphore, #tpu.memory_space<semaphore_mem>>) src(%dma_wait3A_520 : memref<7168xi32, #tpu.memory_space<hbm>>) dst(%arg21 : memref<7168xi32, #tpu.memory_space<vmem>>)
      %dma_start3A_521 = arith.constant 0 : i32
      %dma_start3A_522 = tpu.memref_slice %arg12[%dma_start3A_521] : memref<100096xf32, #tpu.memory_space<vmem_shared>> -> memref<100096xf32, #tpu.memory_space<vmem_shared>>
      tpu.enqueue_indirect_dma source(%dma_start3A_522 : memref<100096xf32, #tpu.memory_space<vmem_shared>>) target(%arg25 : memref<7168xf32, #tpu.memory_space<vmem>>) offsets(%arg21 : memref<7168xi32, #tpu.memory_space<vmem>>) semaphore(%arg29 : memref<!tpu.dma_semaphore, #tpu.memory_space<semaphore_mem>>)
      %add3A_523 = arith.constant 21504 : i32
      %add3A_524 = arith.addi %mul3A_4, %add3A_523 : i32
      %dma_start3A_525 = tpu.memref_slice %arg7[%add3A_524] : memref<3211264xi32, #tpu.memory_space<hbm>> -> memref<7168xi32, #tpu.memory_space<hbm>>
      %dma_start3A_526 = tpu.memref_slice %arg7[%add3A_524] : memref<3211264xi32, #tpu.memory_space<hbm>> -> memref<7168xi32, #tpu.memory_space<hbm>>
      tpu.enqueue_dma source(%dma_start3A_526 : memref<7168xi32, #tpu.memory_space<hbm>>) target(%arg22 : memref<7168xi32, #tpu.memory_space<vmem>>) target_semaphore(%arg27 : memref<!tpu.dma_semaphore, #tpu.memory_space<semaphore_mem>>)
      %dma_wait3A_527 = arith.constant 0 : i32
      %dma_wait3A_528 = tpu.memref_slice %arg13[%dma_wait3A_527] : memref<100096xf32, #tpu.memory_space<vmem_shared>> -> memref<100096xf32, #tpu.memory_space<vmem_shared>>
      tpu.wait_indirect_dma semaphore(%arg30 : memref<!tpu.dma_semaphore, #tpu.memory_space<semaphore_mem>>) src(%arg26 : memref<7168xf32, #tpu.memory_space<vmem>>) dst(%dma_wait3A_528 : memref<100096xf32, #tpu.memory_space<vmem_shared>>)
      %dma_wait3A_529 = tpu.memref_slice %arg6[%add3A_512] : memref<3211264xi32, #tpu.memory_space<hbm>> -> memref<7168xi32, #tpu.memory_space<hbm>>
      %dma_wait3A_530 = tpu.memref_slice %arg6[%add3A_512] : memref<3211264xi32, #tpu.memory_space<hbm>> -> memref<7168xi32, #tpu.memory_space<hbm>>
      tpu.wait_dma2 semaphore(%arg28 : memref<!tpu.dma_semaphore, #tpu.memory_space<semaphore_mem>>) src(%dma_wait3A_530 : memref<7168xi32, #tpu.memory_space<hbm>>) dst(%arg23 : memref<7168xi32, #tpu.memory_space<vmem>>)
      %add3A_531 = arith.constant 21504 : i32
      %add3A_532 = arith.addi %mul3A_4, %add3A_531 : i32
      %dma_start3A_533 = tpu.memref_slice %arg6[%add3A_532] : memref<3211264xi32, #tpu.memory_space<hbm>> -> memref<7168xi32, #tpu.memory_space<hbm>>
      %dma_start3A_534 = tpu.memref_slice %arg6[%add3A_532] : memref<3211264xi32, #tpu.memory_space<hbm>> -> memref<7168xi32, #tpu.memory_space<hbm>>
      tpu.enqueue_dma source(%dma_start3A_534 : memref<7168xi32, #tpu.memory_space<hbm>>) target(%arg24 : memref<7168xi32, #tpu.memory_space<vmem>>) target_semaphore(%arg28 : memref<!tpu.dma_semaphore, #tpu.memory_space<semaphore_mem>>)
      %dma_wait3A_535 = arith.constant 0 : i32
      %dma_wait3A_536 = tpu.memref_slice %arg12[%dma_wait3A_535] : memref<100096xf32, #tpu.memory_space<vmem_shared>> -> memref<100096xf32, #tpu.memory_space<vmem_shared>>
      tpu.wait_indirect_dma semaphore(%arg29 : memref<!tpu.dma_semaphore, #tpu.memory_space<semaphore_mem>>) src(%dma_wait3A_536 : memref<100096xf32, #tpu.memory_space<vmem_shared>>) dst(%arg25 : memref<7168xf32, #tpu.memory_space<vmem>>)
      %dma_start3A_537 = arith.constant 0 : i32
      %dma_start3A_538 = tpu.memref_slice %arg13[%dma_start3A_537] : memref<100096xf32, #tpu.memory_space<vmem_shared>> -> memref<100096xf32, #tpu.memory_space<vmem_shared>>
      tpu.enqueue_indirect_dma source(%arg25 : memref<7168xf32, #tpu.memory_space<vmem>>) target(%dma_start3A_538 : memref<100096xf32, #tpu.memory_space<vmem_shared>>) offsets(%arg23 : memref<7168xi32, #tpu.memory_space<vmem>>) semaphore(%arg30 : memref<!tpu.dma_semaphore, #tpu.memory_space<semaphore_mem>>) {add = true}
      %dma_wait3A_539 = tpu.memref_slice %arg7[%add3A_524] : memref<3211264xi32, #tpu.memory_space<hbm>> -> memref<7168xi32, #tpu.memory_space<hbm>>
      %dma_wait3A_540 = tpu.memref_slice %arg7[%add3A_524] : memref<3211264xi32, #tpu.memory_space<hbm>> -> memref<7168xi32, #tpu.memory_space<hbm>>
      tpu.wait_dma2 semaphore(%arg27 : memref<!tpu.dma_semaphore, #tpu.memory_space<semaphore_mem>>) src(%dma_wait3A_540 : memref<7168xi32, #tpu.memory_space<hbm>>) dst(%arg22 : memref<7168xi32, #tpu.memory_space<vmem>>)
      %dma_start3A_541 = arith.constant 0 : i32
      %dma_start3A_542 = tpu.memref_slice %arg12[%dma_start3A_541] : memref<100096xf32, #tpu.memory_space<vmem_shared>> -> memref<100096xf32, #tpu.memory_space<vmem_shared>>
      tpu.enqueue_indirect_dma source(%dma_start3A_542 : memref<100096xf32, #tpu.memory_space<vmem_shared>>) target(%arg26 : memref<7168xf32, #tpu.memory_space<vmem>>) offsets(%arg22 : memref<7168xi32, #tpu.memory_space<vmem>>) semaphore(%arg29 : memref<!tpu.dma_semaphore, #tpu.memory_space<semaphore_mem>>)
      %add3A_543 = arith.constant 28672 : i32
      %add3A_544 = arith.addi %mul3A_4, %add3A_543 : i32
      %dma_start3A_545 = tpu.memref_slice %arg7[%add3A_544] : memref<3211264xi32, #tpu.memory_space<hbm>> -> memref<7168xi32, #tpu.memory_space<hbm>>
      %dma_start3A_546 = tpu.memref_slice %arg7[%add3A_544] : memref<3211264xi32, #tpu.memory_space<hbm>> -> memref<7168xi32, #tpu.memory_space<hbm>>
      tpu.enqueue_dma source(%dma_start3A_546 : memref<7168xi32, #tpu.memory_space<hbm>>) target(%arg21 : memref<7168xi32, #tpu.memory_space<vmem>>) target_semaphore(%arg27 : memref<!tpu.dma_semaphore, #tpu.memory_space<semaphore_mem>>)
      %dma_wait3A_547 = arith.constant 0 : i32
      %dma_wait3A_548 = tpu.memref_slice %arg13[%dma_wait3A_547] : memref<100096xf32, #tpu.memory_space<vmem_shared>> -> memref<100096xf32, #tpu.memory_space<vmem_shared>>
      tpu.wait_indirect_dma semaphore(%arg30 : memref<!tpu.dma_semaphore, #tpu.memory_space<semaphore_mem>>) src(%arg25 : memref<7168xf32, #tpu.memory_space<vmem>>) dst(%dma_wait3A_548 : memref<100096xf32, #tpu.memory_space<vmem_shared>>)
      %dma_wait3A_549 = tpu.memref_slice %arg6[%add3A_532] : memref<3211264xi32, #tpu.memory_space<hbm>> -> memref<7168xi32, #tpu.memory_space<hbm>>
      %dma_wait3A_550 = tpu.memref_slice %arg6[%add3A_532] : memref<3211264xi32, #tpu.memory_space<hbm>> -> memref<7168xi32, #tpu.memory_space<hbm>>
      tpu.wait_dma2 semaphore(%arg28 : memref<!tpu.dma_semaphore, #tpu.memory_space<semaphore_mem>>) src(%dma_wait3A_550 : memref<7168xi32, #tpu.memory_space<hbm>>) dst(%arg24 : memref<7168xi32, #tpu.memory_space<vmem>>)
      %add3A_551 = arith.constant 28672 : i32
      %add3A_552 = arith.addi %mul3A_4, %add3A_551 : i32
      %dma_start3A_553 = tpu.memref_slice %arg6[%add3A_552] : memref<3211264xi32, #tpu.memory_space<hbm>> -> memref<7168xi32, #tpu.memory_space<hbm>>
      %dma_start3A_554 = tpu.memref_slice %arg6[%add3A_552] : memref<3211264xi32, #tpu.memory_space<hbm>> -> memref<7168xi32, #tpu.memory_space<hbm>>
      tpu.enqueue_dma source(%dma_start3A_554 : memref<7168xi32, #tpu.memory_space<hbm>>) target(%arg23 : memref<7168xi32, #tpu.memory_space<vmem>>) target_semaphore(%arg28 : memref<!tpu.dma_semaphore, #tpu.memory_space<semaphore_mem>>)
      %dma_wait3A_555 = arith.constant 0 : i32
      %dma_wait3A_556 = tpu.memref_slice %arg12[%dma_wait3A_555] : memref<100096xf32, #tpu.memory_space<vmem_shared>> -> memref<100096xf32, #tpu.memory_space<vmem_shared>>
      tpu.wait_indirect_dma semaphore(%arg29 : memref<!tpu.dma_semaphore, #tpu.memory_space<semaphore_mem>>) src(%dma_wait3A_556 : memref<100096xf32, #tpu.memory_space<vmem_shared>>) dst(%arg26 : memref<7168xf32, #tpu.memory_space<vmem>>)
      %dma_start3A_557 = arith.constant 0 : i32
      %dma_start3A_558 = tpu.memref_slice %arg13[%dma_start3A_557] : memref<100096xf32, #tpu.memory_space<vmem_shared>> -> memref<100096xf32, #tpu.memory_space<vmem_shared>>
      tpu.enqueue_indirect_dma source(%arg26 : memref<7168xf32, #tpu.memory_space<vmem>>) target(%dma_start3A_558 : memref<100096xf32, #tpu.memory_space<vmem_shared>>) offsets(%arg24 : memref<7168xi32, #tpu.memory_space<vmem>>) semaphore(%arg30 : memref<!tpu.dma_semaphore, #tpu.memory_space<semaphore_mem>>) {add = true}
      %dma_wait3A_559 = tpu.memref_slice %arg7[%add3A_544] : memref<3211264xi32, #tpu.memory_space<hbm>> -> memref<7168xi32, #tpu.memory_space<hbm>>
      %dma_wait3A_560 = tpu.memref_slice %arg7[%add3A_544] : memref<3211264xi32, #tpu.memory_space<hbm>> -> memref<7168xi32, #tpu.memory_space<hbm>>
      tpu.wait_dma2 semaphore(%arg27 : memref<!tpu.dma_semaphore, #tpu.memory_space<semaphore_mem>>) src(%dma_wait3A_560 : memref<7168xi32, #tpu.memory_space<hbm>>) dst(%arg21 : memref<7168xi32, #tpu.memory_space<vmem>>)
      %dma_start3A_561 = arith.constant 0 : i32
      %dma_start3A_562 = tpu.memref_slice %arg12[%dma_start3A_561] : memref<100096xf32, #tpu.memory_space<vmem_shared>> -> memref<100096xf32, #tpu.memory_space<vmem_shared>>
      tpu.enqueue_indirect_dma source(%dma_start3A_562 : memref<100096xf32, #tpu.memory_space<vmem_shared>>) target(%arg25 : memref<7168xf32, #tpu.memory_space<vmem>>) offsets(%arg21 : memref<7168xi32, #tpu.memory_space<vmem>>) semaphore(%arg29 : memref<!tpu.dma_semaphore, #tpu.memory_space<semaphore_mem>>)
      %add3A_563 = arith.constant 35840 : i32
      %add3A_564 = arith.addi %mul3A_4, %add3A_563 : i32
      %dma_start3A_565 = tpu.memref_slice %arg7[%add3A_564] : memref<3211264xi32, #tpu.memory_space<hbm>> -> memref<7168xi32, #tpu.memory_space<hbm>>
      %dma_start3A_566 = tpu.memref_slice %arg7[%add3A_564] : memref<3211264xi32, #tpu.memory_space<hbm>> -> memref<7168xi32, #tpu.memory_space<hbm>>
      tpu.enqueue_dma source(%dma_start3A_566 : memref<7168xi32, #tpu.memory_space<hbm>>) target(%arg22 : memref<7168xi32, #tpu.memory_space<vmem>>) target_semaphore(%arg27 : memref<!tpu.dma_semaphore, #tpu.memory_space<semaphore_mem>>)
      %dma_wait3A_567 = arith.constant 0 : i32
      %dma_wait3A_568 = tpu.memref_slice %arg13[%dma_wait3A_567] : memref<100096xf32, #tpu.memory_space<vmem_shared>> -> memref<100096xf32, #tpu.memory_space<vmem_shared>>
      tpu.wait_indirect_dma semaphore(%arg30 : memref<!tpu.dma_semaphore, #tpu.memory_space<semaphore_mem>>) src(%arg26 : memref<7168xf32, #tpu.memory_space<vmem>>) dst(%dma_wait3A_568 : memref<100096xf32, #tpu.memory_space<vmem_shared>>)
      %dma_wait3A_569 = tpu.memref_slice %arg6[%add3A_552] : memref<3211264xi32, #tpu.memory_space<hbm>> -> memref<7168xi32, #tpu.memory_space<hbm>>
      %dma_wait3A_570 = tpu.memref_slice %arg6[%add3A_552] : memref<3211264xi32, #tpu.memory_space<hbm>> -> memref<7168xi32, #tpu.memory_space<hbm>>
      tpu.wait_dma2 semaphore(%arg28 : memref<!tpu.dma_semaphore, #tpu.memory_space<semaphore_mem>>) src(%dma_wait3A_570 : memref<7168xi32, #tpu.memory_space<hbm>>) dst(%arg23 : memref<7168xi32, #tpu.memory_space<vmem>>)
      %add3A_571 = arith.constant 35840 : i32
      %add3A_572 = arith.addi %mul3A_4, %add3A_571 : i32
      %dma_start3A_573 = tpu.memref_slice %arg6[%add3A_572] : memref<3211264xi32, #tpu.memory_space<hbm>> -> memref<7168xi32, #tpu.memory_space<hbm>>
      %dma_start3A_574 = tpu.memref_slice %arg6[%add3A_572] : memref<3211264xi32, #tpu.memory_space<hbm>> -> memref<7168xi32, #tpu.memory_space<hbm>>
      tpu.enqueue_dma source(%dma_start3A_574 : memref<7168xi32, #tpu.memory_space<hbm>>) target(%arg24 : memref<7168xi32, #tpu.memory_space<vmem>>) target_semaphore(%arg28 : memref<!tpu.dma_semaphore, #tpu.memory_space<semaphore_mem>>)
      %dma_wait3A_575 = arith.constant 0 : i32
      %dma_wait3A_576 = tpu.memref_slice %arg12[%dma_wait3A_575] : memref<100096xf32, #tpu.memory_space<vmem_shared>> -> memref<100096xf32, #tpu.memory_space<vmem_shared>>
      tpu.wait_indirect_dma semaphore(%arg29 : memref<!tpu.dma_semaphore, #tpu.memory_space<semaphore_mem>>) src(%dma_wait3A_576 : memref<100096xf32, #tpu.memory_space<vmem_shared>>) dst(%arg25 : memref<7168xf32, #tpu.memory_space<vmem>>)
      %dma_start3A_577 = arith.constant 0 : i32
      %dma_start3A_578 = tpu.memref_slice %arg13[%dma_start3A_577] : memref<100096xf32, #tpu.memory_space<vmem_shared>> -> memref<100096xf32, #tpu.memory_space<vmem_shared>>
      tpu.enqueue_indirect_dma source(%arg25 : memref<7168xf32, #tpu.memory_space<vmem>>) target(%dma_start3A_578 : memref<100096xf32, #tpu.memory_space<vmem_shared>>) offsets(%arg23 : memref<7168xi32, #tpu.memory_space<vmem>>) semaphore(%arg30 : memref<!tpu.dma_semaphore, #tpu.memory_space<semaphore_mem>>) {add = true}
      %dma_wait3A_579 = tpu.memref_slice %arg7[%add3A_564] : memref<3211264xi32, #tpu.memory_space<hbm>> -> memref<7168xi32, #tpu.memory_space<hbm>>
      %dma_wait3A_580 = tpu.memref_slice %arg7[%add3A_564] : memref<3211264xi32, #tpu.memory_space<hbm>> -> memref<7168xi32, #tpu.memory_space<hbm>>
      tpu.wait_dma2 semaphore(%arg27 : memref<!tpu.dma_semaphore, #tpu.memory_space<semaphore_mem>>) src(%dma_wait3A_580 : memref<7168xi32, #tpu.memory_space<hbm>>) dst(%arg22 : memref<7168xi32, #tpu.memory_space<vmem>>)
      %dma_start3A_581 = arith.constant 0 : i32
      %dma_start3A_582 = tpu.memref_slice %arg12[%dma_start3A_581] : memref<100096xf32, #tpu.memory_space<vmem_shared>> -> memref<100096xf32, #tpu.memory_space<vmem_shared>>
      tpu.enqueue_indirect_dma source(%dma_start3A_582 : memref<100096xf32, #tpu.memory_space<vmem_shared>>) target(%arg26 : memref<7168xf32, #tpu.memory_space<vmem>>) offsets(%arg22 : memref<7168xi32, #tpu.memory_space<vmem>>) semaphore(%arg29 : memref<!tpu.dma_semaphore, #tpu.memory_space<semaphore_mem>>)
      %add3A_583 = arith.constant 43008 : i32
      %add3A_584 = arith.addi %mul3A_4, %add3A_583 : i32
      %dma_start3A_585 = tpu.memref_slice %arg7[%add3A_584] : memref<3211264xi32, #tpu.memory_space<hbm>> -> memref<7168xi32, #tpu.memory_space<hbm>>
      %dma_start3A_586 = tpu.memref_slice %arg7[%add3A_584] : memref<3211264xi32, #tpu.memory_space<hbm>> -> memref<7168xi32, #tpu.memory_space<hbm>>
      tpu.enqueue_dma source(%dma_start3A_586 : memref<7168xi32, #tpu.memory_space<hbm>>) target(%arg21 : memref<7168xi32, #tpu.memory_space<vmem>>) target_semaphore(%arg27 : memref<!tpu.dma_semaphore, #tpu.memory_space<semaphore_mem>>)
      %dma_wait3A_587 = arith.constant 0 : i32
      %dma_wait3A_588 = tpu.memref_slice %arg13[%dma_wait3A_587] : memref<100096xf32, #tpu.memory_space<vmem_shared>> -> memref<100096xf32, #tpu.memory_space<vmem_shared>>
      tpu.wait_indirect_dma semaphore(%arg30 : memref<!tpu.dma_semaphore, #tpu.memory_space<semaphore_mem>>) src(%arg25 : memref<7168xf32, #tpu.memory_space<vmem>>) dst(%dma_wait3A_588 : memref<100096xf32, #tpu.memory_space<vmem_shared>>)
      %dma_wait3A_589 = tpu.memref_slice %arg6[%add3A_572] : memref<3211264xi32, #tpu.memory_space<hbm>> -> memref<7168xi32, #tpu.memory_space<hbm>>
      %dma_wait3A_590 = tpu.memref_slice %arg6[%add3A_572] : memref<3211264xi32, #tpu.memory_space<hbm>> -> memref<7168xi32, #tpu.memory_space<hbm>>
      tpu.wait_dma2 semaphore(%arg28 : memref<!tpu.dma_semaphore, #tpu.memory_space<semaphore_mem>>) src(%dma_wait3A_590 : memref<7168xi32, #tpu.memory_space<hbm>>) dst(%arg24 : memref<7168xi32, #tpu.memory_space<vmem>>)
      %add3A_591 = arith.constant 43008 : i32
      %add3A_592 = arith.addi %mul3A_4, %add3A_591 : i32
      %dma_start3A_593 = tpu.memref_slice %arg6[%add3A_592] : memref<3211264xi32, #tpu.memory_space<hbm>> -> memref<7168xi32, #tpu.memory_space<hbm>>
      %dma_start3A_594 = tpu.memref_slice %arg6[%add3A_592] : memref<3211264xi32, #tpu.memory_space<hbm>> -> memref<7168xi32, #tpu.memory_space<hbm>>
      tpu.enqueue_dma source(%dma_start3A_594 : memref<7168xi32, #tpu.memory_space<hbm>>) target(%arg23 : memref<7168xi32, #tpu.memory_space<vmem>>) target_semaphore(%arg28 : memref<!tpu.dma_semaphore, #tpu.memory_space<semaphore_mem>>)
      %dma_wait3A_595 = arith.constant 0 : i32
      %dma_wait3A_596 = tpu.memref_slice %arg12[%dma_wait3A_595] : memref<100096xf32, #tpu.memory_space<vmem_shared>> -> memref<100096xf32, #tpu.memory_space<vmem_shared>>
      tpu.wait_indirect_dma semaphore(%arg29 : memref<!tpu.dma_semaphore, #tpu.memory_space<semaphore_mem>>) src(%dma_wait3A_596 : memref<100096xf32, #tpu.memory_space<vmem_shared>>) dst(%arg26 : memref<7168xf32, #tpu.memory_space<vmem>>)
      %dma_start3A_597 = arith.constant 0 : i32
      %dma_start3A_598 = tpu.memref_slice %arg13[%dma_start3A_597] : memref<100096xf32, #tpu.memory_space<vmem_shared>> -> memref<100096xf32, #tpu.memory_space<vmem_shared>>
      tpu.enqueue_indirect_dma source(%arg26 : memref<7168xf32, #tpu.memory_space<vmem>>) target(%dma_start3A_598 : memref<100096xf32, #tpu.memory_space<vmem_shared>>) offsets(%arg24 : memref<7168xi32, #tpu.memory_space<vmem>>) semaphore(%arg30 : memref<!tpu.dma_semaphore, #tpu.memory_space<semaphore_mem>>) {add = true}
      %dma_wait3A_599 = tpu.memref_slice %arg7[%add3A_584] : memref<3211264xi32, #tpu.memory_space<hbm>> -> memref<7168xi32, #tpu.memory_space<hbm>>
      %dma_wait3A_600 = tpu.memref_slice %arg7[%add3A_584] : memref<3211264xi32, #tpu.memory_space<hbm>> -> memref<7168xi32, #tpu.memory_space<hbm>>
      tpu.wait_dma2 semaphore(%arg27 : memref<!tpu.dma_semaphore, #tpu.memory_space<semaphore_mem>>) src(%dma_wait3A_600 : memref<7168xi32, #tpu.memory_space<hbm>>) dst(%arg21 : memref<7168xi32, #tpu.memory_space<vmem>>)
      %dma_start3A_601 = arith.constant 0 : i32
      %dma_start3A_602 = tpu.memref_slice %arg12[%dma_start3A_601] : memref<100096xf32, #tpu.memory_space<vmem_shared>> -> memref<100096xf32, #tpu.memory_space<vmem_shared>>
      tpu.enqueue_indirect_dma source(%dma_start3A_602 : memref<100096xf32, #tpu.memory_space<vmem_shared>>) target(%arg25 : memref<7168xf32, #tpu.memory_space<vmem>>) offsets(%arg21 : memref<7168xi32, #tpu.memory_space<vmem>>) semaphore(%arg29 : memref<!tpu.dma_semaphore, #tpu.memory_space<semaphore_mem>>)
      %add3A_603 = arith.constant 50176 : i32
      %add3A_604 = arith.addi %mul3A_4, %add3A_603 : i32
      %dma_start3A_605 = tpu.memref_slice %arg7[%add3A_604] : memref<3211264xi32, #tpu.memory_space<hbm>> -> memref<7168xi32, #tpu.memory_space<hbm>>
      %dma_start3A_606 = tpu.memref_slice %arg7[%add3A_604] : memref<3211264xi32, #tpu.memory_space<hbm>> -> memref<7168xi32, #tpu.memory_space<hbm>>
      tpu.enqueue_dma source(%dma_start3A_606 : memref<7168xi32, #tpu.memory_space<hbm>>) target(%arg22 : memref<7168xi32, #tpu.memory_space<vmem>>) target_semaphore(%arg27 : memref<!tpu.dma_semaphore, #tpu.memory_space<semaphore_mem>>)
      %dma_wait3A_607 = arith.constant 0 : i32
      %dma_wait3A_608 = tpu.memref_slice %arg13[%dma_wait3A_607] : memref<100096xf32, #tpu.memory_space<vmem_shared>> -> memref<100096xf32, #tpu.memory_space<vmem_shared>>
      tpu.wait_indirect_dma semaphore(%arg30 : memref<!tpu.dma_semaphore, #tpu.memory_space<semaphore_mem>>) src(%arg26 : memref<7168xf32, #tpu.memory_space<vmem>>) dst(%dma_wait3A_608 : memref<100096xf32, #tpu.memory_space<vmem_shared>>)
      %dma_wait3A_609 = tpu.memref_slice %arg6[%add3A_592] : memref<3211264xi32, #tpu.memory_space<hbm>> -> memref<7168xi32, #tpu.memory_space<hbm>>
      %dma_wait3A_610 = tpu.memref_slice %arg6[%add3A_592] : memref<3211264xi32, #tpu.memory_space<hbm>> -> memref<7168xi32, #tpu.memory_space<hbm>>
      tpu.wait_dma2 semaphore(%arg28 : memref<!tpu.dma_semaphore, #tpu.memory_space<semaphore_mem>>) src(%dma_wait3A_610 : memref<7168xi32, #tpu.memory_space<hbm>>) dst(%arg23 : memref<7168xi32, #tpu.memory_space<vmem>>)
      %add3A_611 = arith.constant 50176 : i32
      %add3A_612 = arith.addi %mul3A_4, %add3A_611 : i32
      %dma_start3A_613 = tpu.memref_slice %arg6[%add3A_612] : memref<3211264xi32, #tpu.memory_space<hbm>> -> memref<7168xi32, #tpu.memory_space<hbm>>
      %dma_start3A_614 = tpu.memref_slice %arg6[%add3A_612] : memref<3211264xi32, #tpu.memory_space<hbm>> -> memref<7168xi32, #tpu.memory_space<hbm>>
      tpu.enqueue_dma source(%dma_start3A_614 : memref<7168xi32, #tpu.memory_space<hbm>>) target(%arg24 : memref<7168xi32, #tpu.memory_space<vmem>>) target_semaphore(%arg28 : memref<!tpu.dma_semaphore, #tpu.memory_space<semaphore_mem>>)
      %dma_wait3A_615 = arith.constant 0 : i32
      %dma_wait3A_616 = tpu.memref_slice %arg12[%dma_wait3A_615] : memref<100096xf32, #tpu.memory_space<vmem_shared>> -> memref<100096xf32, #tpu.memory_space<vmem_shared>>
      tpu.wait_indirect_dma semaphore(%arg29 : memref<!tpu.dma_semaphore, #tpu.memory_space<semaphore_mem>>) src(%dma_wait3A_616 : memref<100096xf32, #tpu.memory_space<vmem_shared>>) dst(%arg25 : memref<7168xf32, #tpu.memory_space<vmem>>)
      %dma_start3A_617 = arith.constant 0 : i32
      %dma_start3A_618 = tpu.memref_slice %arg13[%dma_start3A_617] : memref<100096xf32, #tpu.memory_space<vmem_shared>> -> memref<100096xf32, #tpu.memory_space<vmem_shared>>
      tpu.enqueue_indirect_dma source(%arg25 : memref<7168xf32, #tpu.memory_space<vmem>>) target(%dma_start3A_618 : memref<100096xf32, #tpu.memory_space<vmem_shared>>) offsets(%arg23 : memref<7168xi32, #tpu.memory_space<vmem>>) semaphore(%arg30 : memref<!tpu.dma_semaphore, #tpu.memory_space<semaphore_mem>>) {add = true}
      %dma_wait3A_619 = tpu.memref_slice %arg7[%add3A_604] : memref<3211264xi32, #tpu.memory_space<hbm>> -> memref<7168xi32, #tpu.memory_space<hbm>>
      %dma_wait3A_620 = tpu.memref_slice %arg7[%add3A_604] : memref<3211264xi32, #tpu.memory_space<hbm>> -> memref<7168xi32, #tpu.memory_space<hbm>>
      tpu.wait_dma2 semaphore(%arg27 : memref<!tpu.dma_semaphore, #tpu.memory_space<semaphore_mem>>) src(%dma_wait3A_620 : memref<7168xi32, #tpu.memory_space<hbm>>) dst(%arg22 : memref<7168xi32, #tpu.memory_space<vmem>>)
      %dma_start3A_621 = arith.constant 0 : i32
      %dma_start3A_622 = tpu.memref_slice %arg12[%dma_start3A_621] : memref<100096xf32, #tpu.memory_space<vmem_shared>> -> memref<100096xf32, #tpu.memory_space<vmem_shared>>
      tpu.enqueue_indirect_dma source(%dma_start3A_622 : memref<100096xf32, #tpu.memory_space<vmem_shared>>) target(%arg26 : memref<7168xf32, #tpu.memory_space<vmem>>) offsets(%arg22 : memref<7168xi32, #tpu.memory_space<vmem>>) semaphore(%arg29 : memref<!tpu.dma_semaphore, #tpu.memory_space<semaphore_mem>>)
      %add3A_623 = arith.constant 57344 : i32
      %add3A_624 = arith.addi %mul3A_4, %add3A_623 : i32
      %dma_start3A_625 = tpu.memref_slice %arg7[%add3A_624] : memref<3211264xi32, #tpu.memory_space<hbm>> -> memref<7168xi32, #tpu.memory_space<hbm>>
      %dma_start3A_626 = tpu.memref_slice %arg7[%add3A_624] : memref<3211264xi32, #tpu.memory_space<hbm>> -> memref<7168xi32, #tpu.memory_space<hbm>>
      tpu.enqueue_dma source(%dma_start3A_626 : memref<7168xi32, #tpu.memory_space<hbm>>) target(%arg21 : memref<7168xi32, #tpu.memory_space<vmem>>) target_semaphore(%arg27 : memref<!tpu.dma_semaphore, #tpu.memory_space<semaphore_mem>>)
      %dma_wait3A_627 = arith.constant 0 : i32
      %dma_wait3A_628 = tpu.memref_slice %arg13[%dma_wait3A_627] : memref<100096xf32, #tpu.memory_space<vmem_shared>> -> memref<100096xf32, #tpu.memory_space<vmem_shared>>
      tpu.wait_indirect_dma semaphore(%arg30 : memref<!tpu.dma_semaphore, #tpu.memory_space<semaphore_mem>>) src(%arg25 : memref<7168xf32, #tpu.memory_space<vmem>>) dst(%dma_wait3A_628 : memref<100096xf32, #tpu.memory_space<vmem_shared>>)
      %dma_wait3A_629 = tpu.memref_slice %arg6[%add3A_612] : memref<3211264xi32, #tpu.memory_space<hbm>> -> memref<7168xi32, #tpu.memory_space<hbm>>
      %dma_wait3A_630 = tpu.memref_slice %arg6[%add3A_612] : memref<3211264xi32, #tpu.memory_space<hbm>> -> memref<7168xi32, #tpu.memory_space<hbm>>
      tpu.wait_dma2 semaphore(%arg28 : memref<!tpu.dma_semaphore, #tpu.memory_space<semaphore_mem>>) src(%dma_wait3A_630 : memref<7168xi32, #tpu.memory_space<hbm>>) dst(%arg24 : memref<7168xi32, #tpu.memory_space<vmem>>)
      %add3A_631 = arith.constant 57344 : i32
      %add3A_632 = arith.addi %mul3A_4, %add3A_631 : i32
      %dma_start3A_633 = tpu.memref_slice %arg6[%add3A_632] : memref<3211264xi32, #tpu.memory_space<hbm>> -> memref<7168xi32, #tpu.memory_space<hbm>>
      %dma_start3A_634 = tpu.memref_slice %arg6[%add3A_632] : memref<3211264xi32, #tpu.memory_space<hbm>> -> memref<7168xi32, #tpu.memory_space<hbm>>
      tpu.enqueue_dma source(%dma_start3A_634 : memref<7168xi32, #tpu.memory_space<hbm>>) target(%arg23 : memref<7168xi32, #tpu.memory_space<vmem>>) target_semaphore(%arg28 : memref<!tpu.dma_semaphore, #tpu.memory_space<semaphore_mem>>)
      %dma_wait3A_635 = arith.constant 0 : i32
      %dma_wait3A_636 = tpu.memref_slice %arg12[%dma_wait3A_635] : memref<100096xf32, #tpu.memory_space<vmem_shared>> -> memref<100096xf32, #tpu.memory_space<vmem_shared>>
      tpu.wait_indirect_dma semaphore(%arg29 : memref<!tpu.dma_semaphore, #tpu.memory_space<semaphore_mem>>) src(%dma_wait3A_636 : memref<100096xf32, #tpu.memory_space<vmem_shared>>) dst(%arg26 : memref<7168xf32, #tpu.memory_space<vmem>>)
      %dma_start3A_637 = arith.constant 0 : i32
      %dma_start3A_638 = tpu.memref_slice %arg13[%dma_start3A_637] : memref<100096xf32, #tpu.memory_space<vmem_shared>> -> memref<100096xf32, #tpu.memory_space<vmem_shared>>
      tpu.enqueue_indirect_dma source(%arg26 : memref<7168xf32, #tpu.memory_space<vmem>>) target(%dma_start3A_638 : memref<100096xf32, #tpu.memory_space<vmem_shared>>) offsets(%arg24 : memref<7168xi32, #tpu.memory_space<vmem>>) semaphore(%arg30 : memref<!tpu.dma_semaphore, #tpu.memory_space<semaphore_mem>>) {add = true}
      %dma_wait3A_639 = tpu.memref_slice %arg7[%add3A_624] : memref<3211264xi32, #tpu.memory_space<hbm>> -> memref<7168xi32, #tpu.memory_space<hbm>>
      %dma_wait3A_640 = tpu.memref_slice %arg7[%add3A_624] : memref<3211264xi32, #tpu.memory_space<hbm>> -> memref<7168xi32, #tpu.memory_space<hbm>>
      tpu.wait_dma2 semaphore(%arg27 : memref<!tpu.dma_semaphore, #tpu.memory_space<semaphore_mem>>) src(%dma_wait3A_640 : memref<7168xi32, #tpu.memory_space<hbm>>) dst(%arg21 : memref<7168xi32, #tpu.memory_space<vmem>>)
      %dma_start3A_641 = arith.constant 0 : i32
      %dma_start3A_642 = tpu.memref_slice %arg12[%dma_start3A_641] : memref<100096xf32, #tpu.memory_space<vmem_shared>> -> memref<100096xf32, #tpu.memory_space<vmem_shared>>
      tpu.enqueue_indirect_dma source(%dma_start3A_642 : memref<100096xf32, #tpu.memory_space<vmem_shared>>) target(%arg25 : memref<7168xf32, #tpu.memory_space<vmem>>) offsets(%arg21 : memref<7168xi32, #tpu.memory_space<vmem>>) semaphore(%arg29 : memref<!tpu.dma_semaphore, #tpu.memory_space<semaphore_mem>>)
      %add3A_643 = arith.constant 64512 : i32
      %add3A_644 = arith.addi %mul3A_4, %add3A_643 : i32
      %dma_start3A_645 = tpu.memref_slice %arg7[%add3A_644] : memref<3211264xi32, #tpu.memory_space<hbm>> -> memref<7168xi32, #tpu.memory_space<hbm>>
      %dma_start3A_646 = tpu.memref_slice %arg7[%add3A_644] : memref<3211264xi32, #tpu.memory_space<hbm>> -> memref<7168xi32, #tpu.memory_space<hbm>>
      tpu.enqueue_dma source(%dma_start3A_646 : memref<7168xi32, #tpu.memory_space<hbm>>) target(%arg22 : memref<7168xi32, #tpu.memory_space<vmem>>) target_semaphore(%arg27 : memref<!tpu.dma_semaphore, #tpu.memory_space<semaphore_mem>>)
      %dma_wait3A_647 = arith.constant 0 : i32
      %dma_wait3A_648 = tpu.memref_slice %arg13[%dma_wait3A_647] : memref<100096xf32, #tpu.memory_space<vmem_shared>> -> memref<100096xf32, #tpu.memory_space<vmem_shared>>
      tpu.wait_indirect_dma semaphore(%arg30 : memref<!tpu.dma_semaphore, #tpu.memory_space<semaphore_mem>>) src(%arg26 : memref<7168xf32, #tpu.memory_space<vmem>>) dst(%dma_wait3A_648 : memref<100096xf32, #tpu.memory_space<vmem_shared>>)
      %dma_wait3A_649 = tpu.memref_slice %arg6[%add3A_632] : memref<3211264xi32, #tpu.memory_space<hbm>> -> memref<7168xi32, #tpu.memory_space<hbm>>
      %dma_wait3A_650 = tpu.memref_slice %arg6[%add3A_632] : memref<3211264xi32, #tpu.memory_space<hbm>> -> memref<7168xi32, #tpu.memory_space<hbm>>
      tpu.wait_dma2 semaphore(%arg28 : memref<!tpu.dma_semaphore, #tpu.memory_space<semaphore_mem>>) src(%dma_wait3A_650 : memref<7168xi32, #tpu.memory_space<hbm>>) dst(%arg23 : memref<7168xi32, #tpu.memory_space<vmem>>)
      %add3A_651 = arith.constant 64512 : i32
      %add3A_652 = arith.addi %mul3A_4, %add3A_651 : i32
      %dma_start3A_653 = tpu.memref_slice %arg6[%add3A_652] : memref<3211264xi32, #tpu.memory_space<hbm>> -> memref<7168xi32, #tpu.memory_space<hbm>>
      %dma_start3A_654 = tpu.memref_slice %arg6[%add3A_652] : memref<3211264xi32, #tpu.memory_space<hbm>> -> memref<7168xi32, #tpu.memory_space<hbm>>
      tpu.enqueue_dma source(%dma_start3A_654 : memref<7168xi32, #tpu.memory_space<hbm>>) target(%arg24 : memref<7168xi32, #tpu.memory_space<vmem>>) target_semaphore(%arg28 : memref<!tpu.dma_semaphore, #tpu.memory_space<semaphore_mem>>)
      %dma_wait3A_655 = arith.constant 0 : i32
      %dma_wait3A_656 = tpu.memref_slice %arg12[%dma_wait3A_655] : memref<100096xf32, #tpu.memory_space<vmem_shared>> -> memref<100096xf32, #tpu.memory_space<vmem_shared>>
      tpu.wait_indirect_dma semaphore(%arg29 : memref<!tpu.dma_semaphore, #tpu.memory_space<semaphore_mem>>) src(%dma_wait3A_656 : memref<100096xf32, #tpu.memory_space<vmem_shared>>) dst(%arg25 : memref<7168xf32, #tpu.memory_space<vmem>>)
      %dma_start3A_657 = arith.constant 0 : i32
      %dma_start3A_658 = tpu.memref_slice %arg13[%dma_start3A_657] : memref<100096xf32, #tpu.memory_space<vmem_shared>> -> memref<100096xf32, #tpu.memory_space<vmem_shared>>
      tpu.enqueue_indirect_dma source(%arg25 : memref<7168xf32, #tpu.memory_space<vmem>>) target(%dma_start3A_658 : memref<100096xf32, #tpu.memory_space<vmem_shared>>) offsets(%arg23 : memref<7168xi32, #tpu.memory_space<vmem>>) semaphore(%arg30 : memref<!tpu.dma_semaphore, #tpu.memory_space<semaphore_mem>>) {add = true}
      %dma_wait3A_659 = tpu.memref_slice %arg7[%add3A_644] : memref<3211264xi32, #tpu.memory_space<hbm>> -> memref<7168xi32, #tpu.memory_space<hbm>>
      %dma_wait3A_660 = tpu.memref_slice %arg7[%add3A_644] : memref<3211264xi32, #tpu.memory_space<hbm>> -> memref<7168xi32, #tpu.memory_space<hbm>>
      tpu.wait_dma2 semaphore(%arg27 : memref<!tpu.dma_semaphore, #tpu.memory_space<semaphore_mem>>) src(%dma_wait3A_660 : memref<7168xi32, #tpu.memory_space<hbm>>) dst(%arg22 : memref<7168xi32, #tpu.memory_space<vmem>>)
      %dma_start3A_661 = arith.constant 0 : i32
      %dma_start3A_662 = tpu.memref_slice %arg12[%dma_start3A_661] : memref<100096xf32, #tpu.memory_space<vmem_shared>> -> memref<100096xf32, #tpu.memory_space<vmem_shared>>
      tpu.enqueue_indirect_dma source(%dma_start3A_662 : memref<100096xf32, #tpu.memory_space<vmem_shared>>) target(%arg26 : memref<7168xf32, #tpu.memory_space<vmem>>) offsets(%arg22 : memref<7168xi32, #tpu.memory_space<vmem>>) semaphore(%arg29 : memref<!tpu.dma_semaphore, #tpu.memory_space<semaphore_mem>>)
      %add3A_663 = arith.constant 71680 : i32
      %add3A_664 = arith.addi %mul3A_4, %add3A_663 : i32
      %dma_start3A_665 = tpu.memref_slice %arg7[%add3A_664] : memref<3211264xi32, #tpu.memory_space<hbm>> -> memref<7168xi32, #tpu.memory_space<hbm>>
      %dma_start3A_666 = tpu.memref_slice %arg7[%add3A_664] : memref<3211264xi32, #tpu.memory_space<hbm>> -> memref<7168xi32, #tpu.memory_space<hbm>>
      tpu.enqueue_dma source(%dma_start3A_666 : memref<7168xi32, #tpu.memory_space<hbm>>) target(%arg21 : memref<7168xi32, #tpu.memory_space<vmem>>) target_semaphore(%arg27 : memref<!tpu.dma_semaphore, #tpu.memory_space<semaphore_mem>>)
      %dma_wait3A_667 = arith.constant 0 : i32
      %dma_wait3A_668 = tpu.memref_slice %arg13[%dma_wait3A_667] : memref<100096xf32, #tpu.memory_space<vmem_shared>> -> memref<100096xf32, #tpu.memory_space<vmem_shared>>
      tpu.wait_indirect_dma semaphore(%arg30 : memref<!tpu.dma_semaphore, #tpu.memory_space<semaphore_mem>>) src(%arg25 : memref<7168xf32, #tpu.memory_space<vmem>>) dst(%dma_wait3A_668 : memref<100096xf32, #tpu.memory_space<vmem_shared>>)
      %dma_wait3A_669 = tpu.memref_slice %arg6[%add3A_652] : memref<3211264xi32, #tpu.memory_space<hbm>> -> memref<7168xi32, #tpu.memory_space<hbm>>
      %dma_wait3A_670 = tpu.memref_slice %arg6[%add3A_652] : memref<3211264xi32, #tpu.memory_space<hbm>> -> memref<7168xi32, #tpu.memory_space<hbm>>
      tpu.wait_dma2 semaphore(%arg28 : memref<!tpu.dma_semaphore, #tpu.memory_space<semaphore_mem>>) src(%dma_wait3A_670 : memref<7168xi32, #tpu.memory_space<hbm>>) dst(%arg24 : memref<7168xi32, #tpu.memory_space<vmem>>)
      %add3A_671 = arith.constant 71680 : i32
      %add3A_672 = arith.addi %mul3A_4, %add3A_671 : i32
      %dma_start3A_673 = tpu.memref_slice %arg6[%add3A_672] : memref<3211264xi32, #tpu.memory_space<hbm>> -> memref<7168xi32, #tpu.memory_space<hbm>>
      %dma_start3A_674 = tpu.memref_slice %arg6[%add3A_672] : memref<3211264xi32, #tpu.memory_space<hbm>> -> memref<7168xi32, #tpu.memory_space<hbm>>
      tpu.enqueue_dma source(%dma_start3A_674 : memref<7168xi32, #tpu.memory_space<hbm>>) target(%arg23 : memref<7168xi32, #tpu.memory_space<vmem>>) target_semaphore(%arg28 : memref<!tpu.dma_semaphore, #tpu.memory_space<semaphore_mem>>)
      %dma_wait3A_675 = arith.constant 0 : i32
      %dma_wait3A_676 = tpu.memref_slice %arg12[%dma_wait3A_675] : memref<100096xf32, #tpu.memory_space<vmem_shared>> -> memref<100096xf32, #tpu.memory_space<vmem_shared>>
      tpu.wait_indirect_dma semaphore(%arg29 : memref<!tpu.dma_semaphore, #tpu.memory_space<semaphore_mem>>) src(%dma_wait3A_676 : memref<100096xf32, #tpu.memory_space<vmem_shared>>) dst(%arg26 : memref<7168xf32, #tpu.memory_space<vmem>>)
      %dma_start3A_677 = arith.constant 0 : i32
      %dma_start3A_678 = tpu.memref_slice %arg13[%dma_start3A_677] : memref<100096xf32, #tpu.memory_space<vmem_shared>> -> memref<100096xf32, #tpu.memory_space<vmem_shared>>
      tpu.enqueue_indirect_dma source(%arg26 : memref<7168xf32, #tpu.memory_space<vmem>>) target(%dma_start3A_678 : memref<100096xf32, #tpu.memory_space<vmem_shared>>) offsets(%arg24 : memref<7168xi32, #tpu.memory_space<vmem>>) semaphore(%arg30 : memref<!tpu.dma_semaphore, #tpu.memory_space<semaphore_mem>>) {add = true}
      %dma_wait3A_679 = tpu.memref_slice %arg7[%add3A_664] : memref<3211264xi32, #tpu.memory_space<hbm>> -> memref<7168xi32, #tpu.memory_space<hbm>>
      %dma_wait3A_680 = tpu.memref_slice %arg7[%add3A_664] : memref<3211264xi32, #tpu.memory_space<hbm>> -> memref<7168xi32, #tpu.memory_space<hbm>>
      tpu.wait_dma2 semaphore(%arg27 : memref<!tpu.dma_semaphore, #tpu.memory_space<semaphore_mem>>) src(%dma_wait3A_680 : memref<7168xi32, #tpu.memory_space<hbm>>) dst(%arg21 : memref<7168xi32, #tpu.memory_space<vmem>>)
      %dma_start3A_681 = arith.constant 0 : i32
      %dma_start3A_682 = tpu.memref_slice %arg12[%dma_start3A_681] : memref<100096xf32, #tpu.memory_space<vmem_shared>> -> memref<100096xf32, #tpu.memory_space<vmem_shared>>
      tpu.enqueue_indirect_dma source(%dma_start3A_682 : memref<100096xf32, #tpu.memory_space<vmem_shared>>) target(%arg25 : memref<7168xf32, #tpu.memory_space<vmem>>) offsets(%arg21 : memref<7168xi32, #tpu.memory_space<vmem>>) semaphore(%arg29 : memref<!tpu.dma_semaphore, #tpu.memory_space<semaphore_mem>>)
      %add3A_683 = arith.constant 78848 : i32
      %add3A_684 = arith.addi %mul3A_4, %add3A_683 : i32
      %dma_start3A_685 = tpu.memref_slice %arg7[%add3A_684] : memref<3211264xi32, #tpu.memory_space<hbm>> -> memref<7168xi32, #tpu.memory_space<hbm>>
      %dma_start3A_686 = tpu.memref_slice %arg7[%add3A_684] : memref<3211264xi32, #tpu.memory_space<hbm>> -> memref<7168xi32, #tpu.memory_space<hbm>>
      tpu.enqueue_dma source(%dma_start3A_686 : memref<7168xi32, #tpu.memory_space<hbm>>) target(%arg22 : memref<7168xi32, #tpu.memory_space<vmem>>) target_semaphore(%arg27 : memref<!tpu.dma_semaphore, #tpu.memory_space<semaphore_mem>>)
      %dma_wait3A_687 = arith.constant 0 : i32
      %dma_wait3A_688 = tpu.memref_slice %arg13[%dma_wait3A_687] : memref<100096xf32, #tpu.memory_space<vmem_shared>> -> memref<100096xf32, #tpu.memory_space<vmem_shared>>
      tpu.wait_indirect_dma semaphore(%arg30 : memref<!tpu.dma_semaphore, #tpu.memory_space<semaphore_mem>>) src(%arg26 : memref<7168xf32, #tpu.memory_space<vmem>>) dst(%dma_wait3A_688 : memref<100096xf32, #tpu.memory_space<vmem_shared>>)
      %dma_wait3A_689 = tpu.memref_slice %arg6[%add3A_672] : memref<3211264xi32, #tpu.memory_space<hbm>> -> memref<7168xi32, #tpu.memory_space<hbm>>
      %dma_wait3A_690 = tpu.memref_slice %arg6[%add3A_672] : memref<3211264xi32, #tpu.memory_space<hbm>> -> memref<7168xi32, #tpu.memory_space<hbm>>
      tpu.wait_dma2 semaphore(%arg28 : memref<!tpu.dma_semaphore, #tpu.memory_space<semaphore_mem>>) src(%dma_wait3A_690 : memref<7168xi32, #tpu.memory_space<hbm>>) dst(%arg23 : memref<7168xi32, #tpu.memory_space<vmem>>)
      %add3A_691 = arith.constant 78848 : i32
      %add3A_692 = arith.addi %mul3A_4, %add3A_691 : i32
      %dma_start3A_693 = tpu.memref_slice %arg6[%add3A_692] : memref<3211264xi32, #tpu.memory_space<hbm>> -> memref<7168xi32, #tpu.memory_space<hbm>>
      %dma_start3A_694 = tpu.memref_slice %arg6[%add3A_692] : memref<3211264xi32, #tpu.memory_space<hbm>> -> memref<7168xi32, #tpu.memory_space<hbm>>
      tpu.enqueue_dma source(%dma_start3A_694 : memref<7168xi32, #tpu.memory_space<hbm>>) target(%arg24 : memref<7168xi32, #tpu.memory_space<vmem>>) target_semaphore(%arg28 : memref<!tpu.dma_semaphore, #tpu.memory_space<semaphore_mem>>)
      %dma_wait3A_695 = arith.constant 0 : i32
      %dma_wait3A_696 = tpu.memref_slice %arg12[%dma_wait3A_695] : memref<100096xf32, #tpu.memory_space<vmem_shared>> -> memref<100096xf32, #tpu.memory_space<vmem_shared>>
      tpu.wait_indirect_dma semaphore(%arg29 : memref<!tpu.dma_semaphore, #tpu.memory_space<semaphore_mem>>) src(%dma_wait3A_696 : memref<100096xf32, #tpu.memory_space<vmem_shared>>) dst(%arg25 : memref<7168xf32, #tpu.memory_space<vmem>>)
      %dma_start3A_697 = arith.constant 0 : i32
      %dma_start3A_698 = tpu.memref_slice %arg13[%dma_start3A_697] : memref<100096xf32, #tpu.memory_space<vmem_shared>> -> memref<100096xf32, #tpu.memory_space<vmem_shared>>
      tpu.enqueue_indirect_dma source(%arg25 : memref<7168xf32, #tpu.memory_space<vmem>>) target(%dma_start3A_698 : memref<100096xf32, #tpu.memory_space<vmem_shared>>) offsets(%arg23 : memref<7168xi32, #tpu.memory_space<vmem>>) semaphore(%arg30 : memref<!tpu.dma_semaphore, #tpu.memory_space<semaphore_mem>>) {add = true}
      %dma_wait3A_699 = tpu.memref_slice %arg7[%add3A_684] : memref<3211264xi32, #tpu.memory_space<hbm>> -> memref<7168xi32, #tpu.memory_space<hbm>>
      %dma_wait3A_700 = tpu.memref_slice %arg7[%add3A_684] : memref<3211264xi32, #tpu.memory_space<hbm>> -> memref<7168xi32, #tpu.memory_space<hbm>>
      tpu.wait_dma2 semaphore(%arg27 : memref<!tpu.dma_semaphore, #tpu.memory_space<semaphore_mem>>) src(%dma_wait3A_700 : memref<7168xi32, #tpu.memory_space<hbm>>) dst(%arg22 : memref<7168xi32, #tpu.memory_space<vmem>>)
      %dma_start3A_701 = arith.constant 0 : i32
      %dma_start3A_702 = tpu.memref_slice %arg12[%dma_start3A_701] : memref<100096xf32, #tpu.memory_space<vmem_shared>> -> memref<100096xf32, #tpu.memory_space<vmem_shared>>
      tpu.enqueue_indirect_dma source(%dma_start3A_702 : memref<100096xf32, #tpu.memory_space<vmem_shared>>) target(%arg26 : memref<7168xf32, #tpu.memory_space<vmem>>) offsets(%arg22 : memref<7168xi32, #tpu.memory_space<vmem>>) semaphore(%arg29 : memref<!tpu.dma_semaphore, #tpu.memory_space<semaphore_mem>>)
      %add3A_703 = arith.constant 86016 : i32
      %add3A_704 = arith.addi %mul3A_4, %add3A_703 : i32
      %dma_start3A_705 = tpu.memref_slice %arg7[%add3A_704] : memref<3211264xi32, #tpu.memory_space<hbm>> -> memref<7168xi32, #tpu.memory_space<hbm>>
      %dma_start3A_706 = tpu.memref_slice %arg7[%add3A_704] : memref<3211264xi32, #tpu.memory_space<hbm>> -> memref<7168xi32, #tpu.memory_space<hbm>>
      tpu.enqueue_dma source(%dma_start3A_706 : memref<7168xi32, #tpu.memory_space<hbm>>) target(%arg21 : memref<7168xi32, #tpu.memory_space<vmem>>) target_semaphore(%arg27 : memref<!tpu.dma_semaphore, #tpu.memory_space<semaphore_mem>>)
      %dma_wait3A_707 = arith.constant 0 : i32
      %dma_wait3A_708 = tpu.memref_slice %arg13[%dma_wait3A_707] : memref<100096xf32, #tpu.memory_space<vmem_shared>> -> memref<100096xf32, #tpu.memory_space<vmem_shared>>
      tpu.wait_indirect_dma semaphore(%arg30 : memref<!tpu.dma_semaphore, #tpu.memory_space<semaphore_mem>>) src(%arg25 : memref<7168xf32, #tpu.memory_space<vmem>>) dst(%dma_wait3A_708 : memref<100096xf32, #tpu.memory_space<vmem_shared>>)
      %dma_wait3A_709 = tpu.memref_slice %arg6[%add3A_692] : memref<3211264xi32, #tpu.memory_space<hbm>> -> memref<7168xi32, #tpu.memory_space<hbm>>
      %dma_wait3A_710 = tpu.memref_slice %arg6[%add3A_692] : memref<3211264xi32, #tpu.memory_space<hbm>> -> memref<7168xi32, #tpu.memory_space<hbm>>
      tpu.wait_dma2 semaphore(%arg28 : memref<!tpu.dma_semaphore, #tpu.memory_space<semaphore_mem>>) src(%dma_wait3A_710 : memref<7168xi32, #tpu.memory_space<hbm>>) dst(%arg24 : memref<7168xi32, #tpu.memory_space<vmem>>)
      %add3A_711 = arith.constant 86016 : i32
      %add3A_712 = arith.addi %mul3A_4, %add3A_711 : i32
      %dma_start3A_713 = tpu.memref_slice %arg6[%add3A_712] : memref<3211264xi32, #tpu.memory_space<hbm>> -> memref<7168xi32, #tpu.memory_space<hbm>>
      %dma_start3A_714 = tpu.memref_slice %arg6[%add3A_712] : memref<3211264xi32, #tpu.memory_space<hbm>> -> memref<7168xi32, #tpu.memory_space<hbm>>
      tpu.enqueue_dma source(%dma_start3A_714 : memref<7168xi32, #tpu.memory_space<hbm>>) target(%arg23 : memref<7168xi32, #tpu.memory_space<vmem>>) target_semaphore(%arg28 : memref<!tpu.dma_semaphore, #tpu.memory_space<semaphore_mem>>)
      %dma_wait3A_715 = arith.constant 0 : i32
      %dma_wait3A_716 = tpu.memref_slice %arg12[%dma_wait3A_715] : memref<100096xf32, #tpu.memory_space<vmem_shared>> -> memref<100096xf32, #tpu.memory_space<vmem_shared>>
      tpu.wait_indirect_dma semaphore(%arg29 : memref<!tpu.dma_semaphore, #tpu.memory_space<semaphore_mem>>) src(%dma_wait3A_716 : memref<100096xf32, #tpu.memory_space<vmem_shared>>) dst(%arg26 : memref<7168xf32, #tpu.memory_space<vmem>>)
      %dma_start3A_717 = arith.constant 0 : i32
      %dma_start3A_718 = tpu.memref_slice %arg13[%dma_start3A_717] : memref<100096xf32, #tpu.memory_space<vmem_shared>> -> memref<100096xf32, #tpu.memory_space<vmem_shared>>
      tpu.enqueue_indirect_dma source(%arg26 : memref<7168xf32, #tpu.memory_space<vmem>>) target(%dma_start3A_718 : memref<100096xf32, #tpu.memory_space<vmem_shared>>) offsets(%arg24 : memref<7168xi32, #tpu.memory_space<vmem>>) semaphore(%arg30 : memref<!tpu.dma_semaphore, #tpu.memory_space<semaphore_mem>>) {add = true}
      %dma_wait3A_719 = tpu.memref_slice %arg7[%add3A_704] : memref<3211264xi32, #tpu.memory_space<hbm>> -> memref<7168xi32, #tpu.memory_space<hbm>>
      %dma_wait3A_720 = tpu.memref_slice %arg7[%add3A_704] : memref<3211264xi32, #tpu.memory_space<hbm>> -> memref<7168xi32, #tpu.memory_space<hbm>>
      tpu.wait_dma2 semaphore(%arg27 : memref<!tpu.dma_semaphore, #tpu.memory_space<semaphore_mem>>) src(%dma_wait3A_720 : memref<7168xi32, #tpu.memory_space<hbm>>) dst(%arg21 : memref<7168xi32, #tpu.memory_space<vmem>>)
      %dma_start3A_721 = arith.constant 0 : i32
      %dma_start3A_722 = tpu.memref_slice %arg12[%dma_start3A_721] : memref<100096xf32, #tpu.memory_space<vmem_shared>> -> memref<100096xf32, #tpu.memory_space<vmem_shared>>
      tpu.enqueue_indirect_dma source(%dma_start3A_722 : memref<100096xf32, #tpu.memory_space<vmem_shared>>) target(%arg25 : memref<7168xf32, #tpu.memory_space<vmem>>) offsets(%arg21 : memref<7168xi32, #tpu.memory_space<vmem>>) semaphore(%arg29 : memref<!tpu.dma_semaphore, #tpu.memory_space<semaphore_mem>>)
      %add3A_723 = arith.constant 93184 : i32
      %add3A_724 = arith.addi %mul3A_4, %add3A_723 : i32
      %dma_start3A_725 = tpu.memref_slice %arg7[%add3A_724] : memref<3211264xi32, #tpu.memory_space<hbm>> -> memref<7168xi32, #tpu.memory_space<hbm>>
      %dma_start3A_726 = tpu.memref_slice %arg7[%add3A_724] : memref<3211264xi32, #tpu.memory_space<hbm>> -> memref<7168xi32, #tpu.memory_space<hbm>>
      tpu.enqueue_dma source(%dma_start3A_726 : memref<7168xi32, #tpu.memory_space<hbm>>) target(%arg22 : memref<7168xi32, #tpu.memory_space<vmem>>) target_semaphore(%arg27 : memref<!tpu.dma_semaphore, #tpu.memory_space<semaphore_mem>>)
      %dma_wait3A_727 = arith.constant 0 : i32
      %dma_wait3A_728 = tpu.memref_slice %arg13[%dma_wait3A_727] : memref<100096xf32, #tpu.memory_space<vmem_shared>> -> memref<100096xf32, #tpu.memory_space<vmem_shared>>
      tpu.wait_indirect_dma semaphore(%arg30 : memref<!tpu.dma_semaphore, #tpu.memory_space<semaphore_mem>>) src(%arg26 : memref<7168xf32, #tpu.memory_space<vmem>>) dst(%dma_wait3A_728 : memref<100096xf32, #tpu.memory_space<vmem_shared>>)
      %dma_wait3A_729 = tpu.memref_slice %arg6[%add3A_712] : memref<3211264xi32, #tpu.memory_space<hbm>> -> memref<7168xi32, #tpu.memory_space<hbm>>
      %dma_wait3A_730 = tpu.memref_slice %arg6[%add3A_712] : memref<3211264xi32, #tpu.memory_space<hbm>> -> memref<7168xi32, #tpu.memory_space<hbm>>
      tpu.wait_dma2 semaphore(%arg28 : memref<!tpu.dma_semaphore, #tpu.memory_space<semaphore_mem>>) src(%dma_wait3A_730 : memref<7168xi32, #tpu.memory_space<hbm>>) dst(%arg23 : memref<7168xi32, #tpu.memory_space<vmem>>)
      %add3A_731 = arith.constant 93184 : i32
      %add3A_732 = arith.addi %mul3A_4, %add3A_731 : i32
      %dma_start3A_733 = tpu.memref_slice %arg6[%add3A_732] : memref<3211264xi32, #tpu.memory_space<hbm>> -> memref<7168xi32, #tpu.memory_space<hbm>>
      %dma_start3A_734 = tpu.memref_slice %arg6[%add3A_732] : memref<3211264xi32, #tpu.memory_space<hbm>> -> memref<7168xi32, #tpu.memory_space<hbm>>
      tpu.enqueue_dma source(%dma_start3A_734 : memref<7168xi32, #tpu.memory_space<hbm>>) target(%arg24 : memref<7168xi32, #tpu.memory_space<vmem>>) target_semaphore(%arg28 : memref<!tpu.dma_semaphore, #tpu.memory_space<semaphore_mem>>)
      %dma_wait3A_735 = arith.constant 0 : i32
      %dma_wait3A_736 = tpu.memref_slice %arg12[%dma_wait3A_735] : memref<100096xf32, #tpu.memory_space<vmem_shared>> -> memref<100096xf32, #tpu.memory_space<vmem_shared>>
      tpu.wait_indirect_dma semaphore(%arg29 : memref<!tpu.dma_semaphore, #tpu.memory_space<semaphore_mem>>) src(%dma_wait3A_736 : memref<100096xf32, #tpu.memory_space<vmem_shared>>) dst(%arg25 : memref<7168xf32, #tpu.memory_space<vmem>>)
      %dma_start3A_737 = arith.constant 0 : i32
      %dma_start3A_738 = tpu.memref_slice %arg13[%dma_start3A_737] : memref<100096xf32, #tpu.memory_space<vmem_shared>> -> memref<100096xf32, #tpu.memory_space<vmem_shared>>
      tpu.enqueue_indirect_dma source(%arg25 : memref<7168xf32, #tpu.memory_space<vmem>>) target(%dma_start3A_738 : memref<100096xf32, #tpu.memory_space<vmem_shared>>) offsets(%arg23 : memref<7168xi32, #tpu.memory_space<vmem>>) semaphore(%arg30 : memref<!tpu.dma_semaphore, #tpu.memory_space<semaphore_mem>>) {add = true}
      %dma_wait3A_739 = tpu.memref_slice %arg7[%add3A_724] : memref<3211264xi32, #tpu.memory_space<hbm>> -> memref<7168xi32, #tpu.memory_space<hbm>>
      %dma_wait3A_740 = tpu.memref_slice %arg7[%add3A_724] : memref<3211264xi32, #tpu.memory_space<hbm>> -> memref<7168xi32, #tpu.memory_space<hbm>>
      tpu.wait_dma2 semaphore(%arg27 : memref<!tpu.dma_semaphore, #tpu.memory_space<semaphore_mem>>) src(%dma_wait3A_740 : memref<7168xi32, #tpu.memory_space<hbm>>) dst(%arg22 : memref<7168xi32, #tpu.memory_space<vmem>>)
      %dma_start3A_741 = arith.constant 0 : i32
      %dma_start3A_742 = tpu.memref_slice %arg12[%dma_start3A_741] : memref<100096xf32, #tpu.memory_space<vmem_shared>> -> memref<100096xf32, #tpu.memory_space<vmem_shared>>
      tpu.enqueue_indirect_dma source(%dma_start3A_742 : memref<100096xf32, #tpu.memory_space<vmem_shared>>) target(%arg26 : memref<7168xf32, #tpu.memory_space<vmem>>) offsets(%arg22 : memref<7168xi32, #tpu.memory_space<vmem>>) semaphore(%arg29 : memref<!tpu.dma_semaphore, #tpu.memory_space<semaphore_mem>>)
      %dma_wait3A_743 = arith.constant 0 : i32
      %dma_wait3A_744 = tpu.memref_slice %arg13[%dma_wait3A_743] : memref<100096xf32, #tpu.memory_space<vmem_shared>> -> memref<100096xf32, #tpu.memory_space<vmem_shared>>
      tpu.wait_indirect_dma semaphore(%arg30 : memref<!tpu.dma_semaphore, #tpu.memory_space<semaphore_mem>>) src(%arg25 : memref<7168xf32, #tpu.memory_space<vmem>>) dst(%dma_wait3A_744 : memref<100096xf32, #tpu.memory_space<vmem_shared>>)
      %dma_wait3A_745 = tpu.memref_slice %arg6[%add3A_732] : memref<3211264xi32, #tpu.memory_space<hbm>> -> memref<7168xi32, #tpu.memory_space<hbm>>
      %dma_wait3A_746 = tpu.memref_slice %arg6[%add3A_732] : memref<3211264xi32, #tpu.memory_space<hbm>> -> memref<7168xi32, #tpu.memory_space<hbm>>
      tpu.wait_dma2 semaphore(%arg28 : memref<!tpu.dma_semaphore, #tpu.memory_space<semaphore_mem>>) src(%dma_wait3A_746 : memref<7168xi32, #tpu.memory_space<hbm>>) dst(%arg24 : memref<7168xi32, #tpu.memory_space<vmem>>)
      %dma_wait3A_747 = arith.constant 0 : i32
      %dma_wait3A_748 = tpu.memref_slice %arg12[%dma_wait3A_747] : memref<100096xf32, #tpu.memory_space<vmem_shared>> -> memref<100096xf32, #tpu.memory_space<vmem_shared>>
      tpu.wait_indirect_dma semaphore(%arg29 : memref<!tpu.dma_semaphore, #tpu.memory_space<semaphore_mem>>) src(%dma_wait3A_748 : memref<100096xf32, #tpu.memory_space<vmem_shared>>) dst(%arg26 : memref<7168xf32, #tpu.memory_space<vmem>>)
      %dma_start3A_749 = arith.constant 0 : i32
      %dma_start3A_750 = tpu.memref_slice %arg13[%dma_start3A_749] : memref<100096xf32, #tpu.memory_space<vmem_shared>> -> memref<100096xf32, #tpu.memory_space<vmem_shared>>
      tpu.enqueue_indirect_dma source(%arg26 : memref<7168xf32, #tpu.memory_space<vmem>>) target(%dma_start3A_750 : memref<100096xf32, #tpu.memory_space<vmem_shared>>) offsets(%arg24 : memref<7168xi32, #tpu.memory_space<vmem>>) semaphore(%arg30 : memref<!tpu.dma_semaphore, #tpu.memory_space<semaphore_mem>>) {add = true}
      %dma_wait3A_751 = arith.constant 0 : i32
      %dma_wait3A_752 = tpu.memref_slice %arg13[%dma_wait3A_751] : memref<100096xf32, #tpu.memory_space<vmem_shared>> -> memref<100096xf32, #tpu.memory_space<vmem_shared>>
      tpu.wait_indirect_dma semaphore(%arg30 : memref<!tpu.dma_semaphore, #tpu.memory_space<semaphore_mem>>) src(%arg26 : memref<7168xf32, #tpu.memory_space<vmem>>) dst(%dma_wait3A_752 : memref<100096xf32, #tpu.memory_space<vmem_shared>>)
      %barrier3A_753 = arith.constant 0 : index
      tpu.barrier barrier_id(%barrier3A_753)
      "tpu.region"() ({
        %run_scoped3A = tpu.sem_alloc : memref<!tpu.dma_semaphore, #tpu.memory_space<semaphore_mem>>
        %dma_start3A_772 = tpu.memref_slice %arg13[%mul3A_0] : memref<100096xf32, #tpu.memory_space<vmem_shared>> -> memref<6256xf32, #tpu.memory_space<vmem_shared>>
        %dma_start3A_773 = tpu.memref_slice %arg13[%mul3A_0] : memref<100096xf32, #tpu.memory_space<vmem_shared>> -> memref<6256xf32, #tpu.memory_space<vmem_shared>>
        tpu.enqueue_dma source(%dma_start3A_773 : memref<6256xf32, #tpu.memory_space<vmem_shared>>) target(%arg18 : memref<6256xf32, #tpu.memory_space<vmem>>) target_semaphore(%run_scoped3A : memref<!tpu.dma_semaphore, #tpu.memory_space<semaphore_mem>>)
        %dma_wait3A_774 = tpu.memref_slice %arg13[%mul3A_0] : memref<100096xf32, #tpu.memory_space<vmem_shared>> -> memref<6256xf32, #tpu.memory_space<vmem_shared>>
        %dma_wait3A_775 = tpu.memref_slice %arg13[%mul3A_0] : memref<100096xf32, #tpu.memory_space<vmem_shared>> -> memref<6256xf32, #tpu.memory_space<vmem_shared>>
        tpu.wait_dma2 semaphore(%run_scoped3A : memref<!tpu.dma_semaphore, #tpu.memory_space<semaphore_mem>>) src(%dma_wait3A_775 : memref<6256xf32, #tpu.memory_space<vmem_shared>>) dst(%arg18 : memref<6256xf32, #tpu.memory_space<vmem>>)
        tpu.yield
      }) : () -> ()
      %add3A_754 = arith.addi %mul3A_6, %mul3A_0 : i32
      "tpu.region"() ({
        %run_scoped3A = tpu.sem_alloc : memref<!tpu.dma_semaphore, #tpu.memory_space<semaphore_mem>>
        %dma_start3A_772 = tpu.memref_slice %arg10[%add3A_754] : memref<200192xf32, #tpu.memory_space<hbm>> -> memref<6256xf32, #tpu.memory_space<hbm>>
        %dma_start3A_773 = tpu.memref_slice %arg10[%add3A_754] : memref<200192xf32, #tpu.memory_space<hbm>> -> memref<6256xf32, #tpu.memory_space<hbm>>
        tpu.enqueue_dma source(%arg18 : memref<6256xf32, #tpu.memory_space<vmem>>) target(%dma_start3A_773 : memref<6256xf32, #tpu.memory_space<hbm>>) target_semaphore(%run_scoped3A : memref<!tpu.dma_semaphore, #tpu.memory_space<semaphore_mem>>)
        %dma_wait3A_774 = tpu.memref_slice %arg10[%add3A_754] : memref<200192xf32, #tpu.memory_space<hbm>> -> memref<6256xf32, #tpu.memory_space<hbm>>
        %dma_wait3A_775 = tpu.memref_slice %arg10[%add3A_754] : memref<200192xf32, #tpu.memory_space<hbm>> -> memref<6256xf32, #tpu.memory_space<hbm>>
        tpu.wait_dma2 semaphore(%run_scoped3A : memref<!tpu.dma_semaphore, #tpu.memory_space<semaphore_mem>>) src(%arg18 : memref<6256xf32, #tpu.memory_space<vmem>>) dst(%dma_wait3A_775 : memref<6256xf32, #tpu.memory_space<hbm>>)
        tpu.yield
      }) : () -> ()
      %barrier3A_755 = arith.constant 0 : index
      tpu.barrier barrier_id(%barrier3A_755)
      %sub3A_756 = arith.constant 1 : i32
      %sub3A_757 = arith.subi %sub3A_756, %arg0 : i32
      %semaphore_signal3A_758 = arith.constant 1 : i32
      tpu.sem_signal %arg33, %semaphore_signal3A_758 core_id %sub3A_757 : memref<!tpu.semaphore, #tpu.memory_space<semaphore_mem>>
      %semaphore_wait3A_759 = arith.constant 1 : i32
      %semaphore_wait3A_760 = arith.constant true
      tpu.sem_wait %arg33, %semaphore_wait3A_759 : memref<!tpu.semaphore, #tpu.memory_space<semaphore_mem>>
      %add3A_761 = arith.addi %mul3A_9, %mul3A_0 : i32
      "tpu.region"() ({
        %run_scoped3A = tpu.sem_alloc : memref<!tpu.dma_semaphore, #tpu.memory_space<semaphore_mem>>
        %dma_start3A_772 = tpu.memref_slice %arg10[%add3A_761] : memref<200192xf32, #tpu.memory_space<hbm>> -> memref<6256xf32, #tpu.memory_space<hbm>>
        %dma_start3A_773 = tpu.memref_slice %arg10[%add3A_761] : memref<200192xf32, #tpu.memory_space<hbm>> -> memref<6256xf32, #tpu.memory_space<hbm>>
        tpu.enqueue_dma source(%dma_start3A_773 : memref<6256xf32, #tpu.memory_space<hbm>>) target(%arg19 : memref<6256xf32, #tpu.memory_space<vmem>>) target_semaphore(%run_scoped3A : memref<!tpu.dma_semaphore, #tpu.memory_space<semaphore_mem>>)
        %dma_wait3A_774 = tpu.memref_slice %arg10[%add3A_761] : memref<200192xf32, #tpu.memory_space<hbm>> -> memref<6256xf32, #tpu.memory_space<hbm>>
        %dma_wait3A_775 = tpu.memref_slice %arg10[%add3A_761] : memref<200192xf32, #tpu.memory_space<hbm>> -> memref<6256xf32, #tpu.memory_space<hbm>>
        tpu.wait_dma2 semaphore(%run_scoped3A : memref<!tpu.dma_semaphore, #tpu.memory_space<semaphore_mem>>) src(%dma_wait3A_775 : memref<6256xf32, #tpu.memory_space<hbm>>) dst(%arg19 : memref<6256xf32, #tpu.memory_space<vmem>>)
        tpu.yield
      }) : () -> ()
      %scan3A_762 = arith.constant 0 : i32
      %scan3A_763 = arith.constant 0 : i32
      %scan3A_764 = arith.constant 391 : i32
      %scan3A_765 = arith.addi %scan3A_763, %scan3A_764 : i32
      %scan3A_766 = arith.constant 1 : i32
      %scan3A_767 = scf.for %scan3A_772 = %scan3A_763 to %scan3A_765 step %scan3A_766 iter_args(%scan3A_773 = %scan3A_762) -> (i32)  : i32 {
        %mul3A_774 = arith.constant 16 : i32
        %mul3A_775 = arith.muli %scan3A_772, %mul3A_774 : i32
        %get3A_776 = arith.index_cast %mul3A_775 : i32 to index
        %get3A_777 = tpu.vector_load %arg18[%get3A_776] {strides = array<i32>} : memref<6256xf32, #tpu.memory_space<vmem>>, vector<16xf32>,
        %get3A_778 = vector.shape_cast %get3A_777 : vector<16xf32> to vector<16xf32>
        %get3A_779 = arith.index_cast %mul3A_775 : i32 to index
        %get3A_780 = tpu.vector_load %arg19[%get3A_779] {strides = array<i32>} : memref<6256xf32, #tpu.memory_space<vmem>>, vector<16xf32>,
        %get3A_781 = vector.shape_cast %get3A_780 : vector<16xf32> to vector<16xf32>
        %add3A_782 = arith.addf %get3A_778, %get3A_781 : vector<16xf32>
        %neg3A = arith.constant 0.000000e+00 : f32
        %neg3A_783 = vector.broadcast %neg3A : f32 to vector<16xf32>
        %neg3A_784 = arith.subf %neg3A_783, %add3A_782 : vector<16xf32>
        %exp3A = math.exp %neg3A_784 : vector<16xf32>
        %sub3A_785 = arith.constant 1.000000e+00 : f32
        %sub3A_786 = vector.broadcast %sub3A_785 : f32 to vector<16xf32>
        %sub3A_787 = arith.subf %sub3A_786, %exp3A : vector<16xf32>
        %get3A_788 = arith.index_cast %mul3A_775 : i32 to index
        %get3A_789 = tpu.vector_load %arg14[%get3A_788] {strides = array<i32>} : memref<6256xf32, #tpu.memory_space<vmem>>, vector<16xf32>,
        %get3A_790 = vector.shape_cast %get3A_789 : vector<16xf32> to vector<16xf32>
        %mul3A_791 = arith.mulf %sub3A_787, %get3A_790 : vector<16xf32>
        %swap3A = arith.index_cast %mul3A_775 : i32 to index
        %swap3A_792 = tpu.vector_load %arg19[%swap3A] {strides = array<i32>} : memref<6256xf32, #tpu.memory_space<vmem>>, vector<16xf32>,
        %swap3A_793 = vector.shape_cast %swap3A_792 : vector<16xf32> to vector<16xf32>
        %swap3A_794 = vector.shape_cast %mul3A_791 : vector<16xf32> to vector<16xf32>
        tpu.vector_store %arg19[%swap3A], %swap3A_794 {strides = array<i32>} : memref<6256xf32, #tpu.memory_space<vmem>>, vector<16xf32>,
        %get3A_795 = arith.index_cast %mul3A_775 : i32 to index
        %get3A_796 = tpu.vector_load %arg14[%get3A_795] {strides = array<i32>} : memref<6256xf32, #tpu.memory_space<vmem>>, vector<16xf32>,
        %get3A_797 = vector.shape_cast %get3A_796 : vector<16xf32> to vector<16xf32>
        %sub3A_798 = arith.subf %get3A_797, %mul3A_791 : vector<16xf32>
        %swap3A_799 = arith.index_cast %mul3A_775 : i32 to index
        %swap3A_800 = tpu.vector_load %arg14[%swap3A_799] {strides = array<i32>} : memref<6256xf32, #tpu.memory_space<vmem>>, vector<16xf32>,
        %swap3A_801 = vector.shape_cast %swap3A_800 : vector<16xf32> to vector<16xf32>
        %swap3A_802 = vector.shape_cast %sub3A_798 : vector<16xf32> to vector<16xf32>
        tpu.vector_store %arg14[%swap3A_799], %swap3A_802 {strides = array<i32>} : memref<6256xf32, #tpu.memory_space<vmem>>, vector<16xf32>,
        %get3A_803 = arith.index_cast %mul3A_775 : i32 to index
        %get3A_804 = tpu.vector_load %arg15[%get3A_803] {strides = array<i32>} : memref<6256xf32, #tpu.memory_space<vmem>>, vector<16xf32>,
        %get3A_805 = vector.shape_cast %get3A_804 : vector<16xf32> to vector<16xf32>
        %add3A_806 = arith.addf %get3A_805, %mul3A_791 : vector<16xf32>
        %swap3A_807 = arith.index_cast %mul3A_775 : i32 to index
        %swap3A_808 = tpu.vector_load %arg15[%swap3A_807] {strides = array<i32>} : memref<6256xf32, #tpu.memory_space<vmem>>, vector<16xf32>,
        %swap3A_809 = vector.shape_cast %swap3A_808 : vector<16xf32> to vector<16xf32>
        %swap3A_810 = vector.shape_cast %add3A_806 : vector<16xf32> to vector<16xf32>
        tpu.vector_store %arg15[%swap3A_807], %swap3A_810 {strides = array<i32>} : memref<6256xf32, #tpu.memory_space<vmem>>, vector<16xf32>,
        %scan3A_811 = arith.constant 0 : i32
        scf.yield %scan3A_811 : i32
      }
      %scan3A_768 = arith.constant 391 : i32
      %eq3A = arith.constant 0 : i32
      %eq3A_769 = arith.cmpi eq, %arg0, %eq3A : i32
      %convert_element_type3A = arith.extui %eq3A_769 : i1 to i32
      %cond3A = arith.constant 0 : i32
      %cond3A_770 = arith.cmpi ne, %convert_element_type3A, %cond3A : i32
      scf.if %cond3A_770 {
        %mul3A_772 = arith.constant 100096 : i32
        %mul3A_773 = arith.muli %scan3A_125, %mul3A_772 : i32
        %add3A_774 = arith.addi %mul3A_773, %mul3A_0 : i32
        "tpu.region"() ({
          %run_scoped3A = tpu.sem_alloc : memref<!tpu.dma_semaphore, #tpu.memory_space<semaphore_mem>>
          %dma_start3A_775 = tpu.memref_slice %arg8[%add3A_774] : memref<1000960xf32, #tpu.memory_space<hbm>> -> memref<6256xf32, #tpu.memory_space<hbm>>
          %dma_start3A_776 = tpu.memref_slice %arg8[%add3A_774] : memref<1000960xf32, #tpu.memory_space<hbm>> -> memref<6256xf32, #tpu.memory_space<hbm>>
          tpu.enqueue_dma source(%arg19 : memref<6256xf32, #tpu.memory_space<vmem>>) target(%dma_start3A_776 : memref<6256xf32, #tpu.memory_space<hbm>>) target_semaphore(%run_scoped3A : memref<!tpu.dma_semaphore, #tpu.memory_space<semaphore_mem>>)
          %dma_wait3A_777 = tpu.memref_slice %arg8[%add3A_774] : memref<1000960xf32, #tpu.memory_space<hbm>> -> memref<6256xf32, #tpu.memory_space<hbm>>
          %dma_wait3A_778 = tpu.memref_slice %arg8[%add3A_774] : memref<1000960xf32, #tpu.memory_space<hbm>> -> memref<6256xf32, #tpu.memory_space<hbm>>
          tpu.wait_dma2 semaphore(%run_scoped3A : memref<!tpu.dma_semaphore, #tpu.memory_space<semaphore_mem>>) src(%arg19 : memref<6256xf32, #tpu.memory_space<vmem>>) dst(%dma_wait3A_778 : memref<6256xf32, #tpu.memory_space<hbm>>)
          tpu.yield
        }) : () -> ()
      } else {
      }
      %scan3A_771 = arith.constant 0 : i32
      scf.yield %scan3A_771 : i32
    }
    %scan3A_124 = arith.constant 10 : i32
    return
  }
}

</mosaic_0001>

<sc_bundles>
// kernel: kernel.3.cloned.1.call-start
scs
__scs_entry_jumppad:
0x0: {  	(pc) =	sbr.rel $0x88, $3  }
0x1: {  	(tag) =	ssettag $0x0;
	lr =	simm.s32 $0x1  }
0x2: {  	[smem:$0x3F9C] =	sst lr;
	_ =	strace $0xD0000000  }
0x3: {  	_ = 	snop  }
0x4: {  	_ = 	snop  }
0x5: {  	_ = 	snop  }
0x6: {  	_ = 	snop  }
0x7: {  	_ = 	snop  }
__scs_overlays_trampoline_lowered:
0x8: {  	[smem:$0x3FAB] =	sst s0  }
0x9: {  	[smem:$0x3FAC] =	sst s1  }
0xa: {  	[smem:$0x3FAD] =	sst s2  }
0xb: {  	[smem:$0x3FAE] =	sst s3  }
0xc: {  	[smem:$0x3FAF] =	sst s4  }
0xd: {  	[smem:$0x3FB0] =	sst s5  }
0xe: {  	[smem:$0x3FB1] =	sst s6  }
0xf: {  	[smem:$0x3FB2] =	sst s7  }
0x10: {  	[smem:$0x3FB3] =	sst s8  }
0x11: {  	[smem:$0x3FB4] =	sst s9;
	s0 =	simm.s32 @!p0 $0x0  }
0x12: {  	s1 =	sld [smem:$0x3F9A];
	s0 =	simm.s32 @p0 $0x1  }
0x13: {  	[smem:$0x3FB5] =	sst s0;
	s0 =	simm.s32 @!p1 $0x0  }
0x14: {  	s2 =	sld [smem:$0x3F99];
	s0 =	simm.s32 @p1 $0x1  }
0x15: {  	[smem:$0x3FB6] =	sst s0;
	s0 =	simm.s32 @!p2 $0x0  }
0x16: {  	s3 =	sld [smem:$0x3FDB];
	s0 =	simm.s32 @p2 $0x1  }
0x17: {  	s4 =	simm.s32 $0x1BF5;
	[smem:$0x3FB8] =	sst s0  }
0x18: {  	s0 =	sld [smem:$0x3F9B];
	_ =	swait.ge [sflag:s4], $0x0  }
0x19: {  	s7 =	sld [smem:$0x3F9C]  }
0x1a: {  	s8 =	sadd.s32 $0xFFFFE003, lr  }
0x1b: {  	s9 =	sadd.s32 $0xFFFFFEF7, lr;
	s5 =	simm.s32 $0xFFFFFFFF;
	p2 =	slt.u32 s8, $0xFFFFF086  }
0x1c: {  	p1 =	slt.u32 s9, $0xF7A;
	s5 =	simm.s32 @!p2 $0x0  }
0x1d: {  	s5 =	simm.s32 @p1 $0x1;
	p0 =	seq.s32 s7, s2  }
0x1e: {  	s7 =	smul.u32 @!p0 $0xF7A, s2;
	p2 =	seq.s32 @!p0 s5, $0x0  }
0x1f: {  	s9 =	smul.u32 $0xF7A, s1;
	s8 =	simm.s32 @!p0 $0x1BF5;
	p2 =	por !p2, p0  }
0x20: {  	[sflag:s8] =	ssyncset.s32 @!p0 $0xFFFFF086;
	s6 =	sadd.s32 @!p0 s3, s7;
	s7 =	simm.s32 @!p0 $0x108  }
0x21: {  	s3 =	sadd.s32 s3, s9;
	s6 =	sadd.s32 @!p0 $0x88, s6;
	s7 =	simm.s32 @p2 $0x1082  }
0x22: {  	[simem:s7], [sflag:s8] =	dma.local @!p0 [hbm:s6], $0xF7A  }
0x23: {  	s9 =	sor.u32 $0xD0000000, s2;
	s6 =	simm.s32 $0x108;
	_ =	swait.ge @!p0 [sflag:s8], $0x0  }
0x24: {  	s3 =	sadd.s32 $0x88, s3;
	s6 =	simm.s32 @!p1 $0x1082;
	[sflag:s4] =	ssyncset.s32 $0xFFFFF086  }
0x25: {  	[simem:s6], [sflag:s4] =	dma.local [hbm:s3], $0xF7A  }
0x26: {  	[smem:$0x3F9C] =	sst s1;
	(tag) =	ssettag s2;
	_ =	strace s9  }
0x27: {  	s1 =	sld [smem:$0x3FAC]  }
0x28: {  	s2 =	sld [smem:$0x3FAD]  }
0x29: {  	s4 =	sld [smem:$0x3FAF]  }
0x2a: {  	p0 =	seq.s32 s5, $0x0;
	s5 =	sld [smem:$0x3FB0]  }
0x2b: {  	s6 =	sld [smem:$0x3FB1]  }
0x2c: {  	s7 =	sld [smem:$0x3FB2]  }
0x2d: {  	s3 =	simm.s32 $0x108;
	s8 =	sld [smem:$0x3FB3]  }
0x2e: {  	s3 =	simm.s32 @!p0 $0x1082;
	s9 =	sld [smem:$0x3FB4]  }
0x2f: {  	lr =	sadd.s32 s0, s3;
	s0 =	sld [smem:$0x3FAB]  }
0x30: {  	s3 =	sld [smem:$0x3FAE]  }
0x31: {  	[smem:$0x3FB7] =	sst s10  }
0x32: {  	s10 =	sld [smem:$0x3FB5];
	_ =	sdelay $0x3  }
0x33: {  	p0 =	seq.s32 s10, $0x1;
	s10 =	sld [smem:$0x3FB7];
	_ =	sdelay $0x3  }
0x34: {  	[smem:$0x3FB7] =	sst s10  }
0x35: {  	s10 =	sld [smem:$0x3FB6];
	_ =	sdelay $0x3  }
0x36: {  	p1 =	seq.s32 s10, $0x1;
	s10 =	sld [smem:$0x3FB7];
	_ =	sdelay $0x3  }
0x37: {  	[smem:$0x3FB7] =	sst s10  }
0x38: {  	s10 =	sld [smem:$0x3FB8]  }
0x39: {  	_ = 	snop;
	(pc) =	sbr.ind lr, $3  }
0x3a: {  	_ = 	snop  }
0x3b: {  	_ = 	snop  }
0x3c: {  	p2 =	seq.s32 s10, $0x1;
	s10 =	sld [smem:$0x3FB7]  }
0x3d: {  	_ =	shalt  }
0x3e: {  	_ =	shalt  }
0x3f: {  	_ =	shalt  }
0x40: {  	_ =	shalt  }
0x41: {  	_ =	shalt  }
0x42: {  	_ =	shalt  }
0x43: {  	_ =	shalt  }
0x44: {  	_ =	shalt  }
0x45: {  	_ =	shalt  }
0x46: {  	_ =	shalt  }
0x47: {  	_ =	shalt  }
0x48: {  	_ =	shalt  }
0x49: {  	_ =	shalt  }
0x4a: {  	_ =	shalt  }
0x4b: {  	_ =	shalt  }
0x4c: {  	_ =	shalt  }
0x4d: {  	_ =	shalt  }
0x4e: {  	_ =	shalt  }
0x4f: {  	_ =	shalt  }
0x50: {  	_ =	shalt  }
0x51: {  	_ =	shalt  }
0x52: {  	_ =	shalt  }
0x53: {  	_ =	shalt  }
0x54: {  	_ =	shalt  }
0x55: {  	_ =	shalt  }
0x56: {  	_ =	shalt  }
0x57: {  	_ =	shalt  }
0x58: {  	_ =	shalt  }
0x59: {  	_ =	shalt  }
0x5a: {  	_ =	shalt  }
0x5b: {  	_ =	shalt  }
0x5c: {  	_ =	shalt  }
0x5d: {  	_ =	shalt  }
0x5e: {  	_ =	shalt  }
0x5f: {  	_ =	shalt  }
0x60: {  	_ =	shalt  }
0x61: {  	_ =	shalt  }
0x62: {  	_ =	shalt  }
0x63: {  	_ =	shalt  }
0x64: {  	_ =	shalt  }
0x65: {  	_ =	shalt  }
0x66: {  	_ =	shalt  }
0x67: {  	_ =	shalt  }
0x68: {  	_ =	shalt  }
0x69: {  	_ =	shalt  }
0x6a: {  	_ =	shalt  }
0x6b: {  	_ =	shalt  }
0x6c: {  	_ =	shalt  }
0x6d: {  	_ =	shalt  }
0x6e: {  	_ =	shalt  }
0x6f: {  	_ =	shalt  }
0x70: {  	_ =	shalt  }
0x71: {  	_ =	shalt  }
0x72: {  	_ =	shalt  }
0x73: {  	_ =	shalt  }
0x74: {  	_ =	shalt  }
0x75: {  	_ =	shalt  }
0x76: {  	_ =	shalt  }
0x77: {  	_ =	shalt  }
0x78: {  	_ =	shalt  }
0x79: {  	_ =	shalt  }
0x7a: {  	_ =	shalt  }
0x7b: {  	_ =	shalt  }
0x7c: {  	_ =	shalt  }
0x7d: {  	_ =	shalt  }
0x7e: {  	_ =	shalt  }
0x7f: {  	_ =	shalt  }
0x80: {  	_ =	shalt  }
0x81: {  	_ =	shalt  }
0x82: {  	_ =	shalt  }
0x83: {  	_ =	shalt  }
0x84: {  	_ =	shalt  }
0x85: {  	_ =	shalt  }
0x86: {  	_ =	shalt  }
0x87: {  	_ =	shalt  }
.Lfunc_end0:
.L_simem_size_0:
called_computation_lowered:
.L_overlay_start_0:
0x88: {  	s2 =	sld [smem:$0x3FD9]  }
0x89: {  	s3 =	sld [smem:$0x3FFE];
	_ =	sdelay $0x1  }
0x8a: {  	s1 =	srdreg.scid  }
0x8b: {  	s0 =	sand.u32 $0x1, s1  }
0x8c: {  	s17 =	sshll.u32 s0, $0xA;
	s2 =	sadd.s32 s3, s2  }
0x8d: {  	s2 =	sadd.s32 s2, s17  }
0x8e: {  	[smem:$0x3FC3] =	sst s2  }
0x8f: {  	_ = 	snop  }
0x90: {  	s2 =	sld [smem:$0x3FD0];
	(tm) =	ssettm $0x1  }
0x91: {  	s18 =	sld [smem:$0x3FFB];
	_ =	sdelay $0x3  }
0x92: {  	_ =	strace s18  }
0x93: {  	s3 =	sld [smem:$0x3FFC];
	_ =	sdelay $0x3  }
0x94: {  	_ =	strace s3  }
0x95: {  	s3 =	sld [smem:$0x3FFD];
	_ =	sdelay $0x3  }
0x96: {  	_ =	strace s3  }
0x97: {  	_ =	strace $0x8FFFFFFF  }
0x98: {  	s19 =	sld [smem:$0x3FDB];
	_ =	sdelay $0x1  }
0x99: {  	s4 =	simm.s32 $_scs_section_size  }
0x9a: {  	s5 =	simm.s32 $_size__tile_overlayer_lowered;
	s6 =	simm.s32 $_tile_overlayer_lowered  }
0x9b: {  	s22 =	simm.s32 $0x1BFF;
	s21 =	sshll.u32 s6, $0x1;
	s3 =	sadd.s32 s4, s19  }
0x9c: {  	s7 =	simm.s32 $0x0;
	s20 =	sshll.u32 s5, $0x1;
	s5 =	sadd.s32 s21, s3  }
0x9d: {  	[timem:s7], [sflag:s22] =	dma.local [hbm:s5], s20  }
0x9e: {  	_ =	swait.ge [sflag:s22], s20  }
0x9f: {  	s4 =	ssub.s32 $0x0, s20;
	[sflag:s22] =	ssyncset.done $0x0  }
0xa0: {  	[sflag:s22] =	ssyncadd.s32 s4;
	_ =	sdelay $0x1  }
0xa1: {  	s23 =	simm.s32 $0x1B8B  }
0xa2: {  	_ =	swait.ge [sflag:s23], $0x1  }
0xa3: {  	[sflag:s23] =	ssyncset.done $0x0  }
0xa4: {  	s25 =	simm.s32 $0x1B8E;
	s24 =	sld [smem:$0x3FFE];
	[sflag:s23] =	ssyncadd.s32 $0xFFFFFFFF  }
0xa5: {  	s26 =	simm.s32 $execute0_lowered;
	[smem:$0x3FD2] =	sst s25  }
0xa6: {  	s5 =	sshll.u32 s26, $0x1;
	_ =	strace $0x80000046;
	[dreg:$0x1] =	wrdreg $0xFFFFFFFF  }
0xa7: {  	s28 =	simm.s32 $_size_execute0_lowered;
	s3 =	sadd.s32 s3, s5;
	[dreg:$0x0] =	wrdreg $0x0  }
0xa8: {  	s5 =	sshll.u32 s28, $0x1;
	[dreg:$0x2] =	wrdreg s3  }
0xa9: {  	[dreg:$0x3] =	wrdreg s5  }
0xaa: {  	[dreg:$0x4] =	wrdreg $0xC0  }
0xab: {  	_ =	task [dreg:s7], $0x5FFFF  }
0xac: {  	[dreg:$0x1] =	wrdreg $0xFFFFFFFF  }
0xad: {  	[dreg:$0x0] =	wrdreg $0x60  }
0xae: {  	[dreg:$0x2] =	wrdreg s24  }
0xaf: {  	[dreg:$0x3] =	wrdreg s2  }
0xb0: {  	[dreg:$0x4] =	wrdreg $0x49500  }
0xb1: {  	[dreg:$0x5] =	wrdreg $0x0  }
0xb2: {  	[dreg:$0x6] =	wrdreg $0x61C00  }
0xb3: {  	[dreg:$0x7] =	wrdreg $0x9  }
0xb4: {  	_ =	task.clear_ibuf [dreg:s7], $0x8FFFF;
	_ =	strace $0x90000046  }
0xb5: {  	s29 =	simm.s32 $0x9;
	_ =	strace $0x80000048  }
0xb6: {  	_ =	swait.ge [sflag:s29], $0x1  }
0xb7: {  	[sflag:s29] =	ssyncadd.s32 $0xFFFFFFFF  }
0xb8: {  	_ =	strace $0x90000048  }
0xb9: {  	_ =	sfence  }
0xba: {  	s30 =	sld [smem:$0x0];
	_ =	sdelay $0x2  }
0xbb: {  	s31 =	sshll.u32 s1, $0xD;
	s1 =	sshrl.u32 s1, $0x2  }
0xbc: {  	s3 =	sand.u32 $0x4000, s31;
	s1 =	sadd.s32 s1, s30  }
0xbd: {  	s0 =	sor.u32 s3, s0;
	s1 =	sshll.u32 s1, $0x11  }
0xbe: {  	s0 =	sor.u32 s1, s0  }
0xbf: {  	s0 =	sadd.s32 $0x8F2B, s0  }
0xc0: {  	[sflag:s0] =	ssyncadd.remote.s32 $0x1  }
0xc1: {  	_ =	sfence.sel $0xFFFF  }
0xc2: {  	[dreg:$0x0] =	wrdreg $0xFFFFFFFF;
	(pc) =	sbr.abs _section_cstart, $3  }
0xc3: {  	[dreg:$0x1] =	wrdreg $0xFFFFFFFF  }
0xc4: {  	_ =	task.clear_ibuf [dreg:s7], $0x2FFFF;
	_ =	strace $0x9FFFFFFF  }
0xc5: {  	(tm) =	ssettm $0x7FFFFFFF  }
tec
execute0_lowered:
.L_overlay_start_1:
0x0: {  	(tag) =	ssettag $0x1  }
0x1: {  	s0 =	srdreg.scid  }
0x2: {  	s1 =	sand.u32 $0x1, s0  }
0x3: {  	s11 =	stileid.u32;
	s2 =	sshll.u32 s1, $0x4  }
0x4: {  	s28 =	rddreg [dreg:$0x2];
	s3 =	sor.u32 s11, s2  }
0x5: {  	s29 =	rddreg [dreg:$0x3];
	s22 =	sand.u32 $0x2, s0;
	s3 =	smul.u32 $0x18800, s3  }
0x6: {  	s4 =	ssub.s32 $0x2, s1;
	s7 =	sxor.u32 $0x1, s1;
	s2 =	rddreg [dreg:$0x0]  }
0x7: {  	s5 =	sshrl.u32 s4, $0x1;
	s6 =	sadd.s32 $0xC8200, s2;
	s8 =	sshrl.u32 s3, $0x3  }
0x8: {  	s3 =	ssub.s32 s4, s5;
	s5 =	smul.u32 $0x18700, s7;
	s9 =	sadd.s32 $0x380, s8  }
0x9: {  	s4 =	sor.u32 s7, s22;
	s10 =	sadd.s32 $0x700, s8;
	s15 =	sadd.s32 s6, s9  }
0xa: {  	s7 =	sadd.s32 $0x1F80, s8;
	s16 =	sadd.s32 s6, s10;
	[dreg:$0x6] =	wrdreg s15  }
0xb: {  	s22 =	sadd.s32 $0x2680, s8;
	s23 =	sadd.s32 s6, s7;
	[dreg:$0x7] =	wrdreg s16  }
0xc: {  	s25 =	sadd.s32 s6, s22;
	s15 =	sadd.s32 $0xA80, s8;
	[dreg:$0xe] =	wrdreg s23  }
0xd: {  	s16 =	sadd.s32 $0xE00, s8;
	[dreg:$0x10] =	wrdreg s25;
	s17 =	sadd.s32 s6, s15  }
0xe: {  	s18 =	sadd.s32 s6, s16;
	[dreg:$0x8] =	wrdreg s17;
	s17 =	sadd.s32 $0x1180, s8  }
0xf: {  	s23 =	sadd.s32 $0x2A00, s8;
	[dreg:$0x9] =	wrdreg s18;
	s19 =	sadd.s32 s6, s17  }
0x10: {  	s26 =	sadd.s32 s6, s23;
	[dreg:$0xa] =	wrdreg s19;
	s19 =	sadd.s32 $0x1880, s8  }
0x11: {  	s18 =	sadd.s32 $0x1500, s8;
	[smem:$0x7E3] =	sst s26;
	s21 =	sadd.s32 s6, s19  }
0x12: {  	s20 =	sadd.s32 s6, s18;
	[dreg:$0xc] =	wrdreg s21;
	s21 =	sadd.s32 $0x2300, s8  }
0x13: {  	s12 =	sadd.s32 s6, s8;
	[dreg:$0xb] =	wrdreg s20;
	s24 =	sadd.s32 s6, s21  }
0x14: {  	s20 =	sadd.s32 $0x1C00, s8;
	[dreg:$0xf] =	wrdreg s24;
	s24 =	sadd.s32 $0x2D80, s8  }
0x15: {  	s13 =	sadd.s32 s6, s20;
	s14 =	sadd.s32 s6, s24;
	s6 =	sadd.s32 $0x66200, s2  }
0x16: {  	[dreg:$0xd] =	wrdreg s13;
	s26 =	sadd.s32 s6, s8  }
0x17: {  	s25 =	sadd.s32 $0x4200, s2;
	s13 =	sadd.s32 s6, s9;
	[dreg:$0x11] =	wrdreg s26  }
0x18: {  	s8 =	sadd.s32 s25, s8;
	[dreg:$0x12] =	wrdreg s13  }
0x19: {  	s9 =	sadd.s32 s25, s9;
	[dreg:$0x1f] =	wrdreg s8  }
0x1a: {  	s13 =	sadd.s32 s6, s10;
	[smem:$0x7E4] =	sst s9  }
0x1b: {  	s9 =	smul.u32 $0x1870, s11;
	s26 =	sadd.s32 s25, s7;
	[dreg:$0x13] =	wrdreg s13  }
0x1c: {  	s11 =	smov.u32 s12;
	s12 =	sadd.s32 s25, s22;
	[smem:$0x7EC] =	sst s26  }
0x1d: {  	s13 =	sadd.s32 s6, s15;
	[smem:$0x7EE] =	sst s12  }
0x1e: {  	s15 =	sadd.s32 s25, s15;
	[dreg:$0x14] =	wrdreg s13  }
0x1f: {  	s13 =	sadd.s32 s6, s16;
	[smem:$0x7E6] =	sst s15  }
0x20: {  	s16 =	sadd.s32 s25, s16;
	[dreg:$0x15] =	wrdreg s13  }
0x21: {  	s15 =	sadd.s32 s25, s24;
	[smem:$0x7E7] =	sst s16  }
0x22: {  	[smem:$0x7F0] =	sst s15  }
0x23: {  	s13 =	sadd.s32 s6, s17;
	s15 =	rddreg [dreg:$0x4]  }
0x24: {  	s17 =	sadd.s32 s25, s17;
	[dreg:$0x16] =	wrdreg s13  }
0x25: {  	s13 =	sadd.s32 s6, s18;
	[smem:$0x7E8] =	sst s17  }
0x26: {  	s18 =	sadd.s32 s25, s18;
	[dreg:$0x17] =	wrdreg s13  }
0x27: {  	s13 =	sadd.s32 s6, s19;
	[smem:$0x7E9] =	sst s18  }
0x28: {  	s19 =	sadd.s32 s25, s19;
	[dreg:$0x18] =	wrdreg s13  }
0x29: {  	s13 =	sadd.s32 s6, s20;
	[smem:$0x7EA] =	sst s19  }
0x2a: {  	s20 =	sadd.s32 s25, s20;
	[dreg:$0x19] =	wrdreg s13  }
0x2b: {  	s5 =	sadd.s32 s9, s5;
	s13 =	sadd.s32 s6, s7;
	[smem:$0x7EB] =	sst s20  }
0x2c: {  	s5 =	sshrl.u32 s5, $0x3;
	s7 =	sadd.s32 s25, s21;
	[dreg:$0x1a] =	wrdreg s13  }
0x2d: {  	s16 =	sadd.s32 $0x12A400, s2;
	s13 =	sadd.s32 s6, s21;
	[smem:$0x7ED] =	sst s7  }
0x2e: {  	s17 =	sadd.s32 $0x130600, s2;
	s7 =	sadd.s32 s16, s5;
	[dreg:$0x1b] =	wrdreg s13  }
0x2f: {  	s5 =	sadd.s32 s17, s5;
	[smem:$0x7F2] =	sst s7  }
0x30: {  	s31 =	simm.s32 $0x10F30;
	s13 =	sadd.s32 s6, s22;
	[smem:$0x7F4] =	sst s5  }
0x31: {  	s30 =	simm.s32 $0x3;
	[dreg:$0x1c] =	wrdreg s13;
	s13 =	sadd.s32 s6, s23  }
0x32: {  	s8 =	smul.u32 $0x18700, s1;
	s6 =	sadd.s32 s6, s24;
	[dreg:$0x1d] =	wrdreg s13  }
0x33: {  	p0 =	sne.s32 s1, $0x0;
	[dreg:$0x1e] =	wrdreg s6;
	s13 =	sadd.s32 s25, s10  }
0x34: {  	s10 =	simm.s32 $0x0;
	s6 =	sadd.s32 s9, s8;
	[smem:$0x7E5] =	sst s13  }
0x35: {  	s13 =	sadd.s32 s25, s23;
	[smem:$0x7FF] =	sst s10;
	s6 =	sshrl.u32 s6, $0x3  }
0x36: {  	s1 =	simm.s32 $0x1;
	[smem:$0x7EF] =	sst s13;
	s18 =	sadd.s32 s16, s6  }
0x37: {  	s20 =	sadd.s32 $0x12A200, s2;
	s6 =	sadd.s32 s17, s6;
	[smem:$0x7F1] =	sst s18  }
0x38: {  	s19 =	sshrl.u32 s9, $0x3;
	s21 =	sadd.s32 $0x136800, s2;
	[smem:$0x7F3] =	sst s6  }
0x39: {  	s5 =	sadd.s32 s19, s2;
	_ =	strace $0x80000047;
	[smem:$0x7F5] =	sst s20  }
0x3a: {  	s19 =	simm.s32 $0xDC30;
	s22 =	sadd.s32 $0x1000, s5;
	[smem:$0x7F6] =	sst s21  }
0x3b: {  	s2 =	simm.s32 $0x12B30;
	s23 =	sor.u32 $0x4, s4;
	[smem:$0x7F7] =	sst s22  }
0x3c: {  	s24 =	sadd.s32 s9, s29;
	s25 =	smax.u32 s3, $0x1;
	[smem:$0x7F8] =	sst s23  }
0x3d: {  	s26 =	sadd.s32 $0x18700, s24;
	s8 =	simm.s32 $0x8;
	[smem:$0x7F9] =	sst s25  }
0x3e: {  	s3 =	simm.s32 $0x19B30;
	s16 =	simm.s32 $0x1C00;
	[smem:$0x7FA] =	sst s26  }
0x3f: {  	s18 =	sshrl.u32 s0, $0x2;
	s0 =	sadd.s32 $0x30E00, s24;
	[smem:$0x7FB] =	sst s24  }
0x40: {  	s17 =	simm.s32 $0x17F30;
	s13 =	simm.s32 $0xF4B0;
	[smem:$0x7FC] =	sst s0  }
0x41: {  	s20 =	sadd.s32 s9, s28;
	[smem:$0x7FD] =	sst s9;
	s24 =	sadd.s32 s9, s15  }
0x42: {  	s21 =	simm.s32 $0x14730;
	s26 =	simm.s32 $0x2;
	s0 =	simm.s32 $0x16330  }
0x43: {  	v0 =	vimm.f32 $0.0e+00;
	v1 =	vimm.f32 $1.000000000e+00;
	s23 =	simm.s32 $0x7;
	s25 =	simm.s32 $0x9;
	s22 =	simm.s32 $0x4  }
.LBB2_1:
0x44: {  	s4 =	simm.s32 $0x40;
	s5 =	simm.s32 $0x0  }
.LBB2_2:
0x45: {  	p1 =	sne.s32 s4, $0x6180;
	[tilespmem:s5+$0xC3B0] =	vst v0;
	s6 =	smov.u32 s4;
	s4 =	sadd.s32 $0x40, s4  }
.Ltmp0:
0x46: {  	[tilespmem:s5+$0x92B0] =	vst v0;
	(pc) =	sbr.rel @p1 .LBB2_2-.Ltmp0, $2  }
0x47: {  	_ =	sdelay $0x2  }
0x48: {  	s5 =	sshra.s32 s6, $0x2  }
0x49: {  	s12 =	sld [smem:$0x7F7]  }
0x4a: {  	[tilespmem:s5+$0xC3B0] =	vst v0  }
0x4b: {  	[tilespmem:s5+$0x92B0] =	vst v0;
	s4 =	simm.s32 $0x0;
	s6 =	simm.s32 $0x7A30  }
0x4c: {  	[tilespmem:s6], [sflag:$0x8] =	stream.linear.gather [hbm4b:s12+s4], $0x1870, $0x38;
	[tilespmem:$0x1B730] =	vst v63  }
0x4d: {  	_ =	swait.ge [sflag:s8], $0x1870  }
0x4e: {  	[sflag:s8] =	ssyncset.done $0x0  }
0x4f: {  	s7 =	simm.s32 $0xC3B0;
	[sflag:s8] =	ssyncadd.s32 $0xFFFFE790  }
0x50: {  	[spmem:s20] =	stream.linear.scatter [tilespmem:s7], [sflag:$0x8], $0x1870, $0x38;
	[tilespmem:$0x1B730] =	vst v63  }
0x51: {  	_ =	swait.ge [sflag:s8], $0x1870  }
0x52: {  	s9 =	sld [smem:$0x7F5]  }
0x53: {  	[sflag:s8] =	ssyncset.done $0x0  }
0x54: {  	s12 =	simm.s32 $0x10D30;
	[sflag:s8] =	ssyncadd.s32 $0xFFFFE790  }
0x55: {  	[tilespmem:s12], [sflag:$0x8] =	stream.linear.gather [hbm4b:s9+s4], $0x180, $0x38;
	[tilespmem:$0x1B730] =	vst v63  }
0x56: {  	_ =	swait.ge [sflag:s8], $0x180  }
0x57: {  	[sflag:s8] =	ssyncset.done $0x0  }
0x58: {  	s5 =	simm.s32 $0x0;
	s4 =	simm.s32 $0x40;
	[sflag:s8] =	ssyncadd.s32 $0xFFFFFE80  }
.LBB2_4:
0x59: {  	p1 =	sne.s32 s4, $0x6FC0;
	[tilespmem:s5+$0x17F30] =	vst v1;
	s5 =	smov.u32 s4;
	s4 =	sadd.s32 $0x40, s4  }
.Ltmp1:
0x5a: {  	(pc) =	sbr.rel @p1 .LBB2_4-.Ltmp1, $2  }
0x5b: {  	_ =	sdelay $0x2  }
0x5c: {  	s5 =	sshra.s32 s5, $0x2  }
0x5d: {  	[smem:$0x7E2] =	sst s10;
	[tilespmem:s5+$0x17F30] =	vst v1  }
0x5e: {  	s5 =	simm.s32 $0x0;
	[bflag:$0x0] =	sbarrier.arrive $0xFFFF  }
0x5f: {  	[tilespmem:s21], [sflag:$0x2] =	stream.linear.gather [hbm4b:s11+s5], $0x1C00, $0x38;
	[tilespmem:$0x1B730] =	vst v63  }
0x60: {  	_ =	swait.ge [sflag:s26], $0x1C00  }
0x61: {  	[sflag:s26] =	ssyncset.done $0x0  }
0x62: {  	s4 =	rddreg [dreg:$0x6];
	[sflag:s26] =	ssyncadd.s32 $0xFFFFE400  }
0x63: {  	[tilespmem:s0], [sflag:$0x2] =	stream.linear.gather [hbm4b:s4+s5], $0x1C00, $0x38;
	[tilespmem:$0x1B730] =	vst v63  }
0x64: {  	_ = 	snop  }
0x65: {  	[spmem:s28] =	stream.indirect.scatter.add.f32 [tilespmem:s17], [sflag:$0x8], $0x1, s21, s16, $0xb8;
	[tilespmem:$0x1B730] =	vst v63  }
0x66: {  	_ =	swait.ge [sflag:s8], $0x1C00  }
0x67: {  	[sflag:s8] =	ssyncset.done $0x0  }
0x68: {  	[sflag:s8] =	ssyncadd.s32 $0xFFFFE400  }
0x69: {  	_ =	swait.ge [sflag:s26], $0x1C00  }
0x6a: {  	[sflag:s26] =	ssyncset.done $0x0  }
0x6b: {  	s6 =	rddreg [dreg:$0x7];
	[sflag:s26] =	ssyncadd.s32 $0xFFFFE400  }
0x6c: {  	[tilespmem:s21], [sflag:$0x2] =	stream.linear.gather [hbm4b:s6+s5], $0x1C00, $0x38;
	[tilespmem:$0x1B730] =	vst v63  }
0x6d: {  	_ = 	snop  }
0x6e: {  	[spmem:s28] =	stream.indirect.scatter.add.f32 [tilespmem:s17], [sflag:$0x8], $0x1, s0, s16, $0xb8;
	[tilespmem:$0x1B730] =	vst v63  }
0x6f: {  	_ =	swait.ge [sflag:s8], $0x1C00  }
0x70: {  	[sflag:s8] =	ssyncset.done $0x0  }
0x71: {  	[sflag:s8] =	ssyncadd.s32 $0xFFFFE400  }
0x72: {  	_ =	swait.ge [sflag:s26], $0x1C00  }
0x73: {  	[sflag:s26] =	ssyncset.done $0x0  }
0x74: {  	s7 =	rddreg [dreg:$0x8];
	[sflag:s26] =	ssyncadd.s32 $0xFFFFE400  }
0x75: {  	[tilespmem:s0], [sflag:$0x2] =	stream.linear.gather [hbm4b:s7+s5], $0x1C00, $0x38;
	[tilespmem:$0x1B730] =	vst v63  }
0x76: {  	_ = 	snop  }
0x77: {  	[spmem:s28] =	stream.indirect.scatter.add.f32 [tilespmem:s17], [sflag:$0x8], $0x1, s21, s16, $0xb8;
	[tilespmem:$0x1B730] =	vst v63  }
0x78: {  	_ =	swait.ge [sflag:s8], $0x1C00  }
0x79: {  	[sflag:s8] =	ssyncset.done $0x0  }
0x7a: {  	[sflag:s8] =	ssyncadd.s32 $0xFFFFE400  }
0x7b: {  	_ =	swait.ge [sflag:s26], $0x1C00  }
0x7c: {  	[sflag:s26] =	ssyncset.done $0x0  }
0x7d: {  	s9 =	rddreg [dreg:$0x9];
	[sflag:s26] =	ssyncadd.s32 $0xFFFFE400  }
0x7e: {  	[tilespmem:s21], [sflag:$0x2] =	stream.linear.gather [hbm4b:s9+s5], $0x1C00, $0x38;
	[tilespmem:$0x1B730] =	vst v63  }
0x7f: {  	_ = 	snop  }
0x80: {  	[spmem:s28] =	stream.indirect.scatter.add.f32 [tilespmem:s17], [sflag:$0x8], $0x1, s0, s16, $0xb8;
	[tilespmem:$0x1B730] =	vst v63  }
0x81: {  	_ =	swait.ge [sflag:s8], $0x1C00  }
0x82: {  	[sflag:s8] =	ssyncset.done $0x0  }
0x83: {  	[sflag:s8] =	ssyncadd.s32 $0xFFFFE400  }
0x84: {  	_ =	swait.ge [sflag:s26], $0x1C00  }
0x85: {  	[sflag:s26] =	ssyncset.done $0x0  }
0x86: {  	s10 =	rddreg [dreg:$0xa];
	[sflag:s26] =	ssyncadd.s32 $0xFFFFE400  }
0x87: {  	[tilespmem:s0], [sflag:$0x2] =	stream.linear.gather [hbm4b:s10+s5], $0x1C00, $0x38;
	[tilespmem:$0x1B730] =	vst v63  }
0x88: {  	_ = 	snop  }
0x89: {  	[spmem:s28] =	stream.indirect.scatter.add.f32 [tilespmem:s17], [sflag:$0x8], $0x1, s21, s16, $0xb8;
	[tilespmem:$0x1B730] =	vst v63  }
0x8a: {  	_ =	swait.ge [sflag:s8], $0x1C00  }
0x8b: {  	[sflag:s8] =	ssyncset.done $0x0  }
0x8c: {  	[sflag:s8] =	ssyncadd.s32 $0xFFFFE400  }
0x8d: {  	_ =	swait.ge [sflag:s26], $0x1C00  }
0x8e: {  	[sflag:s26] =	ssyncset.done $0x0  }
0x8f: {  	s12 =	rddreg [dreg:$0xb];
	[sflag:s26] =	ssyncadd.s32 $0xFFFFE400  }
0x90: {  	[tilespmem:s21], [sflag:$0x2] =	stream.linear.gather [hbm4b:s12+s5], $0x1C00, $0x38;
	[tilespmem:$0x1B730] =	vst v63  }
0x91: {  	_ = 	snop  }
0x92: {  	[spmem:s28] =	stream.indirect.scatter.add.f32 [tilespmem:s17], [sflag:$0x8], $0x1, s0, s16, $0xb8;
	[tilespmem:$0x1B730] =	vst v63  }
0x93: {  	_ =	swait.ge [sflag:s8], $0x1C00  }
0x94: {  	[sflag:s8] =	ssyncset.done $0x0  }
0x95: {  	[sflag:s8] =	ssyncadd.s32 $0xFFFFE400  }
0x96: {  	_ =	swait.ge [sflag:s26], $0x1C00  }
0x97: {  	[sflag:s26] =	ssyncset.done $0x0  }
0x98: {  	s6 =	rddreg [dreg:$0xc];
	[sflag:s26] =	ssyncadd.s32 $0xFFFFE400  }
0x99: {  	[tilespmem:s0], [sflag:$0x2] =	stream.linear.gather [hbm4b:s6+s5], $0x1C00, $0x38;
	[tilespmem:$0x1B730] =	vst v63  }
0x9a: {  	_ = 	snop  }
0x9b: {  	[spmem:s28] =	stream.indirect.scatter.add.f32 [tilespmem:s17], [sflag:$0x8], $0x1, s21, s16, $0xb8;
	[tilespmem:$0x1B730] =	vst v63  }
0x9c: {  	_ =	swait.ge [sflag:s8], $0x1C00  }
0x9d: {  	[sflag:s8] =	ssyncset.done $0x0  }
0x9e: {  	[sflag:s8] =	ssyncadd.s32 $0xFFFFE400  }
0x9f: {  	_ =	swait.ge [sflag:s26], $0x1C00  }
0xa0: {  	[sflag:s26] =	ssyncset.done $0x0  }
0xa1: {  	s7 =	rddreg [dreg:$0xd];
	[sflag:s26] =	ssyncadd.s32 $0xFFFFE400  }
0xa2: {  	[tilespmem:s21], [sflag:$0x2] =	stream.linear.gather [hbm4b:s7+s5], $0x1C00, $0x38;
	[tilespmem:$0x1B730] =	vst v63  }
0xa3: {  	_ = 	snop  }
0xa4: {  	[spmem:s28] =	stream.indirect.scatter.add.f32 [tilespmem:s17], [sflag:$0x8], $0x1, s0, s16, $0xb8;
	[tilespmem:$0x1B730] =	vst v63  }
0xa5: {  	_ =	swait.ge [sflag:s8], $0x1C00  }
0xa6: {  	[sflag:s8] =	ssyncset.done $0x0  }
0xa7: {  	[sflag:s8] =	ssyncadd.s32 $0xFFFFE400  }
0xa8: {  	_ =	swait.ge [sflag:s26], $0x1C00  }
0xa9: {  	[sflag:s26] =	ssyncset.done $0x0  }
0xaa: {  	s9 =	rddreg [dreg:$0xe];
	[sflag:s26] =	ssyncadd.s32 $0xFFFFE400  }
0xab: {  	[tilespmem:s0], [sflag:$0x2] =	stream.linear.gather [hbm4b:s9+s5], $0x1C00, $0x38;
	[tilespmem:$0x1B730] =	vst v63  }
0xac: {  	_ = 	snop  }
0xad: {  	[spmem:s28] =	stream.indirect.scatter.add.f32 [tilespmem:s17], [sflag:$0x8], $0x1, s21, s16, $0xb8;
	[tilespmem:$0x1B730] =	vst v63  }
0xae: {  	_ =	swait.ge [sflag:s8], $0x1C00  }
0xaf: {  	[sflag:s8] =	ssyncset.done $0x0  }
0xb0: {  	[sflag:s8] =	ssyncadd.s32 $0xFFFFE400  }
0xb1: {  	_ =	swait.ge [sflag:s26], $0x1C00  }
0xb2: {  	[sflag:s26] =	ssyncset.done $0x0  }
0xb3: {  	s10 =	rddreg [dreg:$0xf];
	[sflag:s26] =	ssyncadd.s32 $0xFFFFE400  }
0xb4: {  	[tilespmem:s21], [sflag:$0x2] =	stream.linear.gather [hbm4b:s10+s5], $0x1C00, $0x38;
	[tilespmem:$0x1B730] =	vst v63  }
0xb5: {  	_ = 	snop  }
0xb6: {  	[spmem:s28] =	stream.indirect.scatter.add.f32 [tilespmem:s17], [sflag:$0x8], $0x1, s0, s16, $0xb8;
	[tilespmem:$0x1B730] =	vst v63  }
0xb7: {  	_ =	swait.ge [sflag:s8], $0x1C00  }
0xb8: {  	[sflag:s8] =	ssyncset.done $0x0  }
0xb9: {  	[sflag:s8] =	ssyncadd.s32 $0xFFFFE400  }
0xba: {  	_ =	swait.ge [sflag:s26], $0x1C00  }
0xbb: {  	[sflag:s26] =	ssyncset.done $0x0  }
0xbc: {  	s12 =	rddreg [dreg:$0x10];
	[sflag:s26] =	ssyncadd.s32 $0xFFFFE400  }
0xbd: {  	[tilespmem:s0], [sflag:$0x2] =	stream.linear.gather [hbm4b:s12+s5], $0x1C00, $0x38;
	[tilespmem:$0x1B730] =	vst v63  }
0xbe: {  	_ = 	snop  }
0xbf: {  	[spmem:s28] =	stream.indirect.scatter.add.f32 [tilespmem:s17], [sflag:$0x8], $0x1, s21, s16, $0xb8;
	[tilespmem:$0x1B730] =	vst v63  }
0xc0: {  	_ =	swait.ge [sflag:s8], $0x1C00  }
0xc1: {  	[sflag:s8] =	ssyncset.done $0x0  }
0xc2: {  	[sflag:s8] =	ssyncadd.s32 $0xFFFFE400  }
0xc3: {  	_ =	swait.ge [sflag:s26], $0x1C00  }
0xc4: {  	s6 =	sld [smem:$0x7E3]  }
0xc5: {  	[sflag:s26] =	ssyncset.done $0x0  }
0xc6: {  	[sflag:s26] =	ssyncadd.s32 $0xFFFFE400  }
0xc7: {  	[tilespmem:s21], [sflag:$0x2] =	stream.linear.gather [hbm4b:s6+s5], $0x1C00, $0x38;
	[tilespmem:$0x1B730] =	vst v63  }
0xc8: {  	_ = 	snop  }
0xc9: {  	[spmem:s28] =	stream.indirect.scatter.add.f32 [tilespmem:s17], [sflag:$0x8], $0x1, s0, s16, $0xb8;
	[tilespmem:$0x1B730] =	vst v63  }
0xca: {  	_ =	swait.ge [sflag:s8], $0x1C00  }
0xcb: {  	[sflag:s8] =	ssyncset.done $0x0  }
0xcc: {  	[sflag:s8] =	ssyncadd.s32 $0xFFFFE400  }
0xcd: {  	_ =	swait.ge [sflag:s26], $0x1C00  }
0xce: {  	[sflag:s26] =	ssyncset.done $0x0  }
0xcf: {  	[sflag:s26] =	ssyncadd.s32 $0xFFFFE400  }
0xd0: {  	[tilespmem:s0], [sflag:$0x2] =	stream.linear.gather [hbm4b:s14+s5], $0x1C00, $0x38;
	[tilespmem:$0x1B730] =	vst v63  }
0xd1: {  	_ = 	snop  }
0xd2: {  	[spmem:s28] =	stream.indirect.scatter.add.f32 [tilespmem:s17], [sflag:$0x8], $0x1, s21, s16, $0xb8;
	[tilespmem:$0x1B730] =	vst v63  }
0xd3: {  	_ =	swait.ge [sflag:s8], $0x1C00  }
0xd4: {  	[sflag:s8] =	ssyncset.done $0x0  }
0xd5: {  	[sflag:s8] =	ssyncadd.s32 $0xFFFFE400  }
0xd6: {  	_ =	swait.ge [sflag:s26], $0x1C00  }
0xd7: {  	[sflag:s26] =	ssyncset.done $0x0  }
0xd8: {  	[sflag:s26] =	ssyncadd.s32 $0xFFFFE400  }
0xd9: {  	[spmem:s28] =	stream.indirect.scatter.add.f32 [tilespmem:s17], [sflag:$0x8], $0x1, s0, s16, $0xb8;
	[tilespmem:$0x1B730] =	vst v63  }
0xda: {  	_ =	swait.ge [sflag:s8], $0x1C00  }
0xdb: {  	[sflag:s8] =	ssyncset.done $0x0  }
0xdc: {  	[sflag:s8] =	ssyncadd.s32 $0xFFFFE400  }
0xdd: {  	[bflag:$0x0] =	sbarrier.arrive $0xFFFF  }
0xde: {  	[tilespmem:s19], [sflag:$0x8] =	stream.linear.gather [spmem:s20], $0x1870, $0x38;
	[tilespmem:$0x1B730] =	vst v63  }
0xdf: {  	_ =	swait.ge [sflag:s8], $0x1870  }
0xe0: {  	s7 =	sld [smem:$0x7F1]  }
0xe1: {  	[sflag:s8] =	ssyncset.done $0x0  }
0xe2: {  	[sflag:s8] =	ssyncadd.s32 $0xFFFFE790  }
0xe3: {  	[hbm4b:s7+s5] =	stream.linear.scatter [tilespmem:s19], [sflag:$0x8], $0x1870, $0x38;
	[tilespmem:$0x1B730] =	vst v63  }
0xe4: {  	_ =	swait.ge [sflag:s8], $0x1870  }
0xe5: {  	[sflag:s8] =	ssyncset.done $0x0  }
0xe6: {  	[sflag:s8] =	ssyncadd.s32 $0xFFFFE790  }
0xe7: {  	s9 =	simm.s32 $0x100000;
	[bflag:$0x0] =	sbarrier.arrive $0xFFFF  }
0xe8: {  	[smem:s9], [sflag:$0x0] =	smem.add.s32 $0x0  }
0xe9: {  	_ =	swait.done [sflag:s5]  }
0xea: {  	s10 =	ssyncread [sflag:$0x0]  }
0xeb: {  	s9 =	sld [smem:$0x7F8]  }
0xec: {  	s6 =	stileid.u32  }
0xed: {  	s6 =	sshll.u32 s6, $0x6  }
0xee: {  	s12 =	sor.u32 $0x1C07, s6;
	s7 =	sadd.s32 s18, s10;
	s6 =	sshll.u32 s9, $0xE  }
0xef: {  	[sflag:s5] =	ssyncset.s32 $0x0;
	s4 =	sor.u32 s6, s12;
	s10 =	sshll.u32 s7, $0x11  }
0xf0: {  	[sflag:s5] =	ssyncset.done $0x0;
	s6 =	sor.u32 s10, s4  }
0xf1: {  	[sflag:s6] =	ssyncadd.remote.s32 $0x1  }
0xf2: {  	_ =	swait.ge [sflag:s23], $0x1  }
0xf3: {  	s12 =	sld [smem:$0x7F2]  }
0xf4: {  	[sflag:s23] =	ssyncset.done $0x0  }
0xf5: {  	[sflag:s23] =	ssyncadd.s32 $0xFFFFFFFF  }
0xf6: {  	[tilespmem:s13], [sflag:$0x8] =	stream.linear.gather [hbm4b:s12+s5], $0x1870, $0x38;
	[tilespmem:$0x1B730] =	vst v63  }
0xf7: {  	_ =	swait.ge [sflag:s8], $0x1870  }
0xf8: {  	[sflag:s8] =	ssyncset.done $0x0  }
0xf9: {  	s5 =	simm.s32 $0x0;
	[sflag:s8] =	ssyncadd.s32 $0xFFFFE790  }
0xfa: {  	v2 =	vld [tilespmem:s5+$0xDC30]  }
0xfb: {  	v3 =	vld [tilespmem:s5+$0xF4B0]  }
0xfc: {  	s6 =	simm.s32 $0x10  }
0xfd: {  	v4 =	vld [tilespmem:s6+$0xDC30]  }
0xfe: {  	v5 =	vld [tilespmem:s6+$0xF4B0];
	_ =	sdelay $0x1  }
0xff: {  	v2 =	vadd.f32 v3, v2;
	_ =	sdelay $0x1  }
0x100: {  	v2 =	vmax.f32 v2, $1.000000000e+00  }
0x101: {  	v3 =	vadd.f32 v5, v4;
	(erf) = vrcp.f32 v2;
	_ =	sdelay $0x1  }
0x102: {  	s7 =	simm.s32 $0x20;
	v4 =	vmax.f32 v3, $1.000000000e+00  }
0x103: {  	v3 =	vld [tilespmem:s7+$0xF4B0];
	(erf) = vrcp.f32 v4  }
0x104: {  	v2 =	vld [tilespmem:s7+$0xDC30];
	_ =	sdelay $0x1  }
0x105: {  	s8 =	simm.s32 $0xC0  }
.LBB2_6:
0x106: {  	p1 =	sne.s32 s8, $0x6180  }
.Ltmp2:
0x107: {  	s9 =	sshra.s32 s8, $0x2;
	(pc) =	sbr.rel @p1 .LBB2_6-.Ltmp2, $4  }
0x108: {  	s8 =	sadd.s32 $0x40, s8;
	v5 =	vpop (erf);
	v4 =	vadd.f32 v3, v2;
	v2 =	vld [tilespmem:s9+$0xDC30]  }
0x109: {  	v3 =	vld [tilespmem:s9+$0xF4B0];
	[tilespmem:s5+$0xAB30] =	vst v5;
	s5 =	smov.u32 s6;
	s6 =	smov.u32 s7;
	s7 =	smov.u32 s9  }
0x10a: {  	v4 =	vmax.f32 v4, $1.000000000e+00  }
0x10b: {  	(erf) = vrcp.f32 v4  }
0x10c: {  	_ =	sdelay $0x1  }
0x10d: {  	v2 =	vadd.f32 v3, v2;
	_ =	sdelay $0x1  }
0x10e: {  	v2 =	vmax.f32 v2, $1.000000000e+00  }
0x10f: {  	(erf) = vrcp.f32 v2;
	_ =	sdelay $0x6  }
0x110: {  	v2 =	vpop (erf)  }
0x111: {  	[tilespmem:s5+$0xAB30] =	vst v2;
	v2 =	vpop (erf)  }
0x112: {  	[tilespmem:s6+$0xAB30] =	vst v2;
	v2 =	vpop (erf)  }
0x113: {  	[tilespmem:s7+$0xAB30] =	vst v2  }
0x114: {  	s5 =	simm.s32 $0x0;
	s6 =	simm.s32 $0x0;
	[bflag:$0x0] =	sbarrier.arrive $0xFFFF  }
.LBB2_8:
0x115: {  	s7 =	rddreg [dreg:$0x11]  }
0x116: {  	s8 =	sld [smem:$0x7FD]  }
0x117: {  	[tilespmem:s31], [sflag:$0x1] =	stream.linear.gather [hbm4b:s7+s5], $0x1C00, $0x38;
	[tilespmem:$0x1B730] =	vst v63  }
0x118: {  	s12 =	smul.u32 $0x18700, s6  }
0x119: {  	[tilespmem:s21], [sflag:$0x2] =	stream.linear.gather [hbm4b:s11+s5], $0x1C00, $0x38;
	[tilespmem:$0x1B730] =	vst v63  }
0x11a: {  	s7 =	sadd.s32 s8, s12  }
0x11b: {  	s13 =	rddreg [dreg:$0x1];
	s7 =	sshrl.u32 s7, $0x3  }
0x11c: {  	s8 =	sadd.s32 s13, s7  }
0x11d: {  	[tilespmem:s19], [sflag:$0x9] =	stream.linear.gather [hbm4b:s8+s5], $0x1870, $0x38;
	[tilespmem:$0x1B730] =	vst v63  }
0x11e: {  	_ =	swait.ge [sflag:s25], $0x1870  }
0x11f: {  	[sflag:s25] =	ssyncset.done $0x0  }
0x120: {  	s8 =	simm.s32 $0x0;
	[sflag:s25] =	ssyncadd.s32 $0xFFFFE790  }
0x121: {  	v4 =	vld [tilespmem:s8+$0x92B0];
	_ =	sdelay $0x1  }
0x122: {  	v5 =	vld [tilespmem:s8+$0xDC30];
	_ =	sdelay $0x2  }
0x123: {  	v3 =	vld [tilespmem:$0x10D30];
	v4 =	vmul.f32 $3.000000120e-01, v4  }
0x124: {  	v2 =	vld [tilespmem:$0x10DB0]  }
0x125: {  	v5 =	vadd.f32 v4, v5;
	v4 =	vld [tilespmem:$0x10E30];
	_ =	sdelay $0x3  }
0x126: {  	s9 =	simm.s32 $0x10;
	s10 =	simm.s32 $0x80;
	v7 =	vmul.f32 v5, v3;
	v6 =	vmul.f32 v5, v2  }
.LBB2_9:
0x127: {  	p1 =	sne.s32 s10, $0x6180;
	v8 =	vld [tilespmem:s9+$0x92B0];
	v5 =	vmul.f32 v5, v4  }
0x128: {  	[tilespmem:s8+$0xDC30] =	vst v7  }
0x129: {  	v7 =	vld [tilespmem:s9+$0xDC30];
	[tilespmem:s8+$0xF4B0] =	vst v6  }
0x12a: {  	[tilespmem:s8+$0x17F30] =	vst v5;
	s8 =	smov.u32 s9;
	_ =	sdelay $0x1  }
.Ltmp3:
0x12b: {  	v5 =	vmul.f32 $3.000000120e-01, v8;
	(pc) =	sbr.rel @p1 .LBB2_9-.Ltmp3, $3  }
0x12c: {  	_ = 	snop  }
0x12d: {  	v5 =	vadd.f32 v5, v7;
	_ =	sdelay $0x1  }
0x12e: {  	s9 =	sshra.s32 s10, $0x2;
	s10 =	sadd.s32 $0x40, s10;
	v7 =	vmul.f32 v5, v3;
	v6 =	vmul.f32 v5, v2  }
0x12f: {  	v8 =	vld [tilespmem:s9+$0x92B0]  }
0x130: {  	[tilespmem:s8+$0xDC30] =	vst v7  }
0x131: {  	v7 =	vld [tilespmem:s9+$0xDC30];
	_ =	sdelay $0x2  }
0x132: {  	v8 =	vmul.f32 $3.000000120e-01, v8;
	_ =	sdelay $0x1  }
0x133: {  	v7 =	vadd.f32 v8, v7  }
0x134: {  	v5 =	vmul.f32 v5, v4  }
0x135: {  	[tilespmem:s8+$0xF4B0] =	vst v6;
	v3 =	vmul.f32 v7, v3  }
0x136: {  	[tilespmem:s8+$0x17F30] =	vst v5;
	v2 =	vmul.f32 v7, v2  }
0x137: {  	v63 =	vmul.f32 v7, v4;
	[tilespmem:s9+$0xDC30] =	vst v3  }
0x138: {  	[tilespmem:s9+$0xF4B0] =	vst v2  }
0x139: {  	s10 =	sld [smem:$0x7FB];
	[tilespmem:s9+$0x17F30] =	vst v63;
	s9 =	simm.s32 $0xC3B0  }
0x13a: {  	[spmem:s20] =	stream.linear.scatter [tilespmem:s9], [sflag:$0x4], $0x1870, $0x38;
	[tilespmem:$0x1B730] =	vst v63  }
0x13b: {  	s12 =	sld [smem:$0x7FA]  }
0x13c: {  	[spmem:s10] =	stream.linear.scatter [tilespmem:s19], [sflag:$0x5], $0x1870, $0x38;
	[tilespmem:$0x1B730] =	vst v63  }
0x13d: {  	s13 =	sld [smem:$0x7FC];
	s10 =	simm.s32 $0xF4B0  }
0x13e: {  	[spmem:s12] =	stream.linear.scatter [tilespmem:s10], [sflag:$0x6], $0x1870, $0x38;
	[tilespmem:$0x1B730] =	vst v63  }
0x13f: {  	_ = 	snop  }
0x140: {  	[spmem:s13] =	stream.linear.scatter [tilespmem:s17], [sflag:$0x3], $0x1870, $0x38;
	[tilespmem:$0x1B730] =	vst v63  }
0x141: {  	_ =	swait.ge [sflag:s22], $0x1870  }
0x142: {  	[sflag:s22] =	ssyncset.done $0x0  }
0x143: {  	s9 =	simm.s32 $0x5;
	[sflag:s22] =	ssyncadd.s32 $0xFFFFE790  }
0x144: {  	_ =	swait.ge [sflag:s9], $0x1870  }
0x145: {  	[sflag:s9] =	ssyncset.done $0x0  }
0x146: {  	s12 =	simm.s32 $0x6;
	[sflag:s9] =	ssyncadd.s32 $0xFFFFE790  }
0x147: {  	_ =	swait.ge [sflag:s12], $0x1870  }
0x148: {  	[sflag:s12] =	ssyncset.done $0x0  }
0x149: {  	[sflag:s12] =	ssyncadd.s32 $0xFFFFE790  }
0x14a: {  	_ =	swait.ge [sflag:s30], $0x1870  }
0x14b: {  	[sflag:s30] =	ssyncset.done $0x0  }
0x14c: {  	[sflag:s30] =	ssyncadd.s32 $0xFFFFE790  }
0x14d: {  	[bflag:$0x0] =	sbarrier.arrive $0xFFFF  }
0x14e: {  	_ =	swait.ge [sflag:s1], $0x1C00  }
0x14f: {  	[sflag:s1] =	ssyncset.done $0x0  }
0x150: {  	[sflag:s1] =	ssyncadd.s32 $0xFFFFE400  }
0x151: {  	[tilespmem:s17], [sflag:$0x3] =	stream.indirect.gather [spmem:s29], $0x1, s31, s16, $0xb8;
	[tilespmem:$0x1B730] =	vst v63  }
0x152: {  	_ =	swait.ge [sflag:s26], $0x1C00  }
0x153: {  	[sflag:s26] =	ssyncset.done $0x0  }
0x154: {  	s8 =	simm.s32 $0x0;
	s13 =	rddreg [dreg:$0x12];
	[sflag:s26] =	ssyncadd.s32 $0xFFFFE400  }
0x155: {  	[tilespmem:s2], [sflag:$0x1] =	stream.linear.gather [hbm4b:s13+s8], $0x1C00, $0x38;
	[tilespmem:$0x1B730] =	vst v63  }
0x156: {  	s12 =	rddreg [dreg:$0x6]  }
0x157: {  	[tilespmem:s0], [sflag:$0x2] =	stream.linear.gather [hbm4b:s12+s8], $0x1C00, $0x38;
	[tilespmem:$0x1B730] =	vst v63  }
0x158: {  	_ =	swait.ge [sflag:s30], $0x1C00  }
0x159: {  	[sflag:s30] =	ssyncset.done $0x0  }
0x15a: {  	[sflag:s30] =	ssyncadd.s32 $0xFFFFE400  }
0x15b: {  	[spmem:s28] =	stream.indirect.scatter.add.f32 [tilespmem:s17], [sflag:$0x4], $0x1, s21, s16, $0xb8;
	[tilespmem:$0x1B730] =	vst v63  }
0x15c: {  	_ =	swait.ge [sflag:s1], $0x1C00  }
0x15d: {  	[sflag:s1] =	ssyncset.done $0x0  }
0x15e: {  	[sflag:s1] =	ssyncadd.s32 $0xFFFFE400  }
0x15f: {  	[tilespmem:s3], [sflag:$0x3] =	stream.indirect.gather [spmem:s29], $0x1, s2, s16, $0xb8;
	[tilespmem:$0x1B730] =	vst v63  }
0x160: {  	s13 =	rddreg [dreg:$0x13]  }
0x161: {  	[tilespmem:s31], [sflag:$0x1] =	stream.linear.gather [hbm4b:s13+s8], $0x1C00, $0x38;
	[tilespmem:$0x1B730] =	vst v63  }
0x162: {  	_ =	swait.ge [sflag:s22], $0x1C00  }
0x163: {  	[sflag:s22] =	ssyncset.done $0x0  }
0x164: {  	[sflag:s22] =	ssyncadd.s32 $0xFFFFE400  }
0x165: {  	_ =	swait.ge [sflag:s26], $0x1C00  }
0x166: {  	[sflag:s26] =	ssyncset.done $0x0  }
0x167: {  	s12 =	rddreg [dreg:$0x7];
	[sflag:s26] =	ssyncadd.s32 $0xFFFFE400  }
0x168: {  	[tilespmem:s21], [sflag:$0x2] =	stream.linear.gather [hbm4b:s12+s8], $0x1C00, $0x38;
	[tilespmem:$0x1B730] =	vst v63  }
0x169: {  	_ =	swait.ge [sflag:s30], $0x1C00  }
0x16a: {  	[sflag:s30] =	ssyncset.done $0x0  }
0x16b: {  	[sflag:s30] =	ssyncadd.s32 $0xFFFFE400  }
0x16c: {  	[spmem:s28] =	stream.indirect.scatter.add.f32 [tilespmem:s3], [sflag:$0x4], $0x1, s0, s16, $0xb8;
	[tilespmem:$0x1B730] =	vst v63  }
0x16d: {  	_ =	swait.ge [sflag:s1], $0x1C00  }
0x16e: {  	[sflag:s1] =	ssyncset.done $0x0  }
0x16f: {  	[sflag:s1] =	ssyncadd.s32 $0xFFFFE400  }
0x170: {  	[tilespmem:s17], [sflag:$0x3] =	stream.indirect.gather [spmem:s29], $0x1, s31, s16, $0xb8;
	[tilespmem:$0x1B730] =	vst v63  }
0x171: {  	s13 =	rddreg [dreg:$0x14]  }
0x172: {  	[tilespmem:s2], [sflag:$0x1] =	stream.linear.gather [hbm4b:s13+s8], $0x1C00, $0x38;
	[tilespmem:$0x1B730] =	vst v63  }
0x173: {  	_ =	swait.ge [sflag:s22], $0x1C00  }
0x174: {  	[sflag:s22] =	ssyncset.done $0x0  }
0x175: {  	[sflag:s22] =	ssyncadd.s32 $0xFFFFE400  }
0x176: {  	_ =	swait.ge [sflag:s26], $0x1C00  }
0x177: {  	[sflag:s26] =	ssyncset.done $0x0  }
0x178: {  	s12 =	rddreg [dreg:$0x8];
	[sflag:s26] =	ssyncadd.s32 $0xFFFFE400  }
0x179: {  	[tilespmem:s0], [sflag:$0x2] =	stream.linear.gather [hbm4b:s12+s8], $0x1C00, $0x38;
	[tilespmem:$0x1B730] =	vst v63  }
0x17a: {  	_ =	swait.ge [sflag:s30], $0x1C00  }
0x17b: {  	[sflag:s30] =	ssyncset.done $0x0  }
0x17c: {  	[sflag:s30] =	ssyncadd.s32 $0xFFFFE400  }
0x17d: {  	[spmem:s28] =	stream.indirect.scatter.add.f32 [tilespmem:s17], [sflag:$0x4], $0x1, s21, s16, $0xb8;
	[tilespmem:$0x1B730] =	vst v63  }
0x17e: {  	_ =	swait.ge [sflag:s1], $0x1C00  }
0x17f: {  	[sflag:s1] =	ssyncset.done $0x0  }
0x180: {  	[sflag:s1] =	ssyncadd.s32 $0xFFFFE400  }
0x181: {  	[tilespmem:s3], [sflag:$0x3] =	stream.indirect.gather [spmem:s29], $0x1, s2, s16, $0xb8;
	[tilespmem:$0x1B730] =	vst v63  }
0x182: {  	s13 =	rddreg [dreg:$0x15]  }
0x183: {  	[tilespmem:s31], [sflag:$0x1] =	stream.linear.gather [hbm4b:s13+s8], $0x1C00, $0x38;
	[tilespmem:$0x1B730] =	vst v63  }
0x184: {  	_ =	swait.ge [sflag:s22], $0x1C00  }
0x185: {  	[sflag:s22] =	ssyncset.done $0x0  }
0x186: {  	[sflag:s22] =	ssyncadd.s32 $0xFFFFE400  }
0x187: {  	_ =	swait.ge [sflag:s26], $0x1C00  }
0x188: {  	[sflag:s26] =	ssyncset.done $0x0  }
0x189: {  	s12 =	rddreg [dreg:$0x9];
	[sflag:s26] =	ssyncadd.s32 $0xFFFFE400  }
0x18a: {  	[tilespmem:s21], [sflag:$0x2] =	stream.linear.gather [hbm4b:s12+s8], $0x1C00, $0x38;
	[tilespmem:$0x1B730] =	vst v63  }
0x18b: {  	_ =	swait.ge [sflag:s30], $0x1C00  }
0x18c: {  	[sflag:s30] =	ssyncset.done $0x0  }
0x18d: {  	[sflag:s30] =	ssyncadd.s32 $0xFFFFE400  }
0x18e: {  	[spmem:s28] =	stream.indirect.scatter.add.f32 [tilespmem:s3], [sflag:$0x4], $0x1, s0, s16, $0xb8;
	[tilespmem:$0x1B730] =	vst v63  }
0x18f: {  	_ =	swait.ge [sflag:s1], $0x1C00  }
0x190: {  	[sflag:s1] =	ssyncset.done $0x0  }
0x191: {  	[sflag:s1] =	ssyncadd.s32 $0xFFFFE400  }
0x192: {  	[tilespmem:s17], [sflag:$0x3] =	stream.indirect.gather [spmem:s29], $0x1, s31, s16, $0xb8;
	[tilespmem:$0x1B730] =	vst v63  }
0x193: {  	s13 =	rddreg [dreg:$0x16]  }
0x194: {  	[tilespmem:s2], [sflag:$0x1] =	stream.linear.gather [hbm4b:s13+s8], $0x1C00, $0x38;
	[tilespmem:$0x1B730] =	vst v63  }
0x195: {  	_ =	swait.ge [sflag:s22], $0x1C00  }
0x196: {  	[sflag:s22] =	ssyncset.done $0x0  }
0x197: {  	[sflag:s22] =	ssyncadd.s32 $0xFFFFE400  }
0x198: {  	_ =	swait.ge [sflag:s26], $0x1C00  }
0x199: {  	[sflag:s26] =	ssyncset.done $0x0  }
0x19a: {  	s12 =	rddreg [dreg:$0xa];
	[sflag:s26] =	ssyncadd.s32 $0xFFFFE400  }
0x19b: {  	[tilespmem:s0], [sflag:$0x2] =	stream.linear.gather [hbm4b:s12+s8], $0x1C00, $0x38;
	[tilespmem:$0x1B730] =	vst v63  }
0x19c: {  	_ =	swait.ge [sflag:s30], $0x1C00  }
0x19d: {  	[sflag:s30] =	ssyncset.done $0x0  }
0x19e: {  	[sflag:s30] =	ssyncadd.s32 $0xFFFFE400  }
0x19f: {  	[spmem:s28] =	stream.indirect.scatter.add.f32 [tilespmem:s17], [sflag:$0x4], $0x1, s21, s16, $0xb8;
	[tilespmem:$0x1B730] =	vst v63  }
0x1a0: {  	_ =	swait.ge [sflag:s1], $0x1C00  }
0x1a1: {  	[sflag:s1] =	ssyncset.done $0x0  }
0x1a2: {  	[sflag:s1] =	ssyncadd.s32 $0xFFFFE400  }
0x1a3: {  	[tilespmem:s3], [sflag:$0x3] =	stream.indirect.gather [spmem:s29], $0x1, s2, s16, $0xb8;
	[tilespmem:$0x1B730] =	vst v63  }
0x1a4: {  	s13 =	rddreg [dreg:$0x17]  }
0x1a5: {  	[tilespmem:s31], [sflag:$0x1] =	stream.linear.gather [hbm4b:s13+s8], $0x1C00, $0x38;
	[tilespmem:$0x1B730] =	vst v63  }
0x1a6: {  	_ =	swait.ge [sflag:s22], $0x1C00  }
0x1a7: {  	[sflag:s22] =	ssyncset.done $0x0  }
0x1a8: {  	[sflag:s22] =	ssyncadd.s32 $0xFFFFE400  }
0x1a9: {  	_ =	swait.ge [sflag:s26], $0x1C00  }
0x1aa: {  	[sflag:s26] =	ssyncset.done $0x0  }
0x1ab: {  	s12 =	rddreg [dreg:$0xb];
	[sflag:s26] =	ssyncadd.s32 $0xFFFFE400  }
0x1ac: {  	[tilespmem:s21], [sflag:$0x2] =	stream.linear.gather [hbm4b:s12+s8], $0x1C00, $0x38;
	[tilespmem:$0x1B730] =	vst v63  }
0x1ad: {  	_ =	swait.ge [sflag:s30], $0x1C00  }
0x1ae: {  	[sflag:s30] =	ssyncset.done $0x0  }
0x1af: {  	[sflag:s30] =	ssyncadd.s32 $0xFFFFE400  }
0x1b0: {  	[spmem:s28] =	stream.indirect.scatter.add.f32 [tilespmem:s3], [sflag:$0x4], $0x1, s0, s16, $0xb8;
	[tilespmem:$0x1B730] =	vst v63  }
0x1b1: {  	_ =	swait.ge [sflag:s1], $0x1C00  }
0x1b2: {  	[sflag:s1] =	ssyncset.done $0x0  }
0x1b3: {  	[sflag:s1] =	ssyncadd.s32 $0xFFFFE400  }
0x1b4: {  	[tilespmem:s17], [sflag:$0x3] =	stream.indirect.gather [spmem:s29], $0x1, s31, s16, $0xb8;
	[tilespmem:$0x1B730] =	vst v63  }
0x1b5: {  	s13 =	rddreg [dreg:$0x18]  }
0x1b6: {  	[tilespmem:s2], [sflag:$0x1] =	stream.linear.gather [hbm4b:s13+s8], $0x1C00, $0x38;
	[tilespmem:$0x1B730] =	vst v63  }
0x1b7: {  	_ =	swait.ge [sflag:s22], $0x1C00  }
0x1b8: {  	[sflag:s22] =	ssyncset.done $0x0  }
0x1b9: {  	[sflag:s22] =	ssyncadd.s32 $0xFFFFE400  }
0x1ba: {  	_ =	swait.ge [sflag:s26], $0x1C00  }
0x1bb: {  	[sflag:s26] =	ssyncset.done $0x0  }
0x1bc: {  	s12 =	rddreg [dreg:$0xc];
	[sflag:s26] =	ssyncadd.s32 $0xFFFFE400  }
0x1bd: {  	[tilespmem:s0], [sflag:$0x2] =	stream.linear.gather [hbm4b:s12+s8], $0x1C00, $0x38;
	[tilespmem:$0x1B730] =	vst v63  }
0x1be: {  	_ =	swait.ge [sflag:s30], $0x1C00  }
0x1bf: {  	[sflag:s30] =	ssyncset.done $0x0  }
0x1c0: {  	[sflag:s30] =	ssyncadd.s32 $0xFFFFE400  }
0x1c1: {  	[spmem:s28] =	stream.indirect.scatter.add.f32 [tilespmem:s17], [sflag:$0x4], $0x1, s21, s16, $0xb8;
	[tilespmem:$0x1B730] =	vst v63  }
0x1c2: {  	_ =	swait.ge [sflag:s1], $0x1C00  }
0x1c3: {  	[sflag:s1] =	ssyncset.done $0x0  }
0x1c4: {  	[sflag:s1] =	ssyncadd.s32 $0xFFFFE400  }
0x1c5: {  	[tilespmem:s3], [sflag:$0x3] =	stream.indirect.gather [spmem:s29], $0x1, s2, s16, $0xb8;
	[tilespmem:$0x1B730] =	vst v63  }
0x1c6: {  	s13 =	rddreg [dreg:$0x19]  }
0x1c7: {  	[tilespmem:s31], [sflag:$0x1] =	stream.linear.gather [hbm4b:s13+s8], $0x1C00, $0x38;
	[tilespmem:$0x1B730] =	vst v63  }
0x1c8: {  	_ =	swait.ge [sflag:s22], $0x1C00  }
0x1c9: {  	[sflag:s22] =	ssyncset.done $0x0  }
0x1ca: {  	[sflag:s22] =	ssyncadd.s32 $0xFFFFE400  }
0x1cb: {  	_ =	swait.ge [sflag:s26], $0x1C00  }
0x1cc: {  	[sflag:s26] =	ssyncset.done $0x0  }
0x1cd: {  	s12 =	rddreg [dreg:$0xd];
	[sflag:s26] =	ssyncadd.s32 $0xFFFFE400  }
0x1ce: {  	[tilespmem:s21], [sflag:$0x2] =	stream.linear.gather [hbm4b:s12+s8], $0x1C00, $0x38;
	[tilespmem:$0x1B730] =	vst v63  }
0x1cf: {  	_ =	swait.ge [sflag:s30], $0x1C00  }
0x1d0: {  	[sflag:s30] =	ssyncset.done $0x0  }
0x1d1: {  	[sflag:s30] =	ssyncadd.s32 $0xFFFFE400  }
0x1d2: {  	[spmem:s28] =	stream.indirect.scatter.add.f32 [tilespmem:s3], [sflag:$0x4], $0x1, s0, s16, $0xb8;
	[tilespmem:$0x1B730] =	vst v63  }
0x1d3: {  	_ =	swait.ge [sflag:s1], $0x1C00  }
0x1d4: {  	[sflag:s1] =	ssyncset.done $0x0  }
0x1d5: {  	[sflag:s1] =	ssyncadd.s32 $0xFFFFE400  }
0x1d6: {  	[tilespmem:s17], [sflag:$0x3] =	stream.indirect.gather [spmem:s29], $0x1, s31, s16, $0xb8;
	[tilespmem:$0x1B730] =	vst v63  }
0x1d7: {  	s13 =	rddreg [dreg:$0x1a]  }
0x1d8: {  	[tilespmem:s2], [sflag:$0x1] =	stream.linear.gather [hbm4b:s13+s8], $0x1C00, $0x38;
	[tilespmem:$0x1B730] =	vst v63  }
0x1d9: {  	_ =	swait.ge [sflag:s22], $0x1C00  }
0x1da: {  	[sflag:s22] =	ssyncset.done $0x0  }
0x1db: {  	[sflag:s22] =	ssyncadd.s32 $0xFFFFE400  }
0x1dc: {  	_ =	swait.ge [sflag:s26], $0x1C00  }
0x1dd: {  	[sflag:s26] =	ssyncset.done $0x0  }
0x1de: {  	s12 =	rddreg [dreg:$0xe];
	[sflag:s26] =	ssyncadd.s32 $0xFFFFE400  }
0x1df: {  	[tilespmem:s0], [sflag:$0x2] =	stream.linear.gather [hbm4b:s12+s8], $0x1C00, $0x38;
	[tilespmem:$0x1B730] =	vst v63  }
0x1e0: {  	_ =	swait.ge [sflag:s30], $0x1C00  }
0x1e1: {  	[sflag:s30] =	ssyncset.done $0x0  }
0x1e2: {  	[sflag:s30] =	ssyncadd.s32 $0xFFFFE400  }
0x1e3: {  	[spmem:s28] =	stream.indirect.scatter.add.f32 [tilespmem:s17], [sflag:$0x4], $0x1, s21, s16, $0xb8;
	[tilespmem:$0x1B730] =	vst v63  }
0x1e4: {  	_ =	swait.ge [sflag:s1], $0x1C00  }
0x1e5: {  	[sflag:s1] =	ssyncset.done $0x0  }
0x1e6: {  	[sflag:s1] =	ssyncadd.s32 $0xFFFFE400  }
0x1e7: {  	[tilespmem:s3], [sflag:$0x3] =	stream.indirect.gather [spmem:s29], $0x1, s2, s16, $0xb8;
	[tilespmem:$0x1B730] =	vst v63  }
0x1e8: {  	s13 =	rddreg [dreg:$0x1b]  }
0x1e9: {  	[tilespmem:s31], [sflag:$0x1] =	stream.linear.gather [hbm4b:s13+s8], $0x1C00, $0x38;
	[tilespmem:$0x1B730] =	vst v63  }
0x1ea: {  	_ =	swait.ge [sflag:s22], $0x1C00  }
0x1eb: {  	[sflag:s22] =	ssyncset.done $0x0  }
0x1ec: {  	[sflag:s22] =	ssyncadd.s32 $0xFFFFE400  }
0x1ed: {  	_ =	swait.ge [sflag:s26], $0x1C00  }
0x1ee: {  	[sflag:s26] =	ssyncset.done $0x0  }
0x1ef: {  	s12 =	rddreg [dreg:$0xf];
	[sflag:s26] =	ssyncadd.s32 $0xFFFFE400  }
0x1f0: {  	[tilespmem:s21], [sflag:$0x2] =	stream.linear.gather [hbm4b:s12+s8], $0x1C00, $0x38;
	[tilespmem:$0x1B730] =	vst v63  }
0x1f1: {  	_ =	swait.ge [sflag:s30], $0x1C00  }
0x1f2: {  	[sflag:s30] =	ssyncset.done $0x0  }
0x1f3: {  	[sflag:s30] =	ssyncadd.s32 $0xFFFFE400  }
0x1f4: {  	[spmem:s28] =	stream.indirect.scatter.add.f32 [tilespmem:s3], [sflag:$0x4], $0x1, s0, s16, $0xb8;
	[tilespmem:$0x1B730] =	vst v63  }
0x1f5: {  	_ =	swait.ge [sflag:s1], $0x1C00  }
0x1f6: {  	[sflag:s1] =	ssyncset.done $0x0  }
0x1f7: {  	[sflag:s1] =	ssyncadd.s32 $0xFFFFE400  }
0x1f8: {  	[tilespmem:s17], [sflag:$0x3] =	stream.indirect.gather [spmem:s29], $0x1, s31, s16, $0xb8;
	[tilespmem:$0x1B730] =	vst v63  }
0x1f9: {  	s13 =	rddreg [dreg:$0x1c]  }
0x1fa: {  	[tilespmem:s2], [sflag:$0x1] =	stream.linear.gather [hbm4b:s13+s8], $0x1C00, $0x38;
	[tilespmem:$0x1B730] =	vst v63  }
0x1fb: {  	_ =	swait.ge [sflag:s22], $0x1C00  }
0x1fc: {  	[sflag:s22] =	ssyncset.done $0x0  }
0x1fd: {  	[sflag:s22] =	ssyncadd.s32 $0xFFFFE400  }
0x1fe: {  	_ =	swait.ge [sflag:s26], $0x1C00  }
0x1ff: {  	[sflag:s26] =	ssyncset.done $0x0  }
0x200: {  	s12 =	rddreg [dreg:$0x10];
	[sflag:s26] =	ssyncadd.s32 $0xFFFFE400  }
0x201: {  	[tilespmem:s0], [sflag:$0x2] =	stream.linear.gather [hbm4b:s12+s8], $0x1C00, $0x38;
	[tilespmem:$0x1B730] =	vst v63  }
0x202: {  	_ =	swait.ge [sflag:s30], $0x1C00  }
0x203: {  	[sflag:s30] =	ssyncset.done $0x0  }
0x204: {  	[sflag:s30] =	ssyncadd.s32 $0xFFFFE400  }
0x205: {  	[spmem:s28] =	stream.indirect.scatter.add.f32 [tilespmem:s17], [sflag:$0x4], $0x1, s21, s16, $0xb8;
	[tilespmem:$0x1B730] =	vst v63  }
0x206: {  	_ =	swait.ge [sflag:s1], $0x1C00  }
0x207: {  	[sflag:s1] =	ssyncset.done $0x0  }
0x208: {  	[sflag:s1] =	ssyncadd.s32 $0xFFFFE400  }
0x209: {  	[tilespmem:s3], [sflag:$0x3] =	stream.indirect.gather [spmem:s29], $0x1, s2, s16, $0xb8;
	[tilespmem:$0x1B730] =	vst v63  }
0x20a: {  	s13 =	rddreg [dreg:$0x1d]  }
0x20b: {  	[tilespmem:s31], [sflag:$0x1] =	stream.linear.gather [hbm4b:s13+s8], $0x1C00, $0x38;
	[tilespmem:$0x1B730] =	vst v63  }
0x20c: {  	_ =	swait.ge [sflag:s22], $0x1C00  }
0x20d: {  	[sflag:s22] =	ssyncset.done $0x0  }
0x20e: {  	[sflag:s22] =	ssyncadd.s32 $0xFFFFE400  }
0x20f: {  	_ =	swait.ge [sflag:s26], $0x1C00  }
0x210: {  	s12 =	sld [smem:$0x7E3]  }
0x211: {  	[sflag:s26] =	ssyncset.done $0x0  }
0x212: {  	[sflag:s26] =	ssyncadd.s32 $0xFFFFE400  }
0x213: {  	[tilespmem:s21], [sflag:$0x2] =	stream.linear.gather [hbm4b:s12+s8], $0x1C00, $0x38;
	[tilespmem:$0x1B730] =	vst v63  }
0x214: {  	_ =	swait.ge [sflag:s30], $0x1C00  }
0x215: {  	[sflag:s30] =	ssyncset.done $0x0  }
0x216: {  	[sflag:s30] =	ssyncadd.s32 $0xFFFFE400  }
0x217: {  	[spmem:s28] =	stream.indirect.scatter.add.f32 [tilespmem:s3], [sflag:$0x4], $0x1, s0, s16, $0xb8;
	[tilespmem:$0x1B730] =	vst v63  }
0x218: {  	_ =	swait.ge [sflag:s1], $0x1C00  }
0x219: {  	[sflag:s1] =	ssyncset.done $0x0  }
0x21a: {  	[sflag:s1] =	ssyncadd.s32 $0xFFFFE400  }
0x21b: {  	[tilespmem:s17], [sflag:$0x3] =	stream.indirect.gather [spmem:s29], $0x1, s31, s16, $0xb8;
	[tilespmem:$0x1B730] =	vst v63  }
0x21c: {  	s13 =	rddreg [dreg:$0x1e]  }
0x21d: {  	[tilespmem:s2], [sflag:$0x1] =	stream.linear.gather [hbm4b:s13+s8], $0x1C00, $0x38;
	[tilespmem:$0x1B730] =	vst v63  }
0x21e: {  	_ =	swait.ge [sflag:s22], $0x1C00  }
0x21f: {  	[sflag:s22] =	ssyncset.done $0x0  }
0x220: {  	[sflag:s22] =	ssyncadd.s32 $0xFFFFE400  }
0x221: {  	_ =	swait.ge [sflag:s26], $0x1C00  }
0x222: {  	[sflag:s26] =	ssyncset.done $0x0  }
0x223: {  	[sflag:s26] =	ssyncadd.s32 $0xFFFFE400  }
0x224: {  	[tilespmem:s0], [sflag:$0x2] =	stream.linear.gather [hbm4b:s14+s8], $0x1C00, $0x38;
	[tilespmem:$0x1B730] =	vst v63  }
0x225: {  	_ =	swait.ge [sflag:s30], $0x1C00  }
0x226: {  	[sflag:s30] =	ssyncset.done $0x0  }
0x227: {  	[sflag:s30] =	ssyncadd.s32 $0xFFFFE400  }
0x228: {  	[spmem:s28] =	stream.indirect.scatter.add.f32 [tilespmem:s17], [sflag:$0x4], $0x1, s21, s16, $0xb8;
	[tilespmem:$0x1B730] =	vst v63  }
0x229: {  	_ =	swait.ge [sflag:s1], $0x1C00  }
0x22a: {  	[sflag:s1] =	ssyncset.done $0x0  }
0x22b: {  	[sflag:s1] =	ssyncadd.s32 $0xFFFFE400  }
0x22c: {  	[tilespmem:s3], [sflag:$0x3] =	stream.indirect.gather [spmem:s29], $0x1, s2, s16, $0xb8;
	[tilespmem:$0x1B730] =	vst v63  }
0x22d: {  	_ =	swait.ge [sflag:s22], $0x1C00  }
0x22e: {  	[sflag:s22] =	ssyncset.done $0x0  }
0x22f: {  	[sflag:s22] =	ssyncadd.s32 $0xFFFFE400  }
0x230: {  	_ =	swait.ge [sflag:s26], $0x1C00  }
0x231: {  	[sflag:s26] =	ssyncset.done $0x0  }
0x232: {  	[sflag:s26] =	ssyncadd.s32 $0xFFFFE400  }
0x233: {  	_ =	swait.ge [sflag:s30], $0x1C00  }
0x234: {  	[sflag:s30] =	ssyncset.done $0x0  }
0x235: {  	[sflag:s30] =	ssyncadd.s32 $0xFFFFE400  }
0x236: {  	[spmem:s28] =	stream.indirect.scatter.add.f32 [tilespmem:s3], [sflag:$0x4], $0x1, s0, s16, $0xb8;
	[tilespmem:$0x1B730] =	vst v63  }
0x237: {  	_ =	swait.ge [sflag:s22], $0x1C00  }
0x238: {  	[sflag:s22] =	ssyncset.done $0x0  }
0x239: {  	[sflag:s22] =	ssyncadd.s32 $0xFFFFE400  }
0x23a: {  	[bflag:$0x0] =	sbarrier.arrive $0xFFFF  }
0x23b: {  	[tilespmem:s31], [sflag:$0x1] =	stream.linear.gather [hbm4b:s11+s8], $0x1C00, $0x38;
	[tilespmem:$0x1B730] =	vst v63  }
0x23c: {  	s12 =	smov.u32 s11;
	s11 =	rddreg [dreg:$0x1f]  }
0x23d: {  	[tilespmem:s21], [sflag:$0x2] =	stream.linear.gather [hbm4b:s11+s8], $0x1C00, $0x38;
	[tilespmem:$0x1B730] =	vst v63  }
0x23e: {  	_ = 	snop  }
0x23f: {  	[tilespmem:s19], [sflag:$0x9] =	stream.linear.gather [spmem:s20], $0x1870, $0x38;
	[tilespmem:$0x1B730] =	vst v63  }
0x240: {  	_ =	swait.ge [sflag:s25], $0x1870  }
0x241: {  	s13 =	sld [smem:$0x7F1]  }
0x242: {  	[sflag:s25] =	ssyncset.done $0x0  }
0x243: {  	[sflag:s25] =	ssyncadd.s32 $0xFFFFE790  }
0x244: {  	[hbm4b:s13+s8] =	stream.linear.scatter [tilespmem:s19], [sflag:$0x9], $0x1870, $0x38;
	[tilespmem:$0x1B730] =	vst v63  }
0x245: {  	_ =	swait.ge [sflag:s25], $0x1870  }
0x246: {  	[sflag:s25] =	ssyncset.done $0x0  }
0x247: {  	[sflag:s25] =	ssyncadd.s32 $0xFFFFE790  }
0x248: {  	s11 =	simm.s32 $0x100000;
	[bflag:$0x0] =	sbarrier.arrive $0xFFFF  }
0x249: {  	[smem:s11], [sflag:$0x0] =	smem.add.s32 $0x0  }
0x24a: {  	_ =	swait.done [sflag:s8]  }
0x24b: {  	s13 =	ssyncread [sflag:$0x0];
	_ =	sdelay $0x2  }
0x24c: {  	s9 =	sadd.s32 s18, s13  }
0x24d: {  	[sflag:s8] =	ssyncset.s32 $0x0;
	s9 =	sshll.u32 s9, $0x11  }
0x24e: {  	[sflag:s8] =	ssyncset.done $0x0;
	s9 =	sor.u32 s9, s4  }
0x24f: {  	[sflag:s9] =	ssyncadd.remote.s32 $0x1  }
0x250: {  	_ =	swait.ge [sflag:s23], $0x1  }
0x251: {  	s11 =	sld [smem:$0x7F2]  }
0x252: {  	[sflag:s23] =	ssyncset.done $0x0  }
0x253: {  	[sflag:s23] =	ssyncadd.s32 $0xFFFFFFFF  }
0x254: {  	[tilespmem:s10], [sflag:$0x9] =	stream.linear.gather [hbm4b:s11+s8], $0x1870, $0x38;
	[tilespmem:$0x1B730] =	vst v63  }
0x255: {  	_ =	swait.ge [sflag:s25], $0x1870  }
0x256: {  	[sflag:s25] =	ssyncset.done $0x0  }
0x257: {  	s8 =	simm.s32 $0x0;
	[sflag:s25] =	ssyncadd.s32 $0xFFFFE790  }
0x258: {  	s13 =	simm.s32 $0xF4B0;
	s9 =	simm.s32 $0x40;
	v2 =	vld [tilespmem:s8+$0xF4B0]  }
.LBB2_11:
0x259: {  	p1 =	sne.s32 s9, $0x6180;
	v3 =	vld [tilespmem:s8+$0xDC30];
	_ =	sdelay $0x1  }
0x25a: {  	v4 =	vld [tilespmem:s8+$0xAB30];
	_ =	sdelay $0x2  }
.Ltmp4:
0x25b: {  	v2 =	vadd.f32 v2, v3;
	(pc) =	sbr.rel @p1 .LBB2_11-.Ltmp4, $4  }
0x25c: {  	_ = 	snop  }
0x25d: {  	v3 =	vmul.f32 v4, v2  }
0x25e: {  	s10 =	sshra.s32 s9, $0x2  }
0x25f: {  	s9 =	sadd.s32 $0x40, s9;
	v2 =	vld [tilespmem:s10+$0xF4B0];
	[tilespmem:s8+$0xDC30] =	vst v3;
	s8 =	smov.u32 s10  }
0x260: {  	v3 =	vld [tilespmem:s8+$0xDC30];
	_ =	sdelay $0x1  }
0x261: {  	v4 =	vld [tilespmem:s8+$0xAB30];
	_ =	sdelay $0x2  }
0x262: {  	v2 =	vadd.f32 v2, v3;
	_ =	sdelay $0x1  }
0x263: {  	v2 =	vmul.f32 v4, v2;
	_ =	sdelay $0x1  }
0x264: {  	[tilespmem:s8+$0xDC30] =	vst v2  }
0x265: {  	[spmem:s20] =	stream.linear.scatter [tilespmem:s19], [sflag:$0x3], $0x1870, $0x38;
	[tilespmem:$0x1B730] =	vst v63  }
0x266: {  	s9 =	simm.s32 $0xC3B0  }
0x267: {  	[spmem:s24] =	stream.linear.scatter [tilespmem:s9], [sflag:$0x4], $0x1870, $0x38;
	[tilespmem:$0x1B730] =	vst v63  }
0x268: {  	_ =	swait.ge [sflag:s30], $0x1870  }
0x269: {  	[sflag:s30] =	ssyncset.done $0x0  }
0x26a: {  	[sflag:s30] =	ssyncadd.s32 $0xFFFFE790  }
0x26b: {  	_ =	swait.ge [sflag:s22], $0x1870  }
0x26c: {  	[sflag:s22] =	ssyncset.done $0x0  }
0x26d: {  	[sflag:s22] =	ssyncadd.s32 $0xFFFFE790  }
0x26e: {  	[bflag:$0x0] =	sbarrier.arrive $0xFFFF  }
0x26f: {  	_ =	swait.ge [sflag:s1], $0x1C00  }
0x270: {  	[sflag:s1] =	ssyncset.done $0x0  }
0x271: {  	[sflag:s1] =	ssyncadd.s32 $0xFFFFE400  }
0x272: {  	[tilespmem:s17], [sflag:$0x3] =	stream.indirect.gather [spmem:s28], $0x1, s31, s16, $0xb8;
	[tilespmem:$0x1B730] =	vst v63  }
0x273: {  	_ =	swait.ge [sflag:s26], $0x1C00  }
0x274: {  	[sflag:s26] =	ssyncset.done $0x0;
	s9 =	rddreg [dreg:$0x6]  }
0x275: {  	s8 =	simm.s32 $0x0;
	s10 =	sld [smem:$0x7E4];
	[sflag:s26] =	ssyncadd.s32 $0xFFFFE400  }
0x276: {  	[tilespmem:s2], [sflag:$0x1] =	stream.linear.gather [hbm4b:s9+s8], $0x1C00, $0x38;
	[tilespmem:$0x1B730] =	vst v63  }
0x277: {  	_ = 	snop  }
0x278: {  	[tilespmem:s0], [sflag:$0x2] =	stream.linear.gather [hbm4b:s10+s8], $0x1C00, $0x38;
	[tilespmem:$0x1B730] =	vst v63  }
0x279: {  	_ =	swait.ge [sflag:s30], $0x1C00  }
0x27a: {  	[sflag:s30] =	ssyncset.done $0x0  }
0x27b: {  	[sflag:s30] =	ssyncadd.s32 $0xFFFFE400  }
0x27c: {  	[spmem:s15] =	stream.indirect.scatter.add.f32 [tilespmem:s17], [sflag:$0x4], $0x1, s21, s16, $0xb8;
	[tilespmem:$0x1B730] =	vst v63  }
0x27d: {  	_ =	swait.ge [sflag:s1], $0x1C00  }
0x27e: {  	[sflag:s1] =	ssyncset.done $0x0  }
0x27f: {  	[sflag:s1] =	ssyncadd.s32 $0xFFFFE400  }
0x280: {  	[tilespmem:s3], [sflag:$0x3] =	stream.indirect.gather [spmem:s28], $0x1, s2, s16, $0xb8;
	[tilespmem:$0x1B730] =	vst v63  }
0x281: {  	s11 =	rddreg [dreg:$0x7]  }
0x282: {  	[tilespmem:s31], [sflag:$0x1] =	stream.linear.gather [hbm4b:s11+s8], $0x1C00, $0x38;
	[tilespmem:$0x1B730] =	vst v63  }
0x283: {  	_ =	swait.ge [sflag:s22], $0x1C00  }
0x284: {  	[sflag:s22] =	ssyncset.done $0x0  }
0x285: {  	[sflag:s22] =	ssyncadd.s32 $0xFFFFE400  }
0x286: {  	_ =	swait.ge [sflag:s26], $0x1C00  }
0x287: {  	s10 =	sld [smem:$0x7E5]  }
0x288: {  	[sflag:s26] =	ssyncset.done $0x0  }
0x289: {  	[sflag:s26] =	ssyncadd.s32 $0xFFFFE400  }
0x28a: {  	[tilespmem:s21], [sflag:$0x2] =	stream.linear.gather [hbm4b:s10+s8], $0x1C00, $0x38;
	[tilespmem:$0x1B730] =	vst v63  }
0x28b: {  	_ =	swait.ge [sflag:s30], $0x1C00  }
0x28c: {  	[sflag:s30] =	ssyncset.done $0x0  }
0x28d: {  	[sflag:s30] =	ssyncadd.s32 $0xFFFFE400  }
0x28e: {  	[spmem:s15] =	stream.indirect.scatter.add.f32 [tilespmem:s3], [sflag:$0x4], $0x1, s0, s16, $0xb8;
	[tilespmem:$0x1B730] =	vst v63  }
0x28f: {  	_ =	swait.ge [sflag:s1], $0x1C00  }
0x290: {  	[sflag:s1] =	ssyncset.done $0x0  }
0x291: {  	[sflag:s1] =	ssyncadd.s32 $0xFFFFE400  }
0x292: {  	[tilespmem:s17], [sflag:$0x3] =	stream.indirect.gather [spmem:s28], $0x1, s31, s16, $0xb8;
	[tilespmem:$0x1B730] =	vst v63  }
0x293: {  	s11 =	rddreg [dreg:$0x8]  }
0x294: {  	[tilespmem:s2], [sflag:$0x1] =	stream.linear.gather [hbm4b:s11+s8], $0x1C00, $0x38;
	[tilespmem:$0x1B730] =	vst v63  }
0x295: {  	_ =	swait.ge [sflag:s22], $0x1C00  }
0x296: {  	[sflag:s22] =	ssyncset.done $0x0  }
0x297: {  	[sflag:s22] =	ssyncadd.s32 $0xFFFFE400  }
0x298: {  	_ =	swait.ge [sflag:s26], $0x1C00  }
0x299: {  	s10 =	sld [smem:$0x7E6]  }
0x29a: {  	[sflag:s26] =	ssyncset.done $0x0  }
0x29b: {  	[sflag:s26] =	ssyncadd.s32 $0xFFFFE400  }
0x29c: {  	[tilespmem:s0], [sflag:$0x2] =	stream.linear.gather [hbm4b:s10+s8], $0x1C00, $0x38;
	[tilespmem:$0x1B730] =	vst v63  }
0x29d: {  	_ =	swait.ge [sflag:s30], $0x1C00  }
0x29e: {  	[sflag:s30] =	ssyncset.done $0x0  }
0x29f: {  	[sflag:s30] =	ssyncadd.s32 $0xFFFFE400  }
0x2a0: {  	[spmem:s15] =	stream.indirect.scatter.add.f32 [tilespmem:s17], [sflag:$0x4], $0x1, s21, s16, $0xb8;
	[tilespmem:$0x1B730] =	vst v63  }
0x2a1: {  	_ =	swait.ge [sflag:s1], $0x1C00  }
0x2a2: {  	[sflag:s1] =	ssyncset.done $0x0  }
0x2a3: {  	[sflag:s1] =	ssyncadd.s32 $0xFFFFE400  }
0x2a4: {  	[tilespmem:s3], [sflag:$0x3] =	stream.indirect.gather [spmem:s28], $0x1, s2, s16, $0xb8;
	[tilespmem:$0x1B730] =	vst v63  }
0x2a5: {  	s11 =	rddreg [dreg:$0x9]  }
0x2a6: {  	[tilespmem:s31], [sflag:$0x1] =	stream.linear.gather [hbm4b:s11+s8], $0x1C00, $0x38;
	[tilespmem:$0x1B730] =	vst v63  }
0x2a7: {  	_ =	swait.ge [sflag:s22], $0x1C00  }
0x2a8: {  	[sflag:s22] =	ssyncset.done $0x0  }
0x2a9: {  	[sflag:s22] =	ssyncadd.s32 $0xFFFFE400  }
0x2aa: {  	_ =	swait.ge [sflag:s26], $0x1C00  }
0x2ab: {  	s10 =	sld [smem:$0x7E7]  }
0x2ac: {  	[sflag:s26] =	ssyncset.done $0x0  }
0x2ad: {  	[sflag:s26] =	ssyncadd.s32 $0xFFFFE400  }
0x2ae: {  	[tilespmem:s21], [sflag:$0x2] =	stream.linear.gather [hbm4b:s10+s8], $0x1C00, $0x38;
	[tilespmem:$0x1B730] =	vst v63  }
0x2af: {  	_ =	swait.ge [sflag:s30], $0x1C00  }
0x2b0: {  	[sflag:s30] =	ssyncset.done $0x0  }
0x2b1: {  	[sflag:s30] =	ssyncadd.s32 $0xFFFFE400  }
0x2b2: {  	[spmem:s15] =	stream.indirect.scatter.add.f32 [tilespmem:s3], [sflag:$0x4], $0x1, s0, s16, $0xb8;
	[tilespmem:$0x1B730] =	vst v63  }
0x2b3: {  	_ =	swait.ge [sflag:s1], $0x1C00  }
0x2b4: {  	[sflag:s1] =	ssyncset.done $0x0  }
0x2b5: {  	[sflag:s1] =	ssyncadd.s32 $0xFFFFE400  }
0x2b6: {  	[tilespmem:s17], [sflag:$0x3] =	stream.indirect.gather [spmem:s28], $0x1, s31, s16, $0xb8;
	[tilespmem:$0x1B730] =	vst v63  }
0x2b7: {  	s11 =	rddreg [dreg:$0xa]  }
0x2b8: {  	[tilespmem:s2], [sflag:$0x1] =	stream.linear.gather [hbm4b:s11+s8], $0x1C00, $0x38;
	[tilespmem:$0x1B730] =	vst v63  }
0x2b9: {  	_ =	swait.ge [sflag:s22], $0x1C00  }
0x2ba: {  	[sflag:s22] =	ssyncset.done $0x0  }
0x2bb: {  	[sflag:s22] =	ssyncadd.s32 $0xFFFFE400  }
0x2bc: {  	_ =	swait.ge [sflag:s26], $0x1C00  }
0x2bd: {  	s10 =	sld [smem:$0x7E8]  }
0x2be: {  	[sflag:s26] =	ssyncset.done $0x0  }
0x2bf: {  	[sflag:s26] =	ssyncadd.s32 $0xFFFFE400  }
0x2c0: {  	[tilespmem:s0], [sflag:$0x2] =	stream.linear.gather [hbm4b:s10+s8], $0x1C00, $0x38;
	[tilespmem:$0x1B730] =	vst v63  }
0x2c1: {  	_ =	swait.ge [sflag:s30], $0x1C00  }
0x2c2: {  	[sflag:s30] =	ssyncset.done $0x0  }
0x2c3: {  	[sflag:s30] =	ssyncadd.s32 $0xFFFFE400  }
0x2c4: {  	[spmem:s15] =	stream.indirect.scatter.add.f32 [tilespmem:s17], [sflag:$0x4], $0x1, s21, s16, $0xb8;
	[tilespmem:$0x1B730] =	vst v63  }
0x2c5: {  	_ =	swait.ge [sflag:s1], $0x1C00  }
0x2c6: {  	[sflag:s1] =	ssyncset.done $0x0  }
0x2c7: {  	[sflag:s1] =	ssyncadd.s32 $0xFFFFE400  }
0x2c8: {  	[tilespmem:s3], [sflag:$0x3] =	stream.indirect.gather [spmem:s28], $0x1, s2, s16, $0xb8;
	[tilespmem:$0x1B730] =	vst v63  }
0x2c9: {  	s11 =	rddreg [dreg:$0xb]  }
0x2ca: {  	[tilespmem:s31], [sflag:$0x1] =	stream.linear.gather [hbm4b:s11+s8], $0x1C00, $0x38;
	[tilespmem:$0x1B730] =	vst v63  }
0x2cb: {  	_ =	swait.ge [sflag:s22], $0x1C00  }
0x2cc: {  	[sflag:s22] =	ssyncset.done $0x0  }
0x2cd: {  	[sflag:s22] =	ssyncadd.s32 $0xFFFFE400  }
0x2ce: {  	_ =	swait.ge [sflag:s26], $0x1C00  }
0x2cf: {  	s10 =	sld [smem:$0x7E9]  }
0x2d0: {  	[sflag:s26] =	ssyncset.done $0x0  }
0x2d1: {  	[sflag:s26] =	ssyncadd.s32 $0xFFFFE400  }
0x2d2: {  	[tilespmem:s21], [sflag:$0x2] =	stream.linear.gather [hbm4b:s10+s8], $0x1C00, $0x38;
	[tilespmem:$0x1B730] =	vst v63  }
0x2d3: {  	_ =	swait.ge [sflag:s30], $0x1C00  }
0x2d4: {  	[sflag:s30] =	ssyncset.done $0x0  }
0x2d5: {  	[sflag:s30] =	ssyncadd.s32 $0xFFFFE400  }
0x2d6: {  	[spmem:s15] =	stream.indirect.scatter.add.f32 [tilespmem:s3], [sflag:$0x4], $0x1, s0, s16, $0xb8;
	[tilespmem:$0x1B730] =	vst v63  }
0x2d7: {  	_ =	swait.ge [sflag:s1], $0x1C00  }
0x2d8: {  	[sflag:s1] =	ssyncset.done $0x0  }
0x2d9: {  	[sflag:s1] =	ssyncadd.s32 $0xFFFFE400  }
0x2da: {  	[tilespmem:s17], [sflag:$0x3] =	stream.indirect.gather [spmem:s28], $0x1, s31, s16, $0xb8;
	[tilespmem:$0x1B730] =	vst v63  }
0x2db: {  	s11 =	rddreg [dreg:$0xc]  }
0x2dc: {  	[tilespmem:s2], [sflag:$0x1] =	stream.linear.gather [hbm4b:s11+s8], $0x1C00, $0x38;
	[tilespmem:$0x1B730] =	vst v63  }
0x2dd: {  	_ =	swait.ge [sflag:s22], $0x1C00  }
0x2de: {  	[sflag:s22] =	ssyncset.done $0x0  }
0x2df: {  	[sflag:s22] =	ssyncadd.s32 $0xFFFFE400  }
0x2e0: {  	_ =	swait.ge [sflag:s26], $0x1C00  }
0x2e1: {  	s10 =	sld [smem:$0x7EA]  }
0x2e2: {  	[sflag:s26] =	ssyncset.done $0x0  }
0x2e3: {  	[sflag:s26] =	ssyncadd.s32 $0xFFFFE400  }
0x2e4: {  	[tilespmem:s0], [sflag:$0x2] =	stream.linear.gather [hbm4b:s10+s8], $0x1C00, $0x38;
	[tilespmem:$0x1B730] =	vst v63  }
0x2e5: {  	_ =	swait.ge [sflag:s30], $0x1C00  }
0x2e6: {  	[sflag:s30] =	ssyncset.done $0x0  }
0x2e7: {  	[sflag:s30] =	ssyncadd.s32 $0xFFFFE400  }
0x2e8: {  	[spmem:s15] =	stream.indirect.scatter.add.f32 [tilespmem:s17], [sflag:$0x4], $0x1, s21, s16, $0xb8;
	[tilespmem:$0x1B730] =	vst v63  }
0x2e9: {  	_ =	swait.ge [sflag:s1], $0x1C00  }
0x2ea: {  	[sflag:s1] =	ssyncset.done $0x0  }
0x2eb: {  	[sflag:s1] =	ssyncadd.s32 $0xFFFFE400  }
0x2ec: {  	[tilespmem:s3], [sflag:$0x3] =	stream.indirect.gather [spmem:s28], $0x1, s2, s16, $0xb8;
	[tilespmem:$0x1B730] =	vst v63  }
0x2ed: {  	s11 =	rddreg [dreg:$0xd]  }
0x2ee: {  	[tilespmem:s31], [sflag:$0x1] =	stream.linear.gather [hbm4b:s11+s8], $0x1C00, $0x38;
	[tilespmem:$0x1B730] =	vst v63  }
0x2ef: {  	_ =	swait.ge [sflag:s22], $0x1C00  }
0x2f0: {  	[sflag:s22] =	ssyncset.done $0x0  }
0x2f1: {  	[sflag:s22] =	ssyncadd.s32 $0xFFFFE400  }
0x2f2: {  	_ =	swait.ge [sflag:s26], $0x1C00  }
0x2f3: {  	s10 =	sld [smem:$0x7EB]  }
0x2f4: {  	[sflag:s26] =	ssyncset.done $0x0  }
0x2f5: {  	[sflag:s26] =	ssyncadd.s32 $0xFFFFE400  }
0x2f6: {  	[tilespmem:s21], [sflag:$0x2] =	stream.linear.gather [hbm4b:s10+s8], $0x1C00, $0x38;
	[tilespmem:$0x1B730] =	vst v63  }
0x2f7: {  	_ =	swait.ge [sflag:s30], $0x1C00  }
0x2f8: {  	[sflag:s30] =	ssyncset.done $0x0  }
0x2f9: {  	[sflag:s30] =	ssyncadd.s32 $0xFFFFE400  }
0x2fa: {  	[spmem:s15] =	stream.indirect.scatter.add.f32 [tilespmem:s3], [sflag:$0x4], $0x1, s0, s16, $0xb8;
	[tilespmem:$0x1B730] =	vst v63  }
0x2fb: {  	_ =	swait.ge [sflag:s1], $0x1C00  }
0x2fc: {  	[sflag:s1] =	ssyncset.done $0x0  }
0x2fd: {  	[sflag:s1] =	ssyncadd.s32 $0xFFFFE400  }
0x2fe: {  	[tilespmem:s17], [sflag:$0x3] =	stream.indirect.gather [spmem:s28], $0x1, s31, s16, $0xb8;
	[tilespmem:$0x1B730] =	vst v63  }
0x2ff: {  	s11 =	rddreg [dreg:$0xe]  }
0x300: {  	[tilespmem:s2], [sflag:$0x1] =	stream.linear.gather [hbm4b:s11+s8], $0x1C00, $0x38;
	[tilespmem:$0x1B730] =	vst v63  }
0x301: {  	_ =	swait.ge [sflag:s22], $0x1C00  }
0x302: {  	[sflag:s22] =	ssyncset.done $0x0  }
0x303: {  	[sflag:s22] =	ssyncadd.s32 $0xFFFFE400  }
0x304: {  	_ =	swait.ge [sflag:s26], $0x1C00  }
0x305: {  	s10 =	sld [smem:$0x7EC]  }
0x306: {  	[sflag:s26] =	ssyncset.done $0x0  }
0x307: {  	[sflag:s26] =	ssyncadd.s32 $0xFFFFE400  }
0x308: {  	[tilespmem:s0], [sflag:$0x2] =	stream.linear.gather [hbm4b:s10+s8], $0x1C00, $0x38;
	[tilespmem:$0x1B730] =	vst v63  }
0x309: {  	_ =	swait.ge [sflag:s30], $0x1C00  }
0x30a: {  	[sflag:s30] =	ssyncset.done $0x0  }
0x30b: {  	[sflag:s30] =	ssyncadd.s32 $0xFFFFE400  }
0x30c: {  	[spmem:s15] =	stream.indirect.scatter.add.f32 [tilespmem:s17], [sflag:$0x4], $0x1, s21, s16, $0xb8;
	[tilespmem:$0x1B730] =	vst v63  }
0x30d: {  	_ =	swait.ge [sflag:s1], $0x1C00  }
0x30e: {  	[sflag:s1] =	ssyncset.done $0x0  }
0x30f: {  	[sflag:s1] =	ssyncadd.s32 $0xFFFFE400  }
0x310: {  	[tilespmem:s3], [sflag:$0x3] =	stream.indirect.gather [spmem:s28], $0x1, s2, s16, $0xb8;
	[tilespmem:$0x1B730] =	vst v63  }
0x311: {  	s11 =	rddreg [dreg:$0xf]  }
0x312: {  	[tilespmem:s31], [sflag:$0x1] =	stream.linear.gather [hbm4b:s11+s8], $0x1C00, $0x38;
	[tilespmem:$0x1B730] =	vst v63  }
0x313: {  	_ =	swait.ge [sflag:s22], $0x1C00  }
0x314: {  	[sflag:s22] =	ssyncset.done $0x0  }
0x315: {  	[sflag:s22] =	ssyncadd.s32 $0xFFFFE400  }
0x316: {  	_ =	swait.ge [sflag:s26], $0x1C00  }
0x317: {  	s10 =	sld [smem:$0x7ED]  }
0x318: {  	[sflag:s26] =	ssyncset.done $0x0  }
0x319: {  	[sflag:s26] =	ssyncadd.s32 $0xFFFFE400  }
0x31a: {  	[tilespmem:s21], [sflag:$0x2] =	stream.linear.gather [hbm4b:s10+s8], $0x1C00, $0x38;
	[tilespmem:$0x1B730] =	vst v63  }
0x31b: {  	_ =	swait.ge [sflag:s30], $0x1C00  }
0x31c: {  	[sflag:s30] =	ssyncset.done $0x0  }
0x31d: {  	[sflag:s30] =	ssyncadd.s32 $0xFFFFE400  }
0x31e: {  	[spmem:s15] =	stream.indirect.scatter.add.f32 [tilespmem:s3], [sflag:$0x4], $0x1, s0, s16, $0xb8;
	[tilespmem:$0x1B730] =	vst v63  }
0x31f: {  	_ =	swait.ge [sflag:s1], $0x1C00  }
0x320: {  	[sflag:s1] =	ssyncset.done $0x0  }
0x321: {  	[sflag:s1] =	ssyncadd.s32 $0xFFFFE400  }
0x322: {  	[tilespmem:s17], [sflag:$0x3] =	stream.indirect.gather [spmem:s28], $0x1, s31, s16, $0xb8;
	[tilespmem:$0x1B730] =	vst v63  }
0x323: {  	s11 =	rddreg [dreg:$0x10]  }
0x324: {  	[tilespmem:s2], [sflag:$0x1] =	stream.linear.gather [hbm4b:s11+s8], $0x1C00, $0x38;
	[tilespmem:$0x1B730] =	vst v63  }
0x325: {  	_ =	swait.ge [sflag:s22], $0x1C00  }
0x326: {  	[sflag:s22] =	ssyncset.done $0x0  }
0x327: {  	[sflag:s22] =	ssyncadd.s32 $0xFFFFE400  }
0x328: {  	_ =	swait.ge [sflag:s26], $0x1C00  }
0x329: {  	s10 =	sld [smem:$0x7EE]  }
0x32a: {  	[sflag:s26] =	ssyncset.done $0x0  }
0x32b: {  	[sflag:s26] =	ssyncadd.s32 $0xFFFFE400  }
0x32c: {  	[tilespmem:s0], [sflag:$0x2] =	stream.linear.gather [hbm4b:s10+s8], $0x1C00, $0x38;
	[tilespmem:$0x1B730] =	vst v63  }
0x32d: {  	_ =	swait.ge [sflag:s30], $0x1C00  }
0x32e: {  	[sflag:s30] =	ssyncset.done $0x0  }
0x32f: {  	[sflag:s30] =	ssyncadd.s32 $0xFFFFE400  }
0x330: {  	[spmem:s15] =	stream.indirect.scatter.add.f32 [tilespmem:s17], [sflag:$0x4], $0x1, s21, s16, $0xb8;
	[tilespmem:$0x1B730] =	vst v63  }
0x331: {  	_ =	swait.ge [sflag:s1], $0x1C00  }
0x332: {  	[sflag:s1] =	ssyncset.done $0x0  }
0x333: {  	s11 =	sld [smem:$0x7E3];
	[sflag:s1] =	ssyncadd.s32 $0xFFFFE400  }
0x334: {  	[tilespmem:s3], [sflag:$0x3] =	stream.indirect.gather [spmem:s28], $0x1, s2, s16, $0xb8;
	[tilespmem:$0x1B730] =	vst v63  }
0x335: {  	_ = 	snop  }
0x336: {  	[tilespmem:s31], [sflag:$0x1] =	stream.linear.gather [hbm4b:s11+s8], $0x1C00, $0x38;
	[tilespmem:$0x1B730] =	vst v63  }
0x337: {  	_ =	swait.ge [sflag:s22], $0x1C00  }
0x338: {  	[sflag:s22] =	ssyncset.done $0x0  }
0x339: {  	[sflag:s22] =	ssyncadd.s32 $0xFFFFE400  }
0x33a: {  	_ =	swait.ge [sflag:s26], $0x1C00  }
0x33b: {  	s10 =	sld [smem:$0x7EF]  }
0x33c: {  	[sflag:s26] =	ssyncset.done $0x0  }
0x33d: {  	[sflag:s26] =	ssyncadd.s32 $0xFFFFE400  }
0x33e: {  	[tilespmem:s21], [sflag:$0x2] =	stream.linear.gather [hbm4b:s10+s8], $0x1C00, $0x38;
	[tilespmem:$0x1B730] =	vst v63  }
0x33f: {  	_ =	swait.ge [sflag:s30], $0x1C00  }
0x340: {  	[sflag:s30] =	ssyncset.done $0x0  }
0x341: {  	[sflag:s30] =	ssyncadd.s32 $0xFFFFE400  }
0x342: {  	[spmem:s15] =	stream.indirect.scatter.add.f32 [tilespmem:s3], [sflag:$0x4], $0x1, s0, s16, $0xb8;
	[tilespmem:$0x1B730] =	vst v63  }
0x343: {  	_ =	swait.ge [sflag:s1], $0x1C00  }
0x344: {  	[sflag:s1] =	ssyncset.done $0x0  }
0x345: {  	[sflag:s1] =	ssyncadd.s32 $0xFFFFE400  }
0x346: {  	[tilespmem:s17], [sflag:$0x3] =	stream.indirect.gather [spmem:s28], $0x1, s31, s16, $0xb8;
	[tilespmem:$0x1B730] =	vst v63  }
0x347: {  	_ = 	snop  }
0x348: {  	[tilespmem:s2], [sflag:$0x1] =	stream.linear.gather [hbm4b:s14+s8], $0x1C00, $0x38;
	[tilespmem:$0x1B730] =	vst v63  }
0x349: {  	_ =	swait.ge [sflag:s22], $0x1C00  }
0x34a: {  	[sflag:s22] =	ssyncset.done $0x0  }
0x34b: {  	[sflag:s22] =	ssyncadd.s32 $0xFFFFE400  }
0x34c: {  	_ =	swait.ge [sflag:s26], $0x1C00  }
0x34d: {  	s11 =	sld [smem:$0x7F0]  }
0x34e: {  	[sflag:s26] =	ssyncset.done $0x0  }
0x34f: {  	[sflag:s26] =	ssyncadd.s32 $0xFFFFE400  }
0x350: {  	[tilespmem:s0], [sflag:$0x2] =	stream.linear.gather [hbm4b:s11+s8], $0x1C00, $0x38;
	[tilespmem:$0x1B730] =	vst v63  }
0x351: {  	_ =	swait.ge [sflag:s30], $0x1C00  }
0x352: {  	[sflag:s30] =	ssyncset.done $0x0  }
0x353: {  	[sflag:s30] =	ssyncadd.s32 $0xFFFFE400  }
0x354: {  	[spmem:s15] =	stream.indirect.scatter.add.f32 [tilespmem:s17], [sflag:$0x4], $0x1, s21, s16, $0xb8;
	[tilespmem:$0x1B730] =	vst v63  }
0x355: {  	_ =	swait.ge [sflag:s1], $0x1C00  }
0x356: {  	[sflag:s1] =	ssyncset.done $0x0  }
0x357: {  	[sflag:s1] =	ssyncadd.s32 $0xFFFFE400  }
0x358: {  	[tilespmem:s3], [sflag:$0x3] =	stream.indirect.gather [spmem:s28], $0x1, s2, s16, $0xb8;
	[tilespmem:$0x1B730] =	vst v63  }
0x359: {  	_ =	swait.ge [sflag:s22], $0x1C00  }
0x35a: {  	[sflag:s22] =	ssyncset.done $0x0  }
0x35b: {  	[sflag:s22] =	ssyncadd.s32 $0xFFFFE400  }
0x35c: {  	_ =	swait.ge [sflag:s26], $0x1C00  }
0x35d: {  	[sflag:s26] =	ssyncset.done $0x0  }
0x35e: {  	[sflag:s26] =	ssyncadd.s32 $0xFFFFE400  }
0x35f: {  	_ =	swait.ge [sflag:s30], $0x1C00  }
0x360: {  	[sflag:s30] =	ssyncset.done $0x0  }
0x361: {  	[sflag:s30] =	ssyncadd.s32 $0xFFFFE400  }
0x362: {  	[spmem:s15] =	stream.indirect.scatter.add.f32 [tilespmem:s3], [sflag:$0x4], $0x1, s0, s16, $0xb8;
	[tilespmem:$0x1B730] =	vst v63  }
0x363: {  	_ =	swait.ge [sflag:s22], $0x1C00  }
0x364: {  	[sflag:s22] =	ssyncset.done $0x0  }
0x365: {  	[sflag:s22] =	ssyncadd.s32 $0xFFFFE400  }
0x366: {  	[bflag:$0x0] =	sbarrier.arrive $0xFFFF  }
0x367: {  	[tilespmem:s19], [sflag:$0x9] =	stream.linear.gather [spmem:s24], $0x1870, $0x38;
	[tilespmem:$0x1B730] =	vst v63  }
0x368: {  	_ =	swait.ge [sflag:s25], $0x1870  }
0x369: {  	s10 =	sld [smem:$0x7F3]  }
0x36a: {  	[sflag:s25] =	ssyncset.done $0x0  }
0x36b: {  	[sflag:s25] =	ssyncadd.s32 $0xFFFFE790  }
0x36c: {  	[hbm4b:s10+s8] =	stream.linear.scatter [tilespmem:s19], [sflag:$0x9], $0x1870, $0x38;
	[tilespmem:$0x1B730] =	vst v63  }
0x36d: {  	_ =	swait.ge [sflag:s25], $0x1870  }
0x36e: {  	[sflag:s25] =	ssyncset.done $0x0  }
0x36f: {  	[sflag:s25] =	ssyncadd.s32 $0xFFFFE790  }
0x370: {  	s11 =	simm.s32 $0x100000;
	[bflag:$0x0] =	sbarrier.arrive $0xFFFF  }
0x371: {  	[smem:s11], [sflag:$0x0] =	smem.add.s32 $0x0  }
0x372: {  	_ =	swait.done [sflag:s8]  }
0x373: {  	s10 =	ssyncread [sflag:$0x0];
	_ =	sdelay $0x2  }
0x374: {  	s9 =	sadd.s32 s18, s10  }
0x375: {  	[sflag:s8] =	ssyncset.s32 $0x0;
	s9 =	sshll.u32 s9, $0x11  }
0x376: {  	[sflag:s8] =	ssyncset.done $0x0;
	s9 =	sor.u32 s9, s4  }
0x377: {  	[sflag:s9] =	ssyncadd.remote.s32 $0x1  }
0x378: {  	_ =	swait.ge [sflag:s23], $0x1  }
0x379: {  	s11 =	sld [smem:$0x7F4]  }
0x37a: {  	[sflag:s23] =	ssyncset.done $0x0  }
0x37b: {  	[sflag:s23] =	ssyncadd.s32 $0xFFFFFFFF  }
0x37c: {  	[tilespmem:s13], [sflag:$0x9] =	stream.linear.gather [hbm4b:s11+s8], $0x1870, $0x38;
	[tilespmem:$0x1B730] =	vst v63  }
0x37d: {  	_ =	swait.ge [sflag:s25], $0x1870  }
0x37e: {  	[sflag:s25] =	ssyncset.done $0x0  }
0x37f: {  	s8 =	simm.s32 $0x0;
	[sflag:s25] =	ssyncadd.s32 $0xFFFFE790  }
0x380: {  	v2 =	vld [tilespmem:s8+$0xDC30]  }
0x381: {  	v3 =	vld [tilespmem:s8+$0xF4B0];
	_ =	sdelay $0x4  }
0x382: {  	v2 =	vadd.f32 v3, v2;
	_ =	sdelay $0x1  }
0x383: {  	v2 =	vsub.f32 $0.0e+00, v2;
	_ =	sdelay $0x1  }
0x384: {  	v2 =	vmul.f32 $1.442695020e+00, v2;
	_ =	sdelay $0x1  }
0x385: {  	(erf) = vpow2.f32 v2;
	_ =	sdelay $0x7  }
0x386: {  	v2 =	vld [tilespmem:s8+$0x7A30]  }
0x387: {  	v3 =	vpop (erf)  }
0x388: {  	v4 =	vsub.f32 $1.000000000e+00, v3;
	v3 =	vld [tilespmem:s8+$0x92B0];
	_ =	sdelay $0x2  }
0x389: {  	s10 =	simm.s32 $0x80;
	s9 =	simm.s32 $0x40;
	v4 =	vmul.f32 v4, v2  }
.LBB2_13:
0x38a: {  	p1 =	sne.s32 s10, $0x6180;
	s11 =	sshra.s32 s9, $0x2;
	s9 =	smov.u32 s10  }
0x38b: {  	v5 =	vld [tilespmem:s11+$0xDC30];
	[tilespmem:s8+$0xF4B0] =	vst v4;
	v2 =	vsub.f32 v2, v4;
	v3 =	vadd.f32 v4, v3  }
0x38c: {  	v4 =	vld [tilespmem:s11+$0xF4B0]  }
0x38d: {  	[tilespmem:s8+$0x7A30] =	vst v2  }
0x38e: {  	[tilespmem:s8+$0x92B0] =	vst v3;
	s8 =	smov.u32 s11;
	_ =	sdelay $0x2  }
0x38f: {  	v2 =	vadd.f32 v4, v5;
	_ =	sdelay $0x1  }
0x390: {  	v2 =	vsub.f32 $0.0e+00, v2;
	_ =	sdelay $0x1  }
0x391: {  	v2 =	vmul.f32 $1.442695020e+00, v2;
	_ =	sdelay $0x1  }
0x392: {  	(erf) = vpow2.f32 v2;
	_ =	sdelay $0x6  }
0x393: {  	v2 =	vld [tilespmem:s8+$0x7A30]  }
.Ltmp5:
0x394: {  	(pc) =	sbr.rel @p1 .LBB2_13-.Ltmp5, $3  }
0x395: {  	v3 =	vld [tilespmem:s8+$0x92B0];
	v4 =	vpop (erf)  }
0x396: {  	v4 =	vsub.f32 $1.000000000e+00, v4;
	_ =	sdelay $0x1  }
0x397: {  	s10 =	sadd.s32 $0x40, s10;
	v4 =	vmul.f32 v4, v2  }
0x398: {  	s9 =	sshra.s32 s9, $0x2  }
0x399: {  	v5 =	vld [tilespmem:s9+$0xDC30];
	[tilespmem:s8+$0xF4B0] =	vst v4  }
0x39a: {  	v6 =	vld [tilespmem:s9+$0xF4B0];
	_ =	sdelay $0x4  }
0x39b: {  	v5 =	vadd.f32 v6, v5;
	_ =	sdelay $0x1  }
0x39c: {  	v5 =	vsub.f32 $0.0e+00, v5;
	_ =	sdelay $0x1  }
0x39d: {  	v5 =	vmul.f32 $1.442695020e+00, v5;
	_ =	sdelay $0x1  }
0x39e: {  	(erf) = vpow2.f32 v5;
	_ =	sdelay $0x2  }
0x39f: {  	v2 =	vsub.f32 v2, v4  }
0x3a0: {  	v3 =	vadd.f32 v4, v3  }
0x3a1: {  	[tilespmem:s8+$0x7A30] =	vst v2  }
0x3a2: {  	[tilespmem:s8+$0x92B0] =	vst v3  }
0x3a3: {  	v2 =	vld [tilespmem:s9+$0x7A30];
	_ =	sdelay $0x1  }
0x3a4: {  	v3 =	vpop (erf)  }
0x3a5: {  	v63 =	vld [tilespmem:s9+$0x92B0];
	v3 =	vsub.f32 $1.000000000e+00, v3;
	_ =	sdelay $0x1  }
0x3a6: {  	v3 =	vmul.f32 v3, v2;
	_ =	sdelay $0x1  }
0x3a7: {  	s8 =	sld [smem:$0x7F6];
	v2 =	vsub.f32 v2, v3  }
0x3a8: {  	s6 =	sadd.s32 $0x1, s6;
	[tilespmem:s9+$0xF4B0] =	vst v3;
	v3 =	vadd.f32 v3, v63  }
0x3a9: {  	p1 =	sne.s32 s6, $0xA;
	[tilespmem:s9+$0x7A30] =	vst v2  }
0x3aa: {  	s7 =	sadd.s32 @!p0 s8, s7;
	s8 =	simm.s32 @!p0 $0x0;
	[tilespmem:s9+$0x92B0] =	vst v3;
	s9 =	simm.s32 @!p0 $0xF4B0  }
0x3ab: {  	[hbm4b:s7+s8] =	stream.linear.scatter @!p0 [tilespmem:s9], [sflag:$0x8], $0x1870, $0x38;
	[tilespmem:$0x1B730] =	vst v63  }
.Ltmp6:
0x3ac: {  	_ = 	snop;
	(pc) =	sbr.rel @p1 .LBB2_8-.Ltmp6, $4  }
0x3ad: {  	s7 =	simm.s32 @!p0 $0x8  }
0x3ae: {  	_ =	swait.ge @!p0 [sflag:s7], $0x1870  }
0x3af: {  	[sflag:s7] =	ssyncset.done @!p0 $0x0  }
0x3b0: {  	s11 =	smov.u32 s12;
	[sflag:s7] =	ssyncadd.s32 @!p0 $0xFFFFE790  }
0x3b1: {  	s10 =	sld [smem:$0x7E2]  }
0x3b2: {  	s4 =	sld [smem:$0x7F9];
	_ =	sdelay $0x1  }
0x3b3: {  	s10 =	sadd.s32 $0x1, s10  }
0x3b4: {  	p1 =	sne.s32 s10, s4  }
.Ltmp7:
0x3b5: {  	_ = 	snop;
	(pc) =	sbr.rel @p1 .LBB2_1-.Ltmp7, $2  }
0x3b6: {  	_ =	sdelay $0x2  }
0x3b7: {  	s8 =	simm.s32 $0x8  }
0x3b8: {  	_ =	sfence.sel $0x180000  }
0x3b9: {  	[bflag:$0x0] =	sbarrier.arrive $0xFFFF  }
0x3ba: {  	_ =	strace $0x90000047  }
0x3bb: {  	s0 =	stileid.u32;
	[bflag:$0x2] =	sbarrier.arrive $0xFFFF  }
0x3bc: {  	p0 =	sne.s32 s0, $0x0;
	s0 =	rddreg [dreg:$0x5]  }
0x3bd: {  	s0 =	sadd.s32 @!p0 $0x100000, s0  }
0x3be: {  	[sflag:s0] =	ssyncadd.tile.s32 @!p0 $0x1;
	_ =	shalt  }
.Lfunc_end2:
_tile_overlayer_lowered:
.L_overlay_start_2:
0x3bf: {  	(tag) =	ssettag $0x2  }
0x3c0: {  	s0 =	rddreg [dreg:$0x0];
	s2 =	stileid.u32  }
0x3c1: {  	s1 =	rddreg [dreg:$0x1];
	p0 =	sne.s32 s2, $0x0  }
0x3c2: {  	s3 =	rddreg [dreg:$0x2];
	[bflag:$0x3] =	sbarrier.arrive $0xFFFF;
	s2 =	simm.s32 @!p0 $0x1C08  }
0x3c3: {  	[timem:s3], [sflag:s2] =	dma.local @!p0 [hbm:s0], s1  }
0x3c4: {  	s0 =	simm.s32 @!p0 $0x8  }
0x3c5: {  	_ =	swait.ge @!p0 [sflag:s0], s1  }
0x3c6: {  	s1 =	ssub.s32 @!p0 $0x0, s1;
	[sflag:s0] =	ssyncset.done @!p0 $0x0  }
0x3c7: {  	[sflag:s0] =	ssyncadd.s32 @!p0 s1  }
0x3c8: {  	[bflag:$0x3] =	sbarrier.arrive $0xFFFF  }
0x3c9: {  	_ =	shalt  }

</sc_bundles>
